<compile_context>
chip_gen: v7x
topology: tpu7x:2x2x1
jax: 0.10.2.dev20260603
libtpu: 0.0.44.dev20260713+nightly
codegen_flags: <defaults>
</compile_context>

<pallas_src>
import functools

import jax
import jax.numpy as jnp
from jax import lax
from jax.experimental import pallas as pl
from jax.experimental.pallas import tpu as pltpu
from jax.experimental.pallas import tpu_sc as plsc

VOCAB = 100000
EMBED = 128
PADC = 16
NC, NS = 2, 16
NW = NC * NS
VB = 8192
PACK = 8
NBUF = 8
SEQP = 208


def _proj_body(emb_ref, w_ref, out_ref):
    h = jnp.dot(emb_ref[:, 0, :], w_ref[0],
                preferred_element_type=jnp.float32)
    for k in range(1, PACK):
        h = h + jnp.dot(emb_ref[:, k, :], w_ref[k],
                        preferred_element_type=jnp.float32)
    u = lax.bitcast_convert_type(h, jnp.int32) + 32768
    lo = lax.shift_right_logical(u, 16)
    hi = u & jnp.int32(-65536)
    w = lo | pltpu.roll(hi, EMBED - 1, 1)
    out_ref[...] = w.reshape(out_ref.shape)


def _project(emb3, w_big3):
    rows = VOCAB // PACK
    rb = VB // PACK
    return pl.pallas_call(
        _proj_body,
        grid=((rows + rb - 1) // rb,),
        in_specs=[
            pl.BlockSpec((rb, PACK, EMBED), lambda i: (i, 0, 0)),
            pl.BlockSpec((PACK, EMBED, EMBED), lambda i: (0, 0, 0)),
        ],
        out_specs=pl.BlockSpec((rb * EMBED,), lambda i: (i,)),
        out_shape=jax.ShapeDtypeStruct((rows * EMBED,), jnp.int32),
    )(emb3, w_big3)


def _make_sc_pool(batch, seq, cls):
    bpw = batch // NW
    s_a = 96
    s_b = seq - s_a
    ngrp = SEQP // 16
    mesh = plsc.VectorSubcoreMesh(core_axis_name="c", subcore_axis_name="s")

    @functools.partial(
        pl.kernel,
        out_type=jax.ShapeDtypeStruct((batch * PADC,), jnp.float32),
        mesh=mesh,
        compiler_params=pltpu.CompilerParams(use_tc_tiling_on_sc=False),
        scratch_types=(
            [pltpu.VMEM((bpw * seq,), jnp.int32)]
            + [pltpu.VMEM((SEQP,), jnp.int32) for _ in range(NBUF)]
            + [pltpu.VMEM((bpw * PADC,), jnp.float32)]
            + [pltpu.SemaphoreType.DMA for _ in range(NBUF)]
        ),
    )
    def sc_pool(ptp, x_hbm, out_hbm, idx_v, *rest):
        bufs = rest[:NBUF]
        probs_v = rest[NBUF]
        sems = rest[NBUF + 1:]

        cid = lax.axis_index("c")
        sid = lax.axis_index("s")
        wid = sid * NC + cid
        base = wid * bpw

        pltpu.sync_copy(x_hbm.at[pl.ds(base * seq, bpw * seq)], idx_v)

        def fire(b, buf, sem):
            off = b * seq
            pltpu.async_copy(ptp.at[idx_v.at[pl.ds(off, s_a)]],
                             buf.at[pl.ds(0, s_a)], sem)
            pltpu.async_copy(ptp.at[idx_v.at[pl.ds(off + s_a, s_b)]],
                             buf.at[pl.ds(s_a, s_b)], sem)

        def wait_buf(buf, sem):
            pltpu.make_async_copy(ptp.at[pl.ds(0, seq)],
                                  buf.at[pl.ds(0, seq)], sem).wait()

        lane = lax.broadcasted_iota(jnp.int32, (PADC,), 0)
        zero_f = jnp.zeros((PADC,), jnp.float32)
        zero_i = jnp.zeros((PADC,), jnp.int32)
        mask_hi = jnp.full((PADC,), -65536, jnp.int32)

        def vperm(v, p):
            return lax.gather(
                v, p[:, None],
                dimension_numbers=lax.GatherDimensionNumbers(
                    offset_dims=(), collapsed_slice_dims=(0,),
                    start_index_map=(0,)),
                slice_sizes=(1,),
                mode=lax.GatherScatterMode.PROMISE_IN_BOUNDS)

        def lanesum(v):
            for k in (1, 2, 4, 8):
                v = v + vperm(v, lane ^ k)
            return v

        def consume(buf, b):
            a0 = [zero_f] * 2
            a1 = [zero_f] * 2
            for g in range(ngrp):
                v = buf[pl.ds(g * 16, 16)]
                c0 = lax.bitcast_convert_type(v << 16, jnp.float32)
                c1 = lax.bitcast_convert_type(v & mask_hi, jnp.float32)
                a0[g % 2] = a0[g % 2] + c0
                a1[g % 2] = a1[g % 2] + c1
            l0 = lanesum(a0[0] + a0[1])
            l1 = lanesum(a1[0] + a1[1])
            logits = jnp.where(lane == 1, l1, l0)
            e = jnp.exp(logits)
            e_swap = vperm(e, lane ^ 1)
            probs_v[pl.ds(b * PADC, PADC)] = e / (e + e_swap)

        for j in range(NBUF):
            bufs[j][pl.ds(SEQP - 16, 16)] = zero_i
            fire(j, bufs[j], sems[j])

        def body(i, _):
            for j in range(NBUF):
                b = i * NBUF + j
                wait_buf(bufs[j], sems[j])
                consume(bufs[j], b)

                @pl.when(b + NBUF < bpw)
                def _():
                    fire(b + NBUF, bufs[j], sems[j])
            return 0

        lax.fori_loop(0, bpw // NBUF, body, 0)
        pltpu.sync_copy(probs_v, out_hbm.at[pl.ds(base * PADC, bpw * PADC)])

    return sc_pool


def kernel(x, emb_table, W_out):
    batch, seq = x.shape
    cls = W_out.shape[0]
    w2p = jnp.zeros((EMBED, PADC), jnp.float32)
    w2p = w2p.at[:, :cls].set(W_out.T / seq)
    w_big3 = jnp.einsum('ke,dc->kdec', jnp.eye(PACK, dtype=jnp.float32),
                        w2p).reshape(PACK, EMBED, EMBED)
    emb3 = emb_table.reshape(VOCAB // PACK, PACK, EMBED)
    ptp = _project(emb3, w_big3)
    xf = (x.reshape(-1) * PADC).astype(jnp.int32)
    probs_flat = _make_sc_pool(batch, seq, cls)(ptp, xf)
    return probs_flat.reshape(batch, PADC)[:, :cls]

# --- scband reference (transcript-rebuilt; emitter-appended) ---
"""Pipeline reference for scband-sentiment-clf-2035814499043 (READ-ONLY COPY).

The authoritative reference and input builder live on the scoring server;
editing this copy changes nothing except your own understanding.
"""

import jax, jax.numpy as jnp
import numpy as np

VOCAB = 100000
EMBED_DIM = 128
CLS = 2
BATCH = 4096
SEQ = 200


def setup_inputs(seed: int = 0) -> dict:
    key = jax.random.key(seed)
    k_x, k_emb, k_w = jax.random.split(key, 3)
    x = jax.random.randint(k_x, (BATCH, SEQ), 0, VOCAB, dtype=jnp.int64)
    # nn.Embedding default init: N(0, 1)
    emb_table = jax.random.normal(k_emb, (VOCAB, EMBED_DIM), dtype=jnp.float32)
    # nn.Linear(embed_dim, output_dim, bias=False) weight: [out, in], kaiming-uniform-ish
    bound = 1.0 / np.sqrt(EMBED_DIM)
    W_out = jax.random.uniform(k_w, (CLS, EMBED_DIM), dtype=jnp.float32, minval=-bound, maxval=bound)
    return {"x": x, "emb_table": emb_table, "W_out": W_out}


def reference(x, emb_table, W_out):
    # embedding lookup (gather)
    h = jnp.take(emb_table, x, axis=0)            # [B, S, D]
    # avg pool over sequence dim
    pooled = jnp.mean(h, axis=1)                   # [B, D]
    # linear, no bias: x @ W.T
    logits = pooled @ W_out.T                      # [B, CLS]
    probs = jax.nn.softmax(logits, axis=1)
    return probs

if __name__ == "__main__":
    import jax
    _d = setup_inputs()
    print(jax.jit(kernel)(*tuple(_d.values())))

</pallas_src>

<mosaic_0001>
#map = affine_map<(d0, d1) -> (0)>
module attributes {stable_mosaic.version = 14 : i64} {
  func.func @sc_pool(%arg0: i32, %arg1: i32, %arg2: memref<1600000xi32, #tpu.memory_space<hbm>>, %arg3: memref<819200xi32, #tpu.memory_space<hbm>>, %arg4: memref<65536xf32, #tpu.memory_space<hbm>>, %arg5: memref<25600xi32, #tpu.memory_space<vmem>>, %arg6: memref<208xi32, #tpu.memory_space<vmem>>, %arg7: memref<208xi32, #tpu.memory_space<vmem>>, %arg8: memref<208xi32, #tpu.memory_space<vmem>>, %arg9: memref<208xi32, #tpu.memory_space<vmem>>, %arg10: memref<208xi32, #tpu.memory_space<vmem>>, %arg11: memref<208xi32, #tpu.memory_space<vmem>>, %arg12: memref<208xi32, #tpu.memory_space<vmem>>, %arg13: memref<208xi32, #tpu.memory_space<vmem>>, %arg14: memref<2048xf32, #tpu.memory_space<vmem>>, %arg15: memref<!tpu.dma_semaphore, #tpu.memory_space<semaphore_mem>>, %arg16: memref<!tpu.dma_semaphore, #tpu.memory_space<semaphore_mem>>, %arg17: memref<!tpu.dma_semaphore, #tpu.memory_space<semaphore_mem>>, %arg18: memref<!tpu.dma_semaphore, #tpu.memory_space<semaphore_mem>>, %arg19: memref<!tpu.dma_semaphore, #tpu.memory_space<semaphore_mem>>, %arg20: memref<!tpu.dma_semaphore, #tpu.memory_space<semaphore_mem>>, %arg21: memref<!tpu.dma_semaphore, #tpu.memory_space<semaphore_mem>>, %arg22: memref<!tpu.dma_semaphore, #tpu.memory_space<semaphore_mem>>) attributes {dimension_semantics = [#tpu.dimension_semantics<core_parallel>, #tpu.dimension_semantics<subcore_parallel>], iteration_bounds = array<i64: 2, 16>, scalar_prefetch = 0 : i64, scratch_operands = 18 : i64, tpu.core_type = #tpu.core_type<sc_vector_subcore>, window_params = [{transform_indices = #map}, {transform_indices = #map}, {transform_indices = #map}]} {
    %mul3A = arith.constant 2 : i32
    %mul3A_0 = arith.muli %arg1, %mul3A : i32
    %add3A = arith.addi %mul3A_0, %arg0 : i32
    %mul3A_1 = arith.constant 128 : i32
    %mul3A_2 = arith.muli %add3A, %mul3A_1 : i32
    %mul3A_3 = arith.constant 200 : i32
    %mul3A_4 = arith.muli %mul3A_2, %mul3A_3 : i32
    "tpu.region"() ({
      %run_scoped3A = tpu.sem_alloc : memref<!tpu.dma_semaphore, #tpu.memory_space<semaphore_mem>>
      %dma_start3A_144 = tpu.memref_slice %arg3[%mul3A_4] : memref<819200xi32, #tpu.memory_space<hbm>> -> memref<25600xi32, #tpu.memory_space<hbm>>
      %dma_start3A_145 = tpu.memref_slice %arg3[%mul3A_4] : memref<819200xi32, #tpu.memory_space<hbm>> -> memref<25600xi32, #tpu.memory_space<hbm>>
      tpu.enqueue_dma source(%dma_start3A_145 : memref<25600xi32, #tpu.memory_space<hbm>>) target(%arg5 : memref<25600xi32, #tpu.memory_space<vmem>>) target_semaphore(%run_scoped3A : memref<!tpu.dma_semaphore, #tpu.memory_space<semaphore_mem>>)
      %dma_wait3A = tpu.memref_slice %arg3[%mul3A_4] : memref<819200xi32, #tpu.memory_space<hbm>> -> memref<25600xi32, #tpu.memory_space<hbm>>
      %dma_wait3A_146 = tpu.memref_slice %arg3[%mul3A_4] : memref<819200xi32, #tpu.memory_space<hbm>> -> memref<25600xi32, #tpu.memory_space<hbm>>
      tpu.wait_dma2 semaphore(%run_scoped3A : memref<!tpu.dma_semaphore, #tpu.memory_space<semaphore_mem>>) src(%dma_wait3A_146 : memref<25600xi32, #tpu.memory_space<hbm>>) dst(%arg5 : memref<25600xi32, #tpu.memory_space<vmem>>)
      tpu.yield
    }) : () -> ()
    %iota3A = tpu.iota {dimensions = array<i32: 0>} : vector<16xi32>
    %broadcast_in_dim3A = arith.constant 0.000000e+00 : f32
    %broadcast_in_dim3A_5 = vector.broadcast %broadcast_in_dim3A : f32 to vector<16xf32>
    %broadcast_in_dim3A_6 = arith.constant 0 : i32
    %broadcast_in_dim3A_7 = vector.broadcast %broadcast_in_dim3A_6 : i32 to vector<16xi32>
    %broadcast_in_dim3A_8 = arith.constant -65536 : i32
    %broadcast_in_dim3A_9 = vector.broadcast %broadcast_in_dim3A_8 : i32 to vector<16xi32>
    %swap3A = arith.constant 192 : index
    %swap3A_10 = tpu.vector_load %arg6[%swap3A] {strides = array<i32>} : memref<208xi32, #tpu.memory_space<vmem>>, vector<16xi32>,
    %swap3A_11 = vector.shape_cast %swap3A_10 : vector<16xi32> to vector<16xi32>
    %swap3A_12 = vector.shape_cast %broadcast_in_dim3A_7 : vector<16xi32> to vector<16xi32>
    tpu.vector_store %arg6[%swap3A], %swap3A_12 {strides = array<i32>} : memref<208xi32, #tpu.memory_space<vmem>>, vector<16xi32>,
    %dma_start3A = arith.constant 0 : i32
    %dma_start3A_13 = tpu.memref_slice %arg6[%dma_start3A] : memref<208xi32, #tpu.memory_space<vmem>> -> memref<96xi32, #tpu.memory_space<vmem>>
    %dma_start3A_14 = arith.constant 0 : i32
    %dma_start3A_15 = tpu.memref_slice %arg5[%dma_start3A_14] : memref<25600xi32, #tpu.memory_space<vmem>> -> memref<96xi32, #tpu.memory_space<vmem>>
    %dma_start3A_16 = arith.constant 0 : i32
    %dma_start3A_17 = tpu.memref_slice %arg2[%dma_start3A_16] : memref<1600000xi32, #tpu.memory_space<hbm>> -> memref<1600000xi32, #tpu.memory_space<hbm>>
    tpu.enqueue_indirect_dma source(%dma_start3A_17 : memref<1600000xi32, #tpu.memory_space<hbm>>) target(%dma_start3A_13 : memref<96xi32, #tpu.memory_space<vmem>>) offsets(%dma_start3A_15 : memref<96xi32, #tpu.memory_space<vmem>>) semaphore(%arg15 : memref<!tpu.dma_semaphore, #tpu.memory_space<semaphore_mem>>)
    %dma_start3A_18 = arith.constant 96 : i32
    %dma_start3A_19 = tpu.memref_slice %arg6[%dma_start3A_18] : memref<208xi32, #tpu.memory_space<vmem>> -> memref<104xi32, #tpu.memory_space<vmem>>
    %dma_start3A_20 = arith.constant 96 : i32
    %dma_start3A_21 = tpu.memref_slice %arg5[%dma_start3A_20] : memref<25600xi32, #tpu.memory_space<vmem>> -> memref<104xi32, #tpu.memory_space<vmem>>
    %dma_start3A_22 = arith.constant 0 : i32
    %dma_start3A_23 = tpu.memref_slice %arg2[%dma_start3A_22] : memref<1600000xi32, #tpu.memory_space<hbm>> -> memref<1600000xi32, #tpu.memory_space<hbm>>
    tpu.enqueue_indirect_dma source(%dma_start3A_23 : memref<1600000xi32, #tpu.memory_space<hbm>>) target(%dma_start3A_19 : memref<104xi32, #tpu.memory_space<vmem>>) offsets(%dma_start3A_21 : memref<104xi32, #tpu.memory_space<vmem>>) semaphore(%arg15 : memref<!tpu.dma_semaphore, #tpu.memory_space<semaphore_mem>>)
    %swap3A_24 = arith.constant 192 : index
    %swap3A_25 = tpu.vector_load %arg7[%swap3A_24] {strides = array<i32>} : memref<208xi32, #tpu.memory_space<vmem>>, vector<16xi32>,
    %swap3A_26 = vector.shape_cast %swap3A_25 : vector<16xi32> to vector<16xi32>
    %swap3A_27 = vector.shape_cast %broadcast_in_dim3A_7 : vector<16xi32> to vector<16xi32>
    tpu.vector_store %arg7[%swap3A_24], %swap3A_27 {strides = array<i32>} : memref<208xi32, #tpu.memory_space<vmem>>, vector<16xi32>,
    %dma_start3A_28 = arith.constant 0 : i32
    %dma_start3A_29 = tpu.memref_slice %arg7[%dma_start3A_28] : memref<208xi32, #tpu.memory_space<vmem>> -> memref<96xi32, #tpu.memory_space<vmem>>
    %dma_start3A_30 = arith.constant 200 : i32
    %dma_start3A_31 = tpu.memref_slice %arg5[%dma_start3A_30] : memref<25600xi32, #tpu.memory_space<vmem>> -> memref<96xi32, #tpu.memory_space<vmem>>
    %dma_start3A_32 = arith.constant 0 : i32
    %dma_start3A_33 = tpu.memref_slice %arg2[%dma_start3A_32] : memref<1600000xi32, #tpu.memory_space<hbm>> -> memref<1600000xi32, #tpu.memory_space<hbm>>
    tpu.enqueue_indirect_dma source(%dma_start3A_33 : memref<1600000xi32, #tpu.memory_space<hbm>>) target(%dma_start3A_29 : memref<96xi32, #tpu.memory_space<vmem>>) offsets(%dma_start3A_31 : memref<96xi32, #tpu.memory_space<vmem>>) semaphore(%arg16 : memref<!tpu.dma_semaphore, #tpu.memory_space<semaphore_mem>>)
    %dma_start3A_34 = arith.constant 96 : i32
    %dma_start3A_35 = tpu.memref_slice %arg7[%dma_start3A_34] : memref<208xi32, #tpu.memory_space<vmem>> -> memref<104xi32, #tpu.memory_space<vmem>>
    %dma_start3A_36 = arith.constant 296 : i32
    %dma_start3A_37 = tpu.memref_slice %arg5[%dma_start3A_36] : memref<25600xi32, #tpu.memory_space<vmem>> -> memref<104xi32, #tpu.memory_space<vmem>>
    %dma_start3A_38 = arith.constant 0 : i32
    %dma_start3A_39 = tpu.memref_slice %arg2[%dma_start3A_38] : memref<1600000xi32, #tpu.memory_space<hbm>> -> memref<1600000xi32, #tpu.memory_space<hbm>>
    tpu.enqueue_indirect_dma source(%dma_start3A_39 : memref<1600000xi32, #tpu.memory_space<hbm>>) target(%dma_start3A_35 : memref<104xi32, #tpu.memory_space<vmem>>) offsets(%dma_start3A_37 : memref<104xi32, #tpu.memory_space<vmem>>) semaphore(%arg16 : memref<!tpu.dma_semaphore, #tpu.memory_space<semaphore_mem>>)
    %swap3A_40 = arith.constant 192 : index
    %swap3A_41 = tpu.vector_load %arg8[%swap3A_40] {strides = array<i32>} : memref<208xi32, #tpu.memory_space<vmem>>, vector<16xi32>,
    %swap3A_42 = vector.shape_cast %swap3A_41 : vector<16xi32> to vector<16xi32>
    %swap3A_43 = vector.shape_cast %broadcast_in_dim3A_7 : vector<16xi32> to vector<16xi32>
    tpu.vector_store %arg8[%swap3A_40], %swap3A_43 {strides = array<i32>} : memref<208xi32, #tpu.memory_space<vmem>>, vector<16xi32>,
    %dma_start3A_44 = arith.constant 0 : i32
    %dma_start3A_45 = tpu.memref_slice %arg8[%dma_start3A_44] : memref<208xi32, #tpu.memory_space<vmem>> -> memref<96xi32, #tpu.memory_space<vmem>>
    %dma_start3A_46 = arith.constant 400 : i32
    %dma_start3A_47 = tpu.memref_slice %arg5[%dma_start3A_46] : memref<25600xi32, #tpu.memory_space<vmem>> -> memref<96xi32, #tpu.memory_space<vmem>>
    %dma_start3A_48 = arith.constant 0 : i32
    %dma_start3A_49 = tpu.memref_slice %arg2[%dma_start3A_48] : memref<1600000xi32, #tpu.memory_space<hbm>> -> memref<1600000xi32, #tpu.memory_space<hbm>>
    tpu.enqueue_indirect_dma source(%dma_start3A_49 : memref<1600000xi32, #tpu.memory_space<hbm>>) target(%dma_start3A_45 : memref<96xi32, #tpu.memory_space<vmem>>) offsets(%dma_start3A_47 : memref<96xi32, #tpu.memory_space<vmem>>) semaphore(%arg17 : memref<!tpu.dma_semaphore, #tpu.memory_space<semaphore_mem>>)
    %dma_start3A_50 = arith.constant 96 : i32
    %dma_start3A_51 = tpu.memref_slice %arg8[%dma_start3A_50] : memref<208xi32, #tpu.memory_space<vmem>> -> memref<104xi32, #tpu.memory_space<vmem>>
    %dma_start3A_52 = arith.constant 496 : i32
    %dma_start3A_53 = tpu.memref_slice %arg5[%dma_start3A_52] : memref<25600xi32, #tpu.memory_space<vmem>> -> memref<104xi32, #tpu.memory_space<vmem>>
    %dma_start3A_54 = arith.constant 0 : i32
    %dma_start3A_55 = tpu.memref_slice %arg2[%dma_start3A_54] : memref<1600000xi32, #tpu.memory_space<hbm>> -> memref<1600000xi32, #tpu.memory_space<hbm>>
    tpu.enqueue_indirect_dma source(%dma_start3A_55 : memref<1600000xi32, #tpu.memory_space<hbm>>) target(%dma_start3A_51 : memref<104xi32, #tpu.memory_space<vmem>>) offsets(%dma_start3A_53 : memref<104xi32, #tpu.memory_space<vmem>>) semaphore(%arg17 : memref<!tpu.dma_semaphore, #tpu.memory_space<semaphore_mem>>)
    %swap3A_56 = arith.constant 192 : index
    %swap3A_57 = tpu.vector_load %arg9[%swap3A_56] {strides = array<i32>} : memref<208xi32, #tpu.memory_space<vmem>>, vector<16xi32>,
    %swap3A_58 = vector.shape_cast %swap3A_57 : vector<16xi32> to vector<16xi32>
    %swap3A_59 = vector.shape_cast %broadcast_in_dim3A_7 : vector<16xi32> to vector<16xi32>
    tpu.vector_store %arg9[%swap3A_56], %swap3A_59 {strides = array<i32>} : memref<208xi32, #tpu.memory_space<vmem>>, vector<16xi32>,
    %dma_start3A_60 = arith.constant 0 : i32
    %dma_start3A_61 = tpu.memref_slice %arg9[%dma_start3A_60] : memref<208xi32, #tpu.memory_space<vmem>> -> memref<96xi32, #tpu.memory_space<vmem>>
    %dma_start3A_62 = arith.constant 600 : i32
    %dma_start3A_63 = tpu.memref_slice %arg5[%dma_start3A_62] : memref<25600xi32, #tpu.memory_space<vmem>> -> memref<96xi32, #tpu.memory_space<vmem>>
    %dma_start3A_64 = arith.constant 0 : i32
    %dma_start3A_65 = tpu.memref_slice %arg2[%dma_start3A_64] : memref<1600000xi32, #tpu.memory_space<hbm>> -> memref<1600000xi32, #tpu.memory_space<hbm>>
    tpu.enqueue_indirect_dma source(%dma_start3A_65 : memref<1600000xi32, #tpu.memory_space<hbm>>) target(%dma_start3A_61 : memref<96xi32, #tpu.memory_space<vmem>>) offsets(%dma_start3A_63 : memref<96xi32, #tpu.memory_space<vmem>>) semaphore(%arg18 : memref<!tpu.dma_semaphore, #tpu.memory_space<semaphore_mem>>)
    %dma_start3A_66 = arith.constant 96 : i32
    %dma_start3A_67 = tpu.memref_slice %arg9[%dma_start3A_66] : memref<208xi32, #tpu.memory_space<vmem>> -> memref<104xi32, #tpu.memory_space<vmem>>
    %dma_start3A_68 = arith.constant 696 : i32
    %dma_start3A_69 = tpu.memref_slice %arg5[%dma_start3A_68] : memref<25600xi32, #tpu.memory_space<vmem>> -> memref<104xi32, #tpu.memory_space<vmem>>
    %dma_start3A_70 = arith.constant 0 : i32
    %dma_start3A_71 = tpu.memref_slice %arg2[%dma_start3A_70] : memref<1600000xi32, #tpu.memory_space<hbm>> -> memref<1600000xi32, #tpu.memory_space<hbm>>
    tpu.enqueue_indirect_dma source(%dma_start3A_71 : memref<1600000xi32, #tpu.memory_space<hbm>>) target(%dma_start3A_67 : memref<104xi32, #tpu.memory_space<vmem>>) offsets(%dma_start3A_69 : memref<104xi32, #tpu.memory_space<vmem>>) semaphore(%arg18 : memref<!tpu.dma_semaphore, #tpu.memory_space<semaphore_mem>>)
    %swap3A_72 = arith.constant 192 : index
    %swap3A_73 = tpu.vector_load %arg10[%swap3A_72] {strides = array<i32>} : memref<208xi32, #tpu.memory_space<vmem>>, vector<16xi32>,
    %swap3A_74 = vector.shape_cast %swap3A_73 : vector<16xi32> to vector<16xi32>
    %swap3A_75 = vector.shape_cast %broadcast_in_dim3A_7 : vector<16xi32> to vector<16xi32>
    tpu.vector_store %arg10[%swap3A_72], %swap3A_75 {strides = array<i32>} : memref<208xi32, #tpu.memory_space<vmem>>, vector<16xi32>,
    %dma_start3A_76 = arith.constant 0 : i32
    %dma_start3A_77 = tpu.memref_slice %arg10[%dma_start3A_76] : memref<208xi32, #tpu.memory_space<vmem>> -> memref<96xi32, #tpu.memory_space<vmem>>
    %dma_start3A_78 = arith.constant 800 : i32
    %dma_start3A_79 = tpu.memref_slice %arg5[%dma_start3A_78] : memref<25600xi32, #tpu.memory_space<vmem>> -> memref<96xi32, #tpu.memory_space<vmem>>
    %dma_start3A_80 = arith.constant 0 : i32
    %dma_start3A_81 = tpu.memref_slice %arg2[%dma_start3A_80] : memref<1600000xi32, #tpu.memory_space<hbm>> -> memref<1600000xi32, #tpu.memory_space<hbm>>
    tpu.enqueue_indirect_dma source(%dma_start3A_81 : memref<1600000xi32, #tpu.memory_space<hbm>>) target(%dma_start3A_77 : memref<96xi32, #tpu.memory_space<vmem>>) offsets(%dma_start3A_79 : memref<96xi32, #tpu.memory_space<vmem>>) semaphore(%arg19 : memref<!tpu.dma_semaphore, #tpu.memory_space<semaphore_mem>>)
    %dma_start3A_82 = arith.constant 96 : i32
    %dma_start3A_83 = tpu.memref_slice %arg10[%dma_start3A_82] : memref<208xi32, #tpu.memory_space<vmem>> -> memref<104xi32, #tpu.memory_space<vmem>>
    %dma_start3A_84 = arith.constant 896 : i32
    %dma_start3A_85 = tpu.memref_slice %arg5[%dma_start3A_84] : memref<25600xi32, #tpu.memory_space<vmem>> -> memref<104xi32, #tpu.memory_space<vmem>>
    %dma_start3A_86 = arith.constant 0 : i32
    %dma_start3A_87 = tpu.memref_slice %arg2[%dma_start3A_86] : memref<1600000xi32, #tpu.memory_space<hbm>> -> memref<1600000xi32, #tpu.memory_space<hbm>>
    tpu.enqueue_indirect_dma source(%dma_start3A_87 : memref<1600000xi32, #tpu.memory_space<hbm>>) target(%dma_start3A_83 : memref<104xi32, #tpu.memory_space<vmem>>) offsets(%dma_start3A_85 : memref<104xi32, #tpu.memory_space<vmem>>) semaphore(%arg19 : memref<!tpu.dma_semaphore, #tpu.memory_space<semaphore_mem>>)
    %swap3A_88 = arith.constant 192 : index
    %swap3A_89 = tpu.vector_load %arg11[%swap3A_88] {strides = array<i32>} : memref<208xi32, #tpu.memory_space<vmem>>, vector<16xi32>,
    %swap3A_90 = vector.shape_cast %swap3A_89 : vector<16xi32> to vector<16xi32>
    %swap3A_91 = vector.shape_cast %broadcast_in_dim3A_7 : vector<16xi32> to vector<16xi32>
    tpu.vector_store %arg11[%swap3A_88], %swap3A_91 {strides = array<i32>} : memref<208xi32, #tpu.memory_space<vmem>>, vector<16xi32>,
    %dma_start3A_92 = arith.constant 0 : i32
    %dma_start3A_93 = tpu.memref_slice %arg11[%dma_start3A_92] : memref<208xi32, #tpu.memory_space<vmem>> -> memref<96xi32, #tpu.memory_space<vmem>>
    %dma_start3A_94 = arith.constant 1000 : i32
    %dma_start3A_95 = tpu.memref_slice %arg5[%dma_start3A_94] : memref<25600xi32, #tpu.memory_space<vmem>> -> memref<96xi32, #tpu.memory_space<vmem>>
    %dma_start3A_96 = arith.constant 0 : i32
    %dma_start3A_97 = tpu.memref_slice %arg2[%dma_start3A_96] : memref<1600000xi32, #tpu.memory_space<hbm>> -> memref<1600000xi32, #tpu.memory_space<hbm>>
    tpu.enqueue_indirect_dma source(%dma_start3A_97 : memref<1600000xi32, #tpu.memory_space<hbm>>) target(%dma_start3A_93 : memref<96xi32, #tpu.memory_space<vmem>>) offsets(%dma_start3A_95 : memref<96xi32, #tpu.memory_space<vmem>>) semaphore(%arg20 : memref<!tpu.dma_semaphore, #tpu.memory_space<semaphore_mem>>)
    %dma_start3A_98 = arith.constant 96 : i32
    %dma_start3A_99 = tpu.memref_slice %arg11[%dma_start3A_98] : memref<208xi32, #tpu.memory_space<vmem>> -> memref<104xi32, #tpu.memory_space<vmem>>
    %dma_start3A_100 = arith.constant 1096 : i32
    %dma_start3A_101 = tpu.memref_slice %arg5[%dma_start3A_100] : memref<25600xi32, #tpu.memory_space<vmem>> -> memref<104xi32, #tpu.memory_space<vmem>>
    %dma_start3A_102 = arith.constant 0 : i32
    %dma_start3A_103 = tpu.memref_slice %arg2[%dma_start3A_102] : memref<1600000xi32, #tpu.memory_space<hbm>> -> memref<1600000xi32, #tpu.memory_space<hbm>>
    tpu.enqueue_indirect_dma source(%dma_start3A_103 : memref<1600000xi32, #tpu.memory_space<hbm>>) target(%dma_start3A_99 : memref<104xi32, #tpu.memory_space<vmem>>) offsets(%dma_start3A_101 : memref<104xi32, #tpu.memory_space<vmem>>) semaphore(%arg20 : memref<!tpu.dma_semaphore, #tpu.memory_space<semaphore_mem>>)
    %swap3A_104 = arith.constant 192 : index
    %swap3A_105 = tpu.vector_load %arg12[%swap3A_104] {strides = array<i32>} : memref<208xi32, #tpu.memory_space<vmem>>, vector<16xi32>,
    %swap3A_106 = vector.shape_cast %swap3A_105 : vector<16xi32> to vector<16xi32>
    %swap3A_107 = vector.shape_cast %broadcast_in_dim3A_7 : vector<16xi32> to vector<16xi32>
    tpu.vector_store %arg12[%swap3A_104], %swap3A_107 {strides = array<i32>} : memref<208xi32, #tpu.memory_space<vmem>>, vector<16xi32>,
    %dma_start3A_108 = arith.constant 0 : i32
    %dma_start3A_109 = tpu.memref_slice %arg12[%dma_start3A_108] : memref<208xi32, #tpu.memory_space<vmem>> -> memref<96xi32, #tpu.memory_space<vmem>>
    %dma_start3A_110 = arith.constant 1200 : i32
    %dma_start3A_111 = tpu.memref_slice %arg5[%dma_start3A_110] : memref<25600xi32, #tpu.memory_space<vmem>> -> memref<96xi32, #tpu.memory_space<vmem>>
    %dma_start3A_112 = arith.constant 0 : i32
    %dma_start3A_113 = tpu.memref_slice %arg2[%dma_start3A_112] : memref<1600000xi32, #tpu.memory_space<hbm>> -> memref<1600000xi32, #tpu.memory_space<hbm>>
    tpu.enqueue_indirect_dma source(%dma_start3A_113 : memref<1600000xi32, #tpu.memory_space<hbm>>) target(%dma_start3A_109 : memref<96xi32, #tpu.memory_space<vmem>>) offsets(%dma_start3A_111 : memref<96xi32, #tpu.memory_space<vmem>>) semaphore(%arg21 : memref<!tpu.dma_semaphore, #tpu.memory_space<semaphore_mem>>)
    %dma_start3A_114 = arith.constant 96 : i32
    %dma_start3A_115 = tpu.memref_slice %arg12[%dma_start3A_114] : memref<208xi32, #tpu.memory_space<vmem>> -> memref<104xi32, #tpu.memory_space<vmem>>
    %dma_start3A_116 = arith.constant 1296 : i32
    %dma_start3A_117 = tpu.memref_slice %arg5[%dma_start3A_116] : memref<25600xi32, #tpu.memory_space<vmem>> -> memref<104xi32, #tpu.memory_space<vmem>>
    %dma_start3A_118 = arith.constant 0 : i32
    %dma_start3A_119 = tpu.memref_slice %arg2[%dma_start3A_118] : memref<1600000xi32, #tpu.memory_space<hbm>> -> memref<1600000xi32, #tpu.memory_space<hbm>>
    tpu.enqueue_indirect_dma source(%dma_start3A_119 : memref<1600000xi32, #tpu.memory_space<hbm>>) target(%dma_start3A_115 : memref<104xi32, #tpu.memory_space<vmem>>) offsets(%dma_start3A_117 : memref<104xi32, #tpu.memory_space<vmem>>) semaphore(%arg21 : memref<!tpu.dma_semaphore, #tpu.memory_space<semaphore_mem>>)
    %swap3A_120 = arith.constant 192 : index
    %swap3A_121 = tpu.vector_load %arg13[%swap3A_120] {strides = array<i32>} : memref<208xi32, #tpu.memory_space<vmem>>, vector<16xi32>,
    %swap3A_122 = vector.shape_cast %swap3A_121 : vector<16xi32> to vector<16xi32>
    %swap3A_123 = vector.shape_cast %broadcast_in_dim3A_7 : vector<16xi32> to vector<16xi32>
    tpu.vector_store %arg13[%swap3A_120], %swap3A_123 {strides = array<i32>} : memref<208xi32, #tpu.memory_space<vmem>>, vector<16xi32>,
    %dma_start3A_124 = arith.constant 0 : i32
    %dma_start3A_125 = tpu.memref_slice %arg13[%dma_start3A_124] : memref<208xi32, #tpu.memory_space<vmem>> -> memref<96xi32, #tpu.memory_space<vmem>>
    %dma_start3A_126 = arith.constant 1400 : i32
    %dma_start3A_127 = tpu.memref_slice %arg5[%dma_start3A_126] : memref<25600xi32, #tpu.memory_space<vmem>> -> memref<96xi32, #tpu.memory_space<vmem>>
    %dma_start3A_128 = arith.constant 0 : i32
    %dma_start3A_129 = tpu.memref_slice %arg2[%dma_start3A_128] : memref<1600000xi32, #tpu.memory_space<hbm>> -> memref<1600000xi32, #tpu.memory_space<hbm>>
    tpu.enqueue_indirect_dma source(%dma_start3A_129 : memref<1600000xi32, #tpu.memory_space<hbm>>) target(%dma_start3A_125 : memref<96xi32, #tpu.memory_space<vmem>>) offsets(%dma_start3A_127 : memref<96xi32, #tpu.memory_space<vmem>>) semaphore(%arg22 : memref<!tpu.dma_semaphore, #tpu.memory_space<semaphore_mem>>)
    %dma_start3A_130 = arith.constant 96 : i32
    %dma_start3A_131 = tpu.memref_slice %arg13[%dma_start3A_130] : memref<208xi32, #tpu.memory_space<vmem>> -> memref<104xi32, #tpu.memory_space<vmem>>
    %dma_start3A_132 = arith.constant 1496 : i32
    %dma_start3A_133 = tpu.memref_slice %arg5[%dma_start3A_132] : memref<25600xi32, #tpu.memory_space<vmem>> -> memref<104xi32, #tpu.memory_space<vmem>>
    %dma_start3A_134 = arith.constant 0 : i32
    %dma_start3A_135 = tpu.memref_slice %arg2[%dma_start3A_134] : memref<1600000xi32, #tpu.memory_space<hbm>> -> memref<1600000xi32, #tpu.memory_space<hbm>>
    tpu.enqueue_indirect_dma source(%dma_start3A_135 : memref<1600000xi32, #tpu.memory_space<hbm>>) target(%dma_start3A_131 : memref<104xi32, #tpu.memory_space<vmem>>) offsets(%dma_start3A_133 : memref<104xi32, #tpu.memory_space<vmem>>) semaphore(%arg22 : memref<!tpu.dma_semaphore, #tpu.memory_space<semaphore_mem>>)
    %scan3A = arith.constant 0 : i32
    %scan3A_136 = arith.constant 0 : i32
    %scan3A_137 = arith.constant 16 : i32
    %scan3A_138 = arith.addi %scan3A_136, %scan3A_137 : i32
    %scan3A_139 = arith.constant 1 : i32
    %scan3A_140 = scf.for %scan3A_144 = %scan3A_136 to %scan3A_138 step %scan3A_139 iter_args(%scan3A_145 = %scan3A) -> (i32)  : i32 {
      %mul3A_146 = arith.constant 8 : i32
      %mul3A_147 = arith.muli %scan3A_144, %mul3A_146 : i32
      %add3A_148 = arith.constant 0 : i32
      %add3A_149 = arith.addi %mul3A_147, %add3A_148 : i32
      %dma_wait3A = arith.constant 0 : i32
      %dma_wait3A_150 = tpu.memref_slice %arg6[%dma_wait3A] : memref<208xi32, #tpu.memory_space<vmem>> -> memref<200xi32, #tpu.memory_space<vmem>>
      %dma_wait3A_151 = arith.constant 0 : i32
      %dma_wait3A_152 = tpu.memref_slice %arg2[%dma_wait3A_151] : memref<1600000xi32, #tpu.memory_space<hbm>> -> memref<200xi32, #tpu.memory_space<hbm>>
      %dma_wait3A_153 = arith.constant 0 : i32
      %dma_wait3A_154 = tpu.memref_slice %arg6[%dma_wait3A_153] : memref<208xi32, #tpu.memory_space<vmem>> -> memref<200xi32, #tpu.memory_space<vmem>>
      %dma_wait3A_155 = arith.constant 0 : i32
      %dma_wait3A_156 = tpu.memref_slice %arg2[%dma_wait3A_155] : memref<1600000xi32, #tpu.memory_space<hbm>> -> memref<200xi32, #tpu.memory_space<hbm>>
      tpu.wait_dma2 semaphore(%arg15 : memref<!tpu.dma_semaphore, #tpu.memory_space<semaphore_mem>>) src(%dma_wait3A_156 : memref<200xi32, #tpu.memory_space<hbm>>) dst(%dma_wait3A_154 : memref<200xi32, #tpu.memory_space<vmem>>)
      %get3A = arith.constant 0 : index
      %get3A_157 = tpu.vector_load %arg6[%get3A] {strides = array<i32>} : memref<208xi32, #tpu.memory_space<vmem>>, vector<16xi32>,
      %get3A_158 = vector.shape_cast %get3A_157 : vector<16xi32> to vector<16xi32>
      %shift_left3A = arith.constant 16 : i32
      %shift_left3A_159 = vector.broadcast %shift_left3A : i32 to vector<16xi32>
      %shift_left3A_160 = arith.shli %get3A_158, %shift_left3A_159 : vector<16xi32>
      %bitcast_convert_type3A = tpu.bitcast %shift_left3A_160 : vector<16xi32> -> vector<16xf32>
      %and3A = arith.andi %get3A_158, %broadcast_in_dim3A_9 : vector<16xi32>
      %bitcast_convert_type3A_161 = tpu.bitcast %and3A : vector<16xi32> -> vector<16xf32>
      %add3A_162 = arith.addf %broadcast_in_dim3A_5, %bitcast_convert_type3A : vector<16xf32>
      %add3A_163 = arith.addf %broadcast_in_dim3A_5, %bitcast_convert_type3A_161 : vector<16xf32>
      %get3A_164 = arith.constant 16 : index
      %get3A_165 = tpu.vector_load %arg6[%get3A_164] {strides = array<i32>} : memref<208xi32, #tpu.memory_space<vmem>>, vector<16xi32>,
      %get3A_166 = vector.shape_cast %get3A_165 : vector<16xi32> to vector<16xi32>
      %shift_left3A_167 = arith.constant 16 : i32
      %shift_left3A_168 = vector.broadcast %shift_left3A_167 : i32 to vector<16xi32>
      %shift_left3A_169 = arith.shli %get3A_166, %shift_left3A_168 : vector<16xi32>
      %bitcast_convert_type3A_170 = tpu.bitcast %shift_left3A_169 : vector<16xi32> -> vector<16xf32>
      %and3A_171 = arith.andi %get3A_166, %broadcast_in_dim3A_9 : vector<16xi32>
      %bitcast_convert_type3A_172 = tpu.bitcast %and3A_171 : vector<16xi32> -> vector<16xf32>
      %add3A_173 = arith.addf %broadcast_in_dim3A_5, %bitcast_convert_type3A_170 : vector<16xf32>
      %add3A_174 = arith.addf %broadcast_in_dim3A_5, %bitcast_convert_type3A_172 : vector<16xf32>
      %get3A_175 = arith.constant 32 : index
      %get3A_176 = tpu.vector_load %arg6[%get3A_175] {strides = array<i32>} : memref<208xi32, #tpu.memory_space<vmem>>, vector<16xi32>,
      %get3A_177 = vector.shape_cast %get3A_176 : vector<16xi32> to vector<16xi32>
      %shift_left3A_178 = arith.constant 16 : i32
      %shift_left3A_179 = vector.broadcast %shift_left3A_178 : i32 to vector<16xi32>
      %shift_left3A_180 = arith.shli %get3A_177, %shift_left3A_179 : vector<16xi32>
      %bitcast_convert_type3A_181 = tpu.bitcast %shift_left3A_180 : vector<16xi32> -> vector<16xf32>
      %and3A_182 = arith.andi %get3A_177, %broadcast_in_dim3A_9 : vector<16xi32>
      %bitcast_convert_type3A_183 = tpu.bitcast %and3A_182 : vector<16xi32> -> vector<16xf32>
      %add3A_184 = arith.addf %add3A_162, %bitcast_convert_type3A_181 : vector<16xf32>
      %add3A_185 = arith.addf %add3A_163, %bitcast_convert_type3A_183 : vector<16xf32>
      %get3A_186 = arith.constant 48 : index
      %get3A_187 = tpu.vector_load %arg6[%get3A_186] {strides = array<i32>} : memref<208xi32, #tpu.memory_space<vmem>>, vector<16xi32>,
      %get3A_188 = vector.shape_cast %get3A_187 : vector<16xi32> to vector<16xi32>
      %shift_left3A_189 = arith.constant 16 : i32
      %shift_left3A_190 = vector.broadcast %shift_left3A_189 : i32 to vector<16xi32>
      %shift_left3A_191 = arith.shli %get3A_188, %shift_left3A_190 : vector<16xi32>
      %bitcast_convert_type3A_192 = tpu.bitcast %shift_left3A_191 : vector<16xi32> -> vector<16xf32>
      %and3A_193 = arith.andi %get3A_188, %broadcast_in_dim3A_9 : vector<16xi32>
      %bitcast_convert_type3A_194 = tpu.bitcast %and3A_193 : vector<16xi32> -> vector<16xf32>
      %add3A_195 = arith.addf %add3A_173, %bitcast_convert_type3A_192 : vector<16xf32>
      %add3A_196 = arith.addf %add3A_174, %bitcast_convert_type3A_194 : vector<16xf32>
      %get3A_197 = arith.constant 64 : index
      %get3A_198 = tpu.vector_load %arg6[%get3A_197] {strides = array<i32>} : memref<208xi32, #tpu.memory_space<vmem>>, vector<16xi32>,
      %get3A_199 = vector.shape_cast %get3A_198 : vector<16xi32> to vector<16xi32>
      %shift_left3A_200 = arith.constant 16 : i32
      %shift_left3A_201 = vector.broadcast %shift_left3A_200 : i32 to vector<16xi32>
      %shift_left3A_202 = arith.shli %get3A_199, %shift_left3A_201 : vector<16xi32>
      %bitcast_convert_type3A_203 = tpu.bitcast %shift_left3A_202 : vector<16xi32> -> vector<16xf32>
      %and3A_204 = arith.andi %get3A_199, %broadcast_in_dim3A_9 : vector<16xi32>
      %bitcast_convert_type3A_205 = tpu.bitcast %and3A_204 : vector<16xi32> -> vector<16xf32>
      %add3A_206 = arith.addf %add3A_184, %bitcast_convert_type3A_203 : vector<16xf32>
      %add3A_207 = arith.addf %add3A_185, %bitcast_convert_type3A_205 : vector<16xf32>
      %get3A_208 = arith.constant 80 : index
      %get3A_209 = tpu.vector_load %arg6[%get3A_208] {strides = array<i32>} : memref<208xi32, #tpu.memory_space<vmem>>, vector<16xi32>,
      %get3A_210 = vector.shape_cast %get3A_209 : vector<16xi32> to vector<16xi32>
      %shift_left3A_211 = arith.constant 16 : i32
      %shift_left3A_212 = vector.broadcast %shift_left3A_211 : i32 to vector<16xi32>
      %shift_left3A_213 = arith.shli %get3A_210, %shift_left3A_212 : vector<16xi32>
      %bitcast_convert_type3A_214 = tpu.bitcast %shift_left3A_213 : vector<16xi32> -> vector<16xf32>
      %and3A_215 = arith.andi %get3A_210, %broadcast_in_dim3A_9 : vector<16xi32>
      %bitcast_convert_type3A_216 = tpu.bitcast %and3A_215 : vector<16xi32> -> vector<16xf32>
      %add3A_217 = arith.addf %add3A_195, %bitcast_convert_type3A_214 : vector<16xf32>
      %add3A_218 = arith.addf %add3A_196, %bitcast_convert_type3A_216 : vector<16xf32>
      %get3A_219 = arith.constant 96 : index
      %get3A_220 = tpu.vector_load %arg6[%get3A_219] {strides = array<i32>} : memref<208xi32, #tpu.memory_space<vmem>>, vector<16xi32>,
      %get3A_221 = vector.shape_cast %get3A_220 : vector<16xi32> to vector<16xi32>
      %shift_left3A_222 = arith.constant 16 : i32
      %shift_left3A_223 = vector.broadcast %shift_left3A_222 : i32 to vector<16xi32>
      %shift_left3A_224 = arith.shli %get3A_221, %shift_left3A_223 : vector<16xi32>
      %bitcast_convert_type3A_225 = tpu.bitcast %shift_left3A_224 : vector<16xi32> -> vector<16xf32>
      %and3A_226 = arith.andi %get3A_221, %broadcast_in_dim3A_9 : vector<16xi32>
      %bitcast_convert_type3A_227 = tpu.bitcast %and3A_226 : vector<16xi32> -> vector<16xf32>
      %add3A_228 = arith.addf %add3A_206, %bitcast_convert_type3A_225 : vector<16xf32>
      %add3A_229 = arith.addf %add3A_207, %bitcast_convert_type3A_227 : vector<16xf32>
      %get3A_230 = arith.constant 112 : index
      %get3A_231 = tpu.vector_load %arg6[%get3A_230] {strides = array<i32>} : memref<208xi32, #tpu.memory_space<vmem>>, vector<16xi32>,
      %get3A_232 = vector.shape_cast %get3A_231 : vector<16xi32> to vector<16xi32>
      %shift_left3A_233 = arith.constant 16 : i32
      %shift_left3A_234 = vector.broadcast %shift_left3A_233 : i32 to vector<16xi32>
      %shift_left3A_235 = arith.shli %get3A_232, %shift_left3A_234 : vector<16xi32>
      %bitcast_convert_type3A_236 = tpu.bitcast %shift_left3A_235 : vector<16xi32> -> vector<16xf32>
      %and3A_237 = arith.andi %get3A_232, %broadcast_in_dim3A_9 : vector<16xi32>
      %bitcast_convert_type3A_238 = tpu.bitcast %and3A_237 : vector<16xi32> -> vector<16xf32>
      %add3A_239 = arith.addf %add3A_217, %bitcast_convert_type3A_236 : vector<16xf32>
      %add3A_240 = arith.addf %add3A_218, %bitcast_convert_type3A_238 : vector<16xf32>
      %get3A_241 = arith.constant 128 : index
      %get3A_242 = tpu.vector_load %arg6[%get3A_241] {strides = array<i32>} : memref<208xi32, #tpu.memory_space<vmem>>, vector<16xi32>,
      %get3A_243 = vector.shape_cast %get3A_242 : vector<16xi32> to vector<16xi32>
      %shift_left3A_244 = arith.constant 16 : i32
      %shift_left3A_245 = vector.broadcast %shift_left3A_244 : i32 to vector<16xi32>
      %shift_left3A_246 = arith.shli %get3A_243, %shift_left3A_245 : vector<16xi32>
      %bitcast_convert_type3A_247 = tpu.bitcast %shift_left3A_246 : vector<16xi32> -> vector<16xf32>
      %and3A_248 = arith.andi %get3A_243, %broadcast_in_dim3A_9 : vector<16xi32>
      %bitcast_convert_type3A_249 = tpu.bitcast %and3A_248 : vector<16xi32> -> vector<16xf32>
      %add3A_250 = arith.addf %add3A_228, %bitcast_convert_type3A_247 : vector<16xf32>
      %add3A_251 = arith.addf %add3A_229, %bitcast_convert_type3A_249 : vector<16xf32>
      %get3A_252 = arith.constant 144 : index
      %get3A_253 = tpu.vector_load %arg6[%get3A_252] {strides = array<i32>} : memref<208xi32, #tpu.memory_space<vmem>>, vector<16xi32>,
      %get3A_254 = vector.shape_cast %get3A_253 : vector<16xi32> to vector<16xi32>
      %shift_left3A_255 = arith.constant 16 : i32
      %shift_left3A_256 = vector.broadcast %shift_left3A_255 : i32 to vector<16xi32>
      %shift_left3A_257 = arith.shli %get3A_254, %shift_left3A_256 : vector<16xi32>
      %bitcast_convert_type3A_258 = tpu.bitcast %shift_left3A_257 : vector<16xi32> -> vector<16xf32>
      %and3A_259 = arith.andi %get3A_254, %broadcast_in_dim3A_9 : vector<16xi32>
      %bitcast_convert_type3A_260 = tpu.bitcast %and3A_259 : vector<16xi32> -> vector<16xf32>
      %add3A_261 = arith.addf %add3A_239, %bitcast_convert_type3A_258 : vector<16xf32>
      %add3A_262 = arith.addf %add3A_240, %bitcast_convert_type3A_260 : vector<16xf32>
      %get3A_263 = arith.constant 160 : index
      %get3A_264 = tpu.vector_load %arg6[%get3A_263] {strides = array<i32>} : memref<208xi32, #tpu.memory_space<vmem>>, vector<16xi32>,
      %get3A_265 = vector.shape_cast %get3A_264 : vector<16xi32> to vector<16xi32>
      %shift_left3A_266 = arith.constant 16 : i32
      %shift_left3A_267 = vector.broadcast %shift_left3A_266 : i32 to vector<16xi32>
      %shift_left3A_268 = arith.shli %get3A_265, %shift_left3A_267 : vector<16xi32>
      %bitcast_convert_type3A_269 = tpu.bitcast %shift_left3A_268 : vector<16xi32> -> vector<16xf32>
      %and3A_270 = arith.andi %get3A_265, %broadcast_in_dim3A_9 : vector<16xi32>
      %bitcast_convert_type3A_271 = tpu.bitcast %and3A_270 : vector<16xi32> -> vector<16xf32>
      %add3A_272 = arith.addf %add3A_250, %bitcast_convert_type3A_269 : vector<16xf32>
      %add3A_273 = arith.addf %add3A_251, %bitcast_convert_type3A_271 : vector<16xf32>
      %get3A_274 = arith.constant 176 : index
      %get3A_275 = tpu.vector_load %arg6[%get3A_274] {strides = array<i32>} : memref<208xi32, #tpu.memory_space<vmem>>, vector<16xi32>,
      %get3A_276 = vector.shape_cast %get3A_275 : vector<16xi32> to vector<16xi32>
      %shift_left3A_277 = arith.constant 16 : i32
      %shift_left3A_278 = vector.broadcast %shift_left3A_277 : i32 to vector<16xi32>
      %shift_left3A_279 = arith.shli %get3A_276, %shift_left3A_278 : vector<16xi32>
      %bitcast_convert_type3A_280 = tpu.bitcast %shift_left3A_279 : vector<16xi32> -> vector<16xf32>
      %and3A_281 = arith.andi %get3A_276, %broadcast_in_dim3A_9 : vector<16xi32>
      %bitcast_convert_type3A_282 = tpu.bitcast %and3A_281 : vector<16xi32> -> vector<16xf32>
      %add3A_283 = arith.addf %add3A_261, %bitcast_convert_type3A_280 : vector<16xf32>
      %add3A_284 = arith.addf %add3A_262, %bitcast_convert_type3A_282 : vector<16xf32>
      %get3A_285 = arith.constant 192 : index
      %get3A_286 = tpu.vector_load %arg6[%get3A_285] {strides = array<i32>} : memref<208xi32, #tpu.memory_space<vmem>>, vector<16xi32>,
      %get3A_287 = vector.shape_cast %get3A_286 : vector<16xi32> to vector<16xi32>
      %shift_left3A_288 = arith.constant 16 : i32
      %shift_left3A_289 = vector.broadcast %shift_left3A_288 : i32 to vector<16xi32>
      %shift_left3A_290 = arith.shli %get3A_287, %shift_left3A_289 : vector<16xi32>
      %bitcast_convert_type3A_291 = tpu.bitcast %shift_left3A_290 : vector<16xi32> -> vector<16xf32>
      %and3A_292 = arith.andi %get3A_287, %broadcast_in_dim3A_9 : vector<16xi32>
      %bitcast_convert_type3A_293 = tpu.bitcast %and3A_292 : vector<16xi32> -> vector<16xf32>
      %add3A_294 = arith.addf %add3A_272, %bitcast_convert_type3A_291 : vector<16xf32>
      %add3A_295 = arith.addf %add3A_273, %bitcast_convert_type3A_293 : vector<16xf32>
      %add3A_296 = arith.addf %add3A_294, %add3A_283 : vector<16xf32>
      %xor3A = arith.constant 1 : i32
      %xor3A_297 = vector.broadcast %xor3A : i32 to vector<16xi32>
      %xor3A_298 = arith.xori %iota3A, %xor3A_297 : vector<16xi32>
      %broadcast_in_dim3A_299 = vector.shape_cast %xor3A_298 : vector<16xi32> to vector<16x1xi32>
      %gather3A = vector.shape_cast %broadcast_in_dim3A_299 : vector<16x1xi32> to vector<16xi32>
      %gather3A_300 = tpu.dynamic_gather %add3A_296[%gather3A] in [0] : vector<16xf32>, vector<16xi32> -> vector<16xf32>
      %add3A_301 = arith.addf %add3A_296, %gather3A_300 : vector<16xf32>
      %xor3A_302 = arith.constant 2 : i32
      %xor3A_303 = vector.broadcast %xor3A_302 : i32 to vector<16xi32>
      %xor3A_304 = arith.xori %iota3A, %xor3A_303 : vector<16xi32>
      %broadcast_in_dim3A_305 = vector.shape_cast %xor3A_304 : vector<16xi32> to vector<16x1xi32>
      %gather3A_306 = vector.shape_cast %broadcast_in_dim3A_305 : vector<16x1xi32> to vector<16xi32>
      %gather3A_307 = tpu.dynamic_gather %add3A_301[%gather3A_306] in [0] : vector<16xf32>, vector<16xi32> -> vector<16xf32>
      %add3A_308 = arith.addf %add3A_301, %gather3A_307 : vector<16xf32>
      %xor3A_309 = arith.constant 4 : i32
      %xor3A_310 = vector.broadcast %xor3A_309 : i32 to vector<16xi32>
      %xor3A_311 = arith.xori %iota3A, %xor3A_310 : vector<16xi32>
      %broadcast_in_dim3A_312 = vector.shape_cast %xor3A_311 : vector<16xi32> to vector<16x1xi32>
      %gather3A_313 = vector.shape_cast %broadcast_in_dim3A_312 : vector<16x1xi32> to vector<16xi32>
      %gather3A_314 = tpu.dynamic_gather %add3A_308[%gather3A_313] in [0] : vector<16xf32>, vector<16xi32> -> vector<16xf32>
      %add3A_315 = arith.addf %add3A_308, %gather3A_314 : vector<16xf32>
      %xor3A_316 = arith.constant 8 : i32
      %xor3A_317 = vector.broadcast %xor3A_316 : i32 to vector<16xi32>
      %xor3A_318 = arith.xori %iota3A, %xor3A_317 : vector<16xi32>
      %broadcast_in_dim3A_319 = vector.shape_cast %xor3A_318 : vector<16xi32> to vector<16x1xi32>
      %gather3A_320 = vector.shape_cast %broadcast_in_dim3A_319 : vector<16x1xi32> to vector<16xi32>
      %gather3A_321 = tpu.dynamic_gather %add3A_315[%gather3A_320] in [0] : vector<16xf32>, vector<16xi32> -> vector<16xf32>
      %add3A_322 = arith.addf %add3A_315, %gather3A_321 : vector<16xf32>
      %add3A_323 = arith.addf %add3A_295, %add3A_284 : vector<16xf32>
      %xor3A_324 = arith.constant 1 : i32
      %xor3A_325 = vector.broadcast %xor3A_324 : i32 to vector<16xi32>
      %xor3A_326 = arith.xori %iota3A, %xor3A_325 : vector<16xi32>
      %broadcast_in_dim3A_327 = vector.shape_cast %xor3A_326 : vector<16xi32> to vector<16x1xi32>
      %gather3A_328 = vector.shape_cast %broadcast_in_dim3A_327 : vector<16x1xi32> to vector<16xi32>
      %gather3A_329 = tpu.dynamic_gather %add3A_323[%gather3A_328] in [0] : vector<16xf32>, vector<16xi32> -> vector<16xf32>
      %add3A_330 = arith.addf %add3A_323, %gather3A_329 : vector<16xf32>
      %xor3A_331 = arith.constant 2 : i32
      %xor3A_332 = vector.broadcast %xor3A_331 : i32 to vector<16xi32>
      %xor3A_333 = arith.xori %iota3A, %xor3A_332 : vector<16xi32>
      %broadcast_in_dim3A_334 = vector.shape_cast %xor3A_333 : vector<16xi32> to vector<16x1xi32>
      %gather3A_335 = vector.shape_cast %broadcast_in_dim3A_334 : vector<16x1xi32> to vector<16xi32>
      %gather3A_336 = tpu.dynamic_gather %add3A_330[%gather3A_335] in [0] : vector<16xf32>, vector<16xi32> -> vector<16xf32>
      %add3A_337 = arith.addf %add3A_330, %gather3A_336 : vector<16xf32>
      %xor3A_338 = arith.constant 4 : i32
      %xor3A_339 = vector.broadcast %xor3A_338 : i32 to vector<16xi32>
      %xor3A_340 = arith.xori %iota3A, %xor3A_339 : vector<16xi32>
      %broadcast_in_dim3A_341 = vector.shape_cast %xor3A_340 : vector<16xi32> to vector<16x1xi32>
      %gather3A_342 = vector.shape_cast %broadcast_in_dim3A_341 : vector<16x1xi32> to vector<16xi32>
      %gather3A_343 = tpu.dynamic_gather %add3A_337[%gather3A_342] in [0] : vector<16xf32>, vector<16xi32> -> vector<16xf32>
      %add3A_344 = arith.addf %add3A_337, %gather3A_343 : vector<16xf32>
      %xor3A_345 = arith.constant 8 : i32
      %xor3A_346 = vector.broadcast %xor3A_345 : i32 to vector<16xi32>
      %xor3A_347 = arith.xori %iota3A, %xor3A_346 : vector<16xi32>
      %broadcast_in_dim3A_348 = vector.shape_cast %xor3A_347 : vector<16xi32> to vector<16x1xi32>
      %gather3A_349 = vector.shape_cast %broadcast_in_dim3A_348 : vector<16x1xi32> to vector<16xi32>
      %gather3A_350 = tpu.dynamic_gather %add3A_344[%gather3A_349] in [0] : vector<16xf32>, vector<16xi32> -> vector<16xf32>
      %add3A_351 = arith.addf %add3A_344, %gather3A_350 : vector<16xf32>
      %eq3A = arith.constant 1 : i32
      %eq3A_352 = vector.broadcast %eq3A : i32 to vector<16xi32>
      %eq3A_353 = arith.cmpi eq, %iota3A, %eq3A_352 : vector<16xi32>
      %select_n3A = arith.select %eq3A_353, %add3A_351, %add3A_322 : vector<16xi1>, vector<16xf32>
      %exp3A = math.exp %select_n3A : vector<16xf32>
      %xor3A_354 = arith.constant 1 : i32
      %xor3A_355 = vector.broadcast %xor3A_354 : i32 to vector<16xi32>
      %xor3A_356 = arith.xori %iota3A, %xor3A_355 : vector<16xi32>
      %broadcast_in_dim3A_357 = vector.shape_cast %xor3A_356 : vector<16xi32> to vector<16x1xi32>
      %gather3A_358 = vector.shape_cast %broadcast_in_dim3A_357 : vector<16x1xi32> to vector<16xi32>
      %gather3A_359 = tpu.dynamic_gather %exp3A[%gather3A_358] in [0] : vector<16xf32>, vector<16xi32> -> vector<16xf32>
      %add3A_360 = arith.addf %exp3A, %gather3A_359 : vector<16xf32>
      %div3A = arith.divf %exp3A, %add3A_360 : vector<16xf32>
      %mul3A_361 = arith.constant 16 : i32
      %mul3A_362 = arith.muli %add3A_149, %mul3A_361 : i32
      %swap3A_363 = arith.index_cast %mul3A_362 : i32 to index
      %swap3A_364 = tpu.vector_load %arg14[%swap3A_363] {strides = array<i32>} : memref<2048xf32, #tpu.memory_space<vmem>>, vector<16xf32>,
      %swap3A_365 = vector.shape_cast %swap3A_364 : vector<16xf32> to vector<16xf32>
      %swap3A_366 = vector.shape_cast %div3A : vector<16xf32> to vector<16xf32>
      tpu.vector_store %arg14[%swap3A_363], %swap3A_366 {strides = array<i32>} : memref<2048xf32, #tpu.memory_space<vmem>>, vector<16xf32>,
      %add3A_367 = arith.constant 8 : i32
      %add3A_368 = arith.addi %add3A_149, %add3A_367 : i32
      %lt3A = arith.constant 128 : i32
      %lt3A_369 = arith.cmpi slt, %add3A_368, %lt3A : i32
      %convert_element_type3A = arith.extui %lt3A_369 : i1 to i32
      %cond3A = arith.constant 0 : i32
      %cond3A_370 = arith.cmpi ne, %convert_element_type3A, %cond3A : i32
      scf.if %cond3A_370 {
        %add3A_2045 = arith.constant 8 : i32
        %add3A_2046 = arith.addi %add3A_149, %add3A_2045 : i32
        %mul3A_2047 = arith.constant 200 : i32
        %mul3A_2048 = arith.muli %add3A_2046, %mul3A_2047 : i32
        %dma_start3A_2049 = arith.constant 0 : i32
        %dma_start3A_2050 = tpu.memref_slice %arg6[%dma_start3A_2049] : memref<208xi32, #tpu.memory_space<vmem>> -> memref<96xi32, #tpu.memory_space<vmem>>
        %dma_start3A_2051 = tpu.memref_slice %arg5[%mul3A_2048] : memref<25600xi32, #tpu.memory_space<vmem>> -> memref<96xi32, #tpu.memory_space<vmem>>
        %dma_start3A_2052 = arith.constant 0 : i32
        %dma_start3A_2053 = tpu.memref_slice %arg2[%dma_start3A_2052] : memref<1600000xi32, #tpu.memory_space<hbm>> -> memref<1600000xi32, #tpu.memory_space<hbm>>
        tpu.enqueue_indirect_dma source(%dma_start3A_2053 : memref<1600000xi32, #tpu.memory_space<hbm>>) target(%dma_start3A_2050 : memref<96xi32, #tpu.memory_space<vmem>>) offsets(%dma_start3A_2051 : memref<96xi32, #tpu.memory_space<vmem>>) semaphore(%arg15 : memref<!tpu.dma_semaphore, #tpu.memory_space<semaphore_mem>>)
        %add3A_2054 = arith.constant 96 : i32
        %add3A_2055 = arith.addi %mul3A_2048, %add3A_2054 : i32
        %dma_start3A_2056 = arith.constant 96 : i32
        %dma_start3A_2057 = tpu.memref_slice %arg6[%dma_start3A_2056] : memref<208xi32, #tpu.memory_space<vmem>> -> memref<104xi32, #tpu.memory_space<vmem>>
        %dma_start3A_2058 = tpu.memref_slice %arg5[%add3A_2055] : memref<25600xi32, #tpu.memory_space<vmem>> -> memref<104xi32, #tpu.memory_space<vmem>>
        %dma_start3A_2059 = arith.constant 0 : i32
        %dma_start3A_2060 = tpu.memref_slice %arg2[%dma_start3A_2059] : memref<1600000xi32, #tpu.memory_space<hbm>> -> memref<1600000xi32, #tpu.memory_space<hbm>>
        tpu.enqueue_indirect_dma source(%dma_start3A_2060 : memref<1600000xi32, #tpu.memory_space<hbm>>) target(%dma_start3A_2057 : memref<104xi32, #tpu.memory_space<vmem>>) offsets(%dma_start3A_2058 : memref<104xi32, #tpu.memory_space<vmem>>) semaphore(%arg15 : memref<!tpu.dma_semaphore, #tpu.memory_space<semaphore_mem>>)
      } else {
      }
      %mul3A_371 = arith.constant 8 : i32
      %mul3A_372 = arith.muli %scan3A_144, %mul3A_371 : i32
      %add3A_373 = arith.constant 1 : i32
      %add3A_374 = arith.addi %mul3A_372, %add3A_373 : i32
      %dma_wait3A_375 = arith.constant 0 : i32
      %dma_wait3A_376 = tpu.memref_slice %arg7[%dma_wait3A_375] : memref<208xi32, #tpu.memory_space<vmem>> -> memref<200xi32, #tpu.memory_space<vmem>>
      %dma_wait3A_377 = arith.constant 0 : i32
      %dma_wait3A_378 = tpu.memref_slice %arg2[%dma_wait3A_377] : memref<1600000xi32, #tpu.memory_space<hbm>> -> memref<200xi32, #tpu.memory_space<hbm>>
      %dma_wait3A_379 = arith.constant 0 : i32
      %dma_wait3A_380 = tpu.memref_slice %arg7[%dma_wait3A_379] : memref<208xi32, #tpu.memory_space<vmem>> -> memref<200xi32, #tpu.memory_space<vmem>>
      %dma_wait3A_381 = arith.constant 0 : i32
      %dma_wait3A_382 = tpu.memref_slice %arg2[%dma_wait3A_381] : memref<1600000xi32, #tpu.memory_space<hbm>> -> memref<200xi32, #tpu.memory_space<hbm>>
      tpu.wait_dma2 semaphore(%arg16 : memref<!tpu.dma_semaphore, #tpu.memory_space<semaphore_mem>>) src(%dma_wait3A_382 : memref<200xi32, #tpu.memory_space<hbm>>) dst(%dma_wait3A_380 : memref<200xi32, #tpu.memory_space<vmem>>)
      %get3A_383 = arith.constant 0 : index
      %get3A_384 = tpu.vector_load %arg7[%get3A_383] {strides = array<i32>} : memref<208xi32, #tpu.memory_space<vmem>>, vector<16xi32>,
      %get3A_385 = vector.shape_cast %get3A_384 : vector<16xi32> to vector<16xi32>
      %shift_left3A_386 = arith.constant 16 : i32
      %shift_left3A_387 = vector.broadcast %shift_left3A_386 : i32 to vector<16xi32>
      %shift_left3A_388 = arith.shli %get3A_385, %shift_left3A_387 : vector<16xi32>
      %bitcast_convert_type3A_389 = tpu.bitcast %shift_left3A_388 : vector<16xi32> -> vector<16xf32>
      %and3A_390 = arith.andi %get3A_385, %broadcast_in_dim3A_9 : vector<16xi32>
      %bitcast_convert_type3A_391 = tpu.bitcast %and3A_390 : vector<16xi32> -> vector<16xf32>
      %add3A_392 = arith.addf %broadcast_in_dim3A_5, %bitcast_convert_type3A_389 : vector<16xf32>
      %add3A_393 = arith.addf %broadcast_in_dim3A_5, %bitcast_convert_type3A_391 : vector<16xf32>
      %get3A_394 = arith.constant 16 : index
      %get3A_395 = tpu.vector_load %arg7[%get3A_394] {strides = array<i32>} : memref<208xi32, #tpu.memory_space<vmem>>, vector<16xi32>,
      %get3A_396 = vector.shape_cast %get3A_395 : vector<16xi32> to vector<16xi32>
      %shift_left3A_397 = arith.constant 16 : i32
      %shift_left3A_398 = vector.broadcast %shift_left3A_397 : i32 to vector<16xi32>
      %shift_left3A_399 = arith.shli %get3A_396, %shift_left3A_398 : vector<16xi32>
      %bitcast_convert_type3A_400 = tpu.bitcast %shift_left3A_399 : vector<16xi32> -> vector<16xf32>
      %and3A_401 = arith.andi %get3A_396, %broadcast_in_dim3A_9 : vector<16xi32>
      %bitcast_convert_type3A_402 = tpu.bitcast %and3A_401 : vector<16xi32> -> vector<16xf32>
      %add3A_403 = arith.addf %broadcast_in_dim3A_5, %bitcast_convert_type3A_400 : vector<16xf32>
      %add3A_404 = arith.addf %broadcast_in_dim3A_5, %bitcast_convert_type3A_402 : vector<16xf32>
      %get3A_405 = arith.constant 32 : index
      %get3A_406 = tpu.vector_load %arg7[%get3A_405] {strides = array<i32>} : memref<208xi32, #tpu.memory_space<vmem>>, vector<16xi32>,
      %get3A_407 = vector.shape_cast %get3A_406 : vector<16xi32> to vector<16xi32>
      %shift_left3A_408 = arith.constant 16 : i32
      %shift_left3A_409 = vector.broadcast %shift_left3A_408 : i32 to vector<16xi32>
      %shift_left3A_410 = arith.shli %get3A_407, %shift_left3A_409 : vector<16xi32>
      %bitcast_convert_type3A_411 = tpu.bitcast %shift_left3A_410 : vector<16xi32> -> vector<16xf32>
      %and3A_412 = arith.andi %get3A_407, %broadcast_in_dim3A_9 : vector<16xi32>
      %bitcast_convert_type3A_413 = tpu.bitcast %and3A_412 : vector<16xi32> -> vector<16xf32>
      %add3A_414 = arith.addf %add3A_392, %bitcast_convert_type3A_411 : vector<16xf32>
      %add3A_415 = arith.addf %add3A_393, %bitcast_convert_type3A_413 : vector<16xf32>
      %get3A_416 = arith.constant 48 : index
      %get3A_417 = tpu.vector_load %arg7[%get3A_416] {strides = array<i32>} : memref<208xi32, #tpu.memory_space<vmem>>, vector<16xi32>,
      %get3A_418 = vector.shape_cast %get3A_417 : vector<16xi32> to vector<16xi32>
      %shift_left3A_419 = arith.constant 16 : i32
      %shift_left3A_420 = vector.broadcast %shift_left3A_419 : i32 to vector<16xi32>
      %shift_left3A_421 = arith.shli %get3A_418, %shift_left3A_420 : vector<16xi32>
      %bitcast_convert_type3A_422 = tpu.bitcast %shift_left3A_421 : vector<16xi32> -> vector<16xf32>
      %and3A_423 = arith.andi %get3A_418, %broadcast_in_dim3A_9 : vector<16xi32>
      %bitcast_convert_type3A_424 = tpu.bitcast %and3A_423 : vector<16xi32> -> vector<16xf32>
      %add3A_425 = arith.addf %add3A_403, %bitcast_convert_type3A_422 : vector<16xf32>
      %add3A_426 = arith.addf %add3A_404, %bitcast_convert_type3A_424 : vector<16xf32>
      %get3A_427 = arith.constant 64 : index
      %get3A_428 = tpu.vector_load %arg7[%get3A_427] {strides = array<i32>} : memref<208xi32, #tpu.memory_space<vmem>>, vector<16xi32>,
      %get3A_429 = vector.shape_cast %get3A_428 : vector<16xi32> to vector<16xi32>
      %shift_left3A_430 = arith.constant 16 : i32
      %shift_left3A_431 = vector.broadcast %shift_left3A_430 : i32 to vector<16xi32>
      %shift_left3A_432 = arith.shli %get3A_429, %shift_left3A_431 : vector<16xi32>
      %bitcast_convert_type3A_433 = tpu.bitcast %shift_left3A_432 : vector<16xi32> -> vector<16xf32>
      %and3A_434 = arith.andi %get3A_429, %broadcast_in_dim3A_9 : vector<16xi32>
      %bitcast_convert_type3A_435 = tpu.bitcast %and3A_434 : vector<16xi32> -> vector<16xf32>
      %add3A_436 = arith.addf %add3A_414, %bitcast_convert_type3A_433 : vector<16xf32>
      %add3A_437 = arith.addf %add3A_415, %bitcast_convert_type3A_435 : vector<16xf32>
      %get3A_438 = arith.constant 80 : index
      %get3A_439 = tpu.vector_load %arg7[%get3A_438] {strides = array<i32>} : memref<208xi32, #tpu.memory_space<vmem>>, vector<16xi32>,
      %get3A_440 = vector.shape_cast %get3A_439 : vector<16xi32> to vector<16xi32>
      %shift_left3A_441 = arith.constant 16 : i32
      %shift_left3A_442 = vector.broadcast %shift_left3A_441 : i32 to vector<16xi32>
      %shift_left3A_443 = arith.shli %get3A_440, %shift_left3A_442 : vector<16xi32>
      %bitcast_convert_type3A_444 = tpu.bitcast %shift_left3A_443 : vector<16xi32> -> vector<16xf32>
      %and3A_445 = arith.andi %get3A_440, %broadcast_in_dim3A_9 : vector<16xi32>
      %bitcast_convert_type3A_446 = tpu.bitcast %and3A_445 : vector<16xi32> -> vector<16xf32>
      %add3A_447 = arith.addf %add3A_425, %bitcast_convert_type3A_444 : vector<16xf32>
      %add3A_448 = arith.addf %add3A_426, %bitcast_convert_type3A_446 : vector<16xf32>
      %get3A_449 = arith.constant 96 : index
      %get3A_450 = tpu.vector_load %arg7[%get3A_449] {strides = array<i32>} : memref<208xi32, #tpu.memory_space<vmem>>, vector<16xi32>,
      %get3A_451 = vector.shape_cast %get3A_450 : vector<16xi32> to vector<16xi32>
      %shift_left3A_452 = arith.constant 16 : i32
      %shift_left3A_453 = vector.broadcast %shift_left3A_452 : i32 to vector<16xi32>
      %shift_left3A_454 = arith.shli %get3A_451, %shift_left3A_453 : vector<16xi32>
      %bitcast_convert_type3A_455 = tpu.bitcast %shift_left3A_454 : vector<16xi32> -> vector<16xf32>
      %and3A_456 = arith.andi %get3A_451, %broadcast_in_dim3A_9 : vector<16xi32>
      %bitcast_convert_type3A_457 = tpu.bitcast %and3A_456 : vector<16xi32> -> vector<16xf32>
      %add3A_458 = arith.addf %add3A_436, %bitcast_convert_type3A_455 : vector<16xf32>
      %add3A_459 = arith.addf %add3A_437, %bitcast_convert_type3A_457 : vector<16xf32>
      %get3A_460 = arith.constant 112 : index
      %get3A_461 = tpu.vector_load %arg7[%get3A_460] {strides = array<i32>} : memref<208xi32, #tpu.memory_space<vmem>>, vector<16xi32>,
      %get3A_462 = vector.shape_cast %get3A_461 : vector<16xi32> to vector<16xi32>
      %shift_left3A_463 = arith.constant 16 : i32
      %shift_left3A_464 = vector.broadcast %shift_left3A_463 : i32 to vector<16xi32>
      %shift_left3A_465 = arith.shli %get3A_462, %shift_left3A_464 : vector<16xi32>
      %bitcast_convert_type3A_466 = tpu.bitcast %shift_left3A_465 : vector<16xi32> -> vector<16xf32>
      %and3A_467 = arith.andi %get3A_462, %broadcast_in_dim3A_9 : vector<16xi32>
      %bitcast_convert_type3A_468 = tpu.bitcast %and3A_467 : vector<16xi32> -> vector<16xf32>
      %add3A_469 = arith.addf %add3A_447, %bitcast_convert_type3A_466 : vector<16xf32>
      %add3A_470 = arith.addf %add3A_448, %bitcast_convert_type3A_468 : vector<16xf32>
      %get3A_471 = arith.constant 128 : index
      %get3A_472 = tpu.vector_load %arg7[%get3A_471] {strides = array<i32>} : memref<208xi32, #tpu.memory_space<vmem>>, vector<16xi32>,
      %get3A_473 = vector.shape_cast %get3A_472 : vector<16xi32> to vector<16xi32>
      %shift_left3A_474 = arith.constant 16 : i32
      %shift_left3A_475 = vector.broadcast %shift_left3A_474 : i32 to vector<16xi32>
      %shift_left3A_476 = arith.shli %get3A_473, %shift_left3A_475 : vector<16xi32>
      %bitcast_convert_type3A_477 = tpu.bitcast %shift_left3A_476 : vector<16xi32> -> vector<16xf32>
      %and3A_478 = arith.andi %get3A_473, %broadcast_in_dim3A_9 : vector<16xi32>
      %bitcast_convert_type3A_479 = tpu.bitcast %and3A_478 : vector<16xi32> -> vector<16xf32>
      %add3A_480 = arith.addf %add3A_458, %bitcast_convert_type3A_477 : vector<16xf32>
      %add3A_481 = arith.addf %add3A_459, %bitcast_convert_type3A_479 : vector<16xf32>
      %get3A_482 = arith.constant 144 : index
      %get3A_483 = tpu.vector_load %arg7[%get3A_482] {strides = array<i32>} : memref<208xi32, #tpu.memory_space<vmem>>, vector<16xi32>,
      %get3A_484 = vector.shape_cast %get3A_483 : vector<16xi32> to vector<16xi32>
      %shift_left3A_485 = arith.constant 16 : i32
      %shift_left3A_486 = vector.broadcast %shift_left3A_485 : i32 to vector<16xi32>
      %shift_left3A_487 = arith.shli %get3A_484, %shift_left3A_486 : vector<16xi32>
      %bitcast_convert_type3A_488 = tpu.bitcast %shift_left3A_487 : vector<16xi32> -> vector<16xf32>
      %and3A_489 = arith.andi %get3A_484, %broadcast_in_dim3A_9 : vector<16xi32>
      %bitcast_convert_type3A_490 = tpu.bitcast %and3A_489 : vector<16xi32> -> vector<16xf32>
      %add3A_491 = arith.addf %add3A_469, %bitcast_convert_type3A_488 : vector<16xf32>
      %add3A_492 = arith.addf %add3A_470, %bitcast_convert_type3A_490 : vector<16xf32>
      %get3A_493 = arith.constant 160 : index
      %get3A_494 = tpu.vector_load %arg7[%get3A_493] {strides = array<i32>} : memref<208xi32, #tpu.memory_space<vmem>>, vector<16xi32>,
      %get3A_495 = vector.shape_cast %get3A_494 : vector<16xi32> to vector<16xi32>
      %shift_left3A_496 = arith.constant 16 : i32
      %shift_left3A_497 = vector.broadcast %shift_left3A_496 : i32 to vector<16xi32>
      %shift_left3A_498 = arith.shli %get3A_495, %shift_left3A_497 : vector<16xi32>
      %bitcast_convert_type3A_499 = tpu.bitcast %shift_left3A_498 : vector<16xi32> -> vector<16xf32>
      %and3A_500 = arith.andi %get3A_495, %broadcast_in_dim3A_9 : vector<16xi32>
      %bitcast_convert_type3A_501 = tpu.bitcast %and3A_500 : vector<16xi32> -> vector<16xf32>
      %add3A_502 = arith.addf %add3A_480, %bitcast_convert_type3A_499 : vector<16xf32>
      %add3A_503 = arith.addf %add3A_481, %bitcast_convert_type3A_501 : vector<16xf32>
      %get3A_504 = arith.constant 176 : index
      %get3A_505 = tpu.vector_load %arg7[%get3A_504] {strides = array<i32>} : memref<208xi32, #tpu.memory_space<vmem>>, vector<16xi32>,
      %get3A_506 = vector.shape_cast %get3A_505 : vector<16xi32> to vector<16xi32>
      %shift_left3A_507 = arith.constant 16 : i32
      %shift_left3A_508 = vector.broadcast %shift_left3A_507 : i32 to vector<16xi32>
      %shift_left3A_509 = arith.shli %get3A_506, %shift_left3A_508 : vector<16xi32>
      %bitcast_convert_type3A_510 = tpu.bitcast %shift_left3A_509 : vector<16xi32> -> vector<16xf32>
      %and3A_511 = arith.andi %get3A_506, %broadcast_in_dim3A_9 : vector<16xi32>
      %bitcast_convert_type3A_512 = tpu.bitcast %and3A_511 : vector<16xi32> -> vector<16xf32>
      %add3A_513 = arith.addf %add3A_491, %bitcast_convert_type3A_510 : vector<16xf32>
      %add3A_514 = arith.addf %add3A_492, %bitcast_convert_type3A_512 : vector<16xf32>
      %get3A_515 = arith.constant 192 : index
      %get3A_516 = tpu.vector_load %arg7[%get3A_515] {strides = array<i32>} : memref<208xi32, #tpu.memory_space<vmem>>, vector<16xi32>,
      %get3A_517 = vector.shape_cast %get3A_516 : vector<16xi32> to vector<16xi32>
      %shift_left3A_518 = arith.constant 16 : i32
      %shift_left3A_519 = vector.broadcast %shift_left3A_518 : i32 to vector<16xi32>
      %shift_left3A_520 = arith.shli %get3A_517, %shift_left3A_519 : vector<16xi32>
      %bitcast_convert_type3A_521 = tpu.bitcast %shift_left3A_520 : vector<16xi32> -> vector<16xf32>
      %and3A_522 = arith.andi %get3A_517, %broadcast_in_dim3A_9 : vector<16xi32>
      %bitcast_convert_type3A_523 = tpu.bitcast %and3A_522 : vector<16xi32> -> vector<16xf32>
      %add3A_524 = arith.addf %add3A_502, %bitcast_convert_type3A_521 : vector<16xf32>
      %add3A_525 = arith.addf %add3A_503, %bitcast_convert_type3A_523 : vector<16xf32>
      %add3A_526 = arith.addf %add3A_524, %add3A_513 : vector<16xf32>
      %xor3A_527 = arith.constant 1 : i32
      %xor3A_528 = vector.broadcast %xor3A_527 : i32 to vector<16xi32>
      %xor3A_529 = arith.xori %iota3A, %xor3A_528 : vector<16xi32>
      %broadcast_in_dim3A_530 = vector.shape_cast %xor3A_529 : vector<16xi32> to vector<16x1xi32>
      %gather3A_531 = vector.shape_cast %broadcast_in_dim3A_530 : vector<16x1xi32> to vector<16xi32>
      %gather3A_532 = tpu.dynamic_gather %add3A_526[%gather3A_531] in [0] : vector<16xf32>, vector<16xi32> -> vector<16xf32>
      %add3A_533 = arith.addf %add3A_526, %gather3A_532 : vector<16xf32>
      %xor3A_534 = arith.constant 2 : i32
      %xor3A_535 = vector.broadcast %xor3A_534 : i32 to vector<16xi32>
      %xor3A_536 = arith.xori %iota3A, %xor3A_535 : vector<16xi32>
      %broadcast_in_dim3A_537 = vector.shape_cast %xor3A_536 : vector<16xi32> to vector<16x1xi32>
      %gather3A_538 = vector.shape_cast %broadcast_in_dim3A_537 : vector<16x1xi32> to vector<16xi32>
      %gather3A_539 = tpu.dynamic_gather %add3A_533[%gather3A_538] in [0] : vector<16xf32>, vector<16xi32> -> vector<16xf32>
      %add3A_540 = arith.addf %add3A_533, %gather3A_539 : vector<16xf32>
      %xor3A_541 = arith.constant 4 : i32
      %xor3A_542 = vector.broadcast %xor3A_541 : i32 to vector<16xi32>
      %xor3A_543 = arith.xori %iota3A, %xor3A_542 : vector<16xi32>
      %broadcast_in_dim3A_544 = vector.shape_cast %xor3A_543 : vector<16xi32> to vector<16x1xi32>
      %gather3A_545 = vector.shape_cast %broadcast_in_dim3A_544 : vector<16x1xi32> to vector<16xi32>
      %gather3A_546 = tpu.dynamic_gather %add3A_540[%gather3A_545] in [0] : vector<16xf32>, vector<16xi32> -> vector<16xf32>
      %add3A_547 = arith.addf %add3A_540, %gather3A_546 : vector<16xf32>
      %xor3A_548 = arith.constant 8 : i32
      %xor3A_549 = vector.broadcast %xor3A_548 : i32 to vector<16xi32>
      %xor3A_550 = arith.xori %iota3A, %xor3A_549 : vector<16xi32>
      %broadcast_in_dim3A_551 = vector.shape_cast %xor3A_550 : vector<16xi32> to vector<16x1xi32>
      %gather3A_552 = vector.shape_cast %broadcast_in_dim3A_551 : vector<16x1xi32> to vector<16xi32>
      %gather3A_553 = tpu.dynamic_gather %add3A_547[%gather3A_552] in [0] : vector<16xf32>, vector<16xi32> -> vector<16xf32>
      %add3A_554 = arith.addf %add3A_547, %gather3A_553 : vector<16xf32>
      %add3A_555 = arith.addf %add3A_525, %add3A_514 : vector<16xf32>
      %xor3A_556 = arith.constant 1 : i32
      %xor3A_557 = vector.broadcast %xor3A_556 : i32 to vector<16xi32>
      %xor3A_558 = arith.xori %iota3A, %xor3A_557 : vector<16xi32>
      %broadcast_in_dim3A_559 = vector.shape_cast %xor3A_558 : vector<16xi32> to vector<16x1xi32>
      %gather3A_560 = vector.shape_cast %broadcast_in_dim3A_559 : vector<16x1xi32> to vector<16xi32>
      %gather3A_561 = tpu.dynamic_gather %add3A_555[%gather3A_560] in [0] : vector<16xf32>, vector<16xi32> -> vector<16xf32>
      %add3A_562 = arith.addf %add3A_555, %gather3A_561 : vector<16xf32>
      %xor3A_563 = arith.constant 2 : i32
      %xor3A_564 = vector.broadcast %xor3A_563 : i32 to vector<16xi32>
      %xor3A_565 = arith.xori %iota3A, %xor3A_564 : vector<16xi32>
      %broadcast_in_dim3A_566 = vector.shape_cast %xor3A_565 : vector<16xi32> to vector<16x1xi32>
      %gather3A_567 = vector.shape_cast %broadcast_in_dim3A_566 : vector<16x1xi32> to vector<16xi32>
      %gather3A_568 = tpu.dynamic_gather %add3A_562[%gather3A_567] in [0] : vector<16xf32>, vector<16xi32> -> vector<16xf32>
      %add3A_569 = arith.addf %add3A_562, %gather3A_568 : vector<16xf32>
      %xor3A_570 = arith.constant 4 : i32
      %xor3A_571 = vector.broadcast %xor3A_570 : i32 to vector<16xi32>
      %xor3A_572 = arith.xori %iota3A, %xor3A_571 : vector<16xi32>
      %broadcast_in_dim3A_573 = vector.shape_cast %xor3A_572 : vector<16xi32> to vector<16x1xi32>
      %gather3A_574 = vector.shape_cast %broadcast_in_dim3A_573 : vector<16x1xi32> to vector<16xi32>
      %gather3A_575 = tpu.dynamic_gather %add3A_569[%gather3A_574] in [0] : vector<16xf32>, vector<16xi32> -> vector<16xf32>
      %add3A_576 = arith.addf %add3A_569, %gather3A_575 : vector<16xf32>
      %xor3A_577 = arith.constant 8 : i32
      %xor3A_578 = vector.broadcast %xor3A_577 : i32 to vector<16xi32>
      %xor3A_579 = arith.xori %iota3A, %xor3A_578 : vector<16xi32>
      %broadcast_in_dim3A_580 = vector.shape_cast %xor3A_579 : vector<16xi32> to vector<16x1xi32>
      %gather3A_581 = vector.shape_cast %broadcast_in_dim3A_580 : vector<16x1xi32> to vector<16xi32>
      %gather3A_582 = tpu.dynamic_gather %add3A_576[%gather3A_581] in [0] : vector<16xf32>, vector<16xi32> -> vector<16xf32>
      %add3A_583 = arith.addf %add3A_576, %gather3A_582 : vector<16xf32>
      %eq3A_584 = arith.constant 1 : i32
      %eq3A_585 = vector.broadcast %eq3A_584 : i32 to vector<16xi32>
      %eq3A_586 = arith.cmpi eq, %iota3A, %eq3A_585 : vector<16xi32>
      %select_n3A_587 = arith.select %eq3A_586, %add3A_583, %add3A_554 : vector<16xi1>, vector<16xf32>
      %exp3A_588 = math.exp %select_n3A_587 : vector<16xf32>
      %xor3A_589 = arith.constant 1 : i32
      %xor3A_590 = vector.broadcast %xor3A_589 : i32 to vector<16xi32>
      %xor3A_591 = arith.xori %iota3A, %xor3A_590 : vector<16xi32>
      %broadcast_in_dim3A_592 = vector.shape_cast %xor3A_591 : vector<16xi32> to vector<16x1xi32>
      %gather3A_593 = vector.shape_cast %broadcast_in_dim3A_592 : vector<16x1xi32> to vector<16xi32>
      %gather3A_594 = tpu.dynamic_gather %exp3A_588[%gather3A_593] in [0] : vector<16xf32>, vector<16xi32> -> vector<16xf32>
      %add3A_595 = arith.addf %exp3A_588, %gather3A_594 : vector<16xf32>
      %div3A_596 = arith.divf %exp3A_588, %add3A_595 : vector<16xf32>
      %mul3A_597 = arith.constant 16 : i32
      %mul3A_598 = arith.muli %add3A_374, %mul3A_597 : i32
      %swap3A_599 = arith.index_cast %mul3A_598 : i32 to index
      %swap3A_600 = tpu.vector_load %arg14[%swap3A_599] {strides = array<i32>} : memref<2048xf32, #tpu.memory_space<vmem>>, vector<16xf32>,
      %swap3A_601 = vector.shape_cast %swap3A_600 : vector<16xf32> to vector<16xf32>
      %swap3A_602 = vector.shape_cast %div3A_596 : vector<16xf32> to vector<16xf32>
      tpu.vector_store %arg14[%swap3A_599], %swap3A_602 {strides = array<i32>} : memref<2048xf32, #tpu.memory_space<vmem>>, vector<16xf32>,
      %add3A_603 = arith.constant 8 : i32
      %add3A_604 = arith.addi %add3A_374, %add3A_603 : i32
      %lt3A_605 = arith.constant 128 : i32
      %lt3A_606 = arith.cmpi slt, %add3A_604, %lt3A_605 : i32
      %convert_element_type3A_607 = arith.extui %lt3A_606 : i1 to i32
      %cond3A_608 = arith.constant 0 : i32
      %cond3A_609 = arith.cmpi ne, %convert_element_type3A_607, %cond3A_608 : i32
      scf.if %cond3A_609 {
        %add3A_2045 = arith.constant 8 : i32
        %add3A_2046 = arith.addi %add3A_374, %add3A_2045 : i32
        %mul3A_2047 = arith.constant 200 : i32
        %mul3A_2048 = arith.muli %add3A_2046, %mul3A_2047 : i32
        %dma_start3A_2049 = arith.constant 0 : i32
        %dma_start3A_2050 = tpu.memref_slice %arg7[%dma_start3A_2049] : memref<208xi32, #tpu.memory_space<vmem>> -> memref<96xi32, #tpu.memory_space<vmem>>
        %dma_start3A_2051 = tpu.memref_slice %arg5[%mul3A_2048] : memref<25600xi32, #tpu.memory_space<vmem>> -> memref<96xi32, #tpu.memory_space<vmem>>
        %dma_start3A_2052 = arith.constant 0 : i32
        %dma_start3A_2053 = tpu.memref_slice %arg2[%dma_start3A_2052] : memref<1600000xi32, #tpu.memory_space<hbm>> -> memref<1600000xi32, #tpu.memory_space<hbm>>
        tpu.enqueue_indirect_dma source(%dma_start3A_2053 : memref<1600000xi32, #tpu.memory_space<hbm>>) target(%dma_start3A_2050 : memref<96xi32, #tpu.memory_space<vmem>>) offsets(%dma_start3A_2051 : memref<96xi32, #tpu.memory_space<vmem>>) semaphore(%arg16 : memref<!tpu.dma_semaphore, #tpu.memory_space<semaphore_mem>>)
        %add3A_2054 = arith.constant 96 : i32
        %add3A_2055 = arith.addi %mul3A_2048, %add3A_2054 : i32
        %dma_start3A_2056 = arith.constant 96 : i32
        %dma_start3A_2057 = tpu.memref_slice %arg7[%dma_start3A_2056] : memref<208xi32, #tpu.memory_space<vmem>> -> memref<104xi32, #tpu.memory_space<vmem>>
        %dma_start3A_2058 = tpu.memref_slice %arg5[%add3A_2055] : memref<25600xi32, #tpu.memory_space<vmem>> -> memref<104xi32, #tpu.memory_space<vmem>>
        %dma_start3A_2059 = arith.constant 0 : i32
        %dma_start3A_2060 = tpu.memref_slice %arg2[%dma_start3A_2059] : memref<1600000xi32, #tpu.memory_space<hbm>> -> memref<1600000xi32, #tpu.memory_space<hbm>>
        tpu.enqueue_indirect_dma source(%dma_start3A_2060 : memref<1600000xi32, #tpu.memory_space<hbm>>) target(%dma_start3A_2057 : memref<104xi32, #tpu.memory_space<vmem>>) offsets(%dma_start3A_2058 : memref<104xi32, #tpu.memory_space<vmem>>) semaphore(%arg16 : memref<!tpu.dma_semaphore, #tpu.memory_space<semaphore_mem>>)
      } else {
      }
      %mul3A_610 = arith.constant 8 : i32
      %mul3A_611 = arith.muli %scan3A_144, %mul3A_610 : i32
      %add3A_612 = arith.constant 2 : i32
      %add3A_613 = arith.addi %mul3A_611, %add3A_612 : i32
      %dma_wait3A_614 = arith.constant 0 : i32
      %dma_wait3A_615 = tpu.memref_slice %arg8[%dma_wait3A_614] : memref<208xi32, #tpu.memory_space<vmem>> -> memref<200xi32, #tpu.memory_space<vmem>>
      %dma_wait3A_616 = arith.constant 0 : i32
      %dma_wait3A_617 = tpu.memref_slice %arg2[%dma_wait3A_616] : memref<1600000xi32, #tpu.memory_space<hbm>> -> memref<200xi32, #tpu.memory_space<hbm>>
      %dma_wait3A_618 = arith.constant 0 : i32
      %dma_wait3A_619 = tpu.memref_slice %arg8[%dma_wait3A_618] : memref<208xi32, #tpu.memory_space<vmem>> -> memref<200xi32, #tpu.memory_space<vmem>>
      %dma_wait3A_620 = arith.constant 0 : i32
      %dma_wait3A_621 = tpu.memref_slice %arg2[%dma_wait3A_620] : memref<1600000xi32, #tpu.memory_space<hbm>> -> memref<200xi32, #tpu.memory_space<hbm>>
      tpu.wait_dma2 semaphore(%arg17 : memref<!tpu.dma_semaphore, #tpu.memory_space<semaphore_mem>>) src(%dma_wait3A_621 : memref<200xi32, #tpu.memory_space<hbm>>) dst(%dma_wait3A_619 : memref<200xi32, #tpu.memory_space<vmem>>)
      %get3A_622 = arith.constant 0 : index
      %get3A_623 = tpu.vector_load %arg8[%get3A_622] {strides = array<i32>} : memref<208xi32, #tpu.memory_space<vmem>>, vector<16xi32>,
      %get3A_624 = vector.shape_cast %get3A_623 : vector<16xi32> to vector<16xi32>
      %shift_left3A_625 = arith.constant 16 : i32
      %shift_left3A_626 = vector.broadcast %shift_left3A_625 : i32 to vector<16xi32>
      %shift_left3A_627 = arith.shli %get3A_624, %shift_left3A_626 : vector<16xi32>
      %bitcast_convert_type3A_628 = tpu.bitcast %shift_left3A_627 : vector<16xi32> -> vector<16xf32>
      %and3A_629 = arith.andi %get3A_624, %broadcast_in_dim3A_9 : vector<16xi32>
      %bitcast_convert_type3A_630 = tpu.bitcast %and3A_629 : vector<16xi32> -> vector<16xf32>
      %add3A_631 = arith.addf %broadcast_in_dim3A_5, %bitcast_convert_type3A_628 : vector<16xf32>
      %add3A_632 = arith.addf %broadcast_in_dim3A_5, %bitcast_convert_type3A_630 : vector<16xf32>
      %get3A_633 = arith.constant 16 : index
      %get3A_634 = tpu.vector_load %arg8[%get3A_633] {strides = array<i32>} : memref<208xi32, #tpu.memory_space<vmem>>, vector<16xi32>,
      %get3A_635 = vector.shape_cast %get3A_634 : vector<16xi32> to vector<16xi32>
      %shift_left3A_636 = arith.constant 16 : i32
      %shift_left3A_637 = vector.broadcast %shift_left3A_636 : i32 to vector<16xi32>
      %shift_left3A_638 = arith.shli %get3A_635, %shift_left3A_637 : vector<16xi32>
      %bitcast_convert_type3A_639 = tpu.bitcast %shift_left3A_638 : vector<16xi32> -> vector<16xf32>
      %and3A_640 = arith.andi %get3A_635, %broadcast_in_dim3A_9 : vector<16xi32>
      %bitcast_convert_type3A_641 = tpu.bitcast %and3A_640 : vector<16xi32> -> vector<16xf32>
      %add3A_642 = arith.addf %broadcast_in_dim3A_5, %bitcast_convert_type3A_639 : vector<16xf32>
      %add3A_643 = arith.addf %broadcast_in_dim3A_5, %bitcast_convert_type3A_641 : vector<16xf32>
      %get3A_644 = arith.constant 32 : index
      %get3A_645 = tpu.vector_load %arg8[%get3A_644] {strides = array<i32>} : memref<208xi32, #tpu.memory_space<vmem>>, vector<16xi32>,
      %get3A_646 = vector.shape_cast %get3A_645 : vector<16xi32> to vector<16xi32>
      %shift_left3A_647 = arith.constant 16 : i32
      %shift_left3A_648 = vector.broadcast %shift_left3A_647 : i32 to vector<16xi32>
      %shift_left3A_649 = arith.shli %get3A_646, %shift_left3A_648 : vector<16xi32>
      %bitcast_convert_type3A_650 = tpu.bitcast %shift_left3A_649 : vector<16xi32> -> vector<16xf32>
      %and3A_651 = arith.andi %get3A_646, %broadcast_in_dim3A_9 : vector<16xi32>
      %bitcast_convert_type3A_652 = tpu.bitcast %and3A_651 : vector<16xi32> -> vector<16xf32>
      %add3A_653 = arith.addf %add3A_631, %bitcast_convert_type3A_650 : vector<16xf32>
      %add3A_654 = arith.addf %add3A_632, %bitcast_convert_type3A_652 : vector<16xf32>
      %get3A_655 = arith.constant 48 : index
      %get3A_656 = tpu.vector_load %arg8[%get3A_655] {strides = array<i32>} : memref<208xi32, #tpu.memory_space<vmem>>, vector<16xi32>,
      %get3A_657 = vector.shape_cast %get3A_656 : vector<16xi32> to vector<16xi32>
      %shift_left3A_658 = arith.constant 16 : i32
      %shift_left3A_659 = vector.broadcast %shift_left3A_658 : i32 to vector<16xi32>
      %shift_left3A_660 = arith.shli %get3A_657, %shift_left3A_659 : vector<16xi32>
      %bitcast_convert_type3A_661 = tpu.bitcast %shift_left3A_660 : vector<16xi32> -> vector<16xf32>
      %and3A_662 = arith.andi %get3A_657, %broadcast_in_dim3A_9 : vector<16xi32>
      %bitcast_convert_type3A_663 = tpu.bitcast %and3A_662 : vector<16xi32> -> vector<16xf32>
      %add3A_664 = arith.addf %add3A_642, %bitcast_convert_type3A_661 : vector<16xf32>
      %add3A_665 = arith.addf %add3A_643, %bitcast_convert_type3A_663 : vector<16xf32>
      %get3A_666 = arith.constant 64 : index
      %get3A_667 = tpu.vector_load %arg8[%get3A_666] {strides = array<i32>} : memref<208xi32, #tpu.memory_space<vmem>>, vector<16xi32>,
      %get3A_668 = vector.shape_cast %get3A_667 : vector<16xi32> to vector<16xi32>
      %shift_left3A_669 = arith.constant 16 : i32
      %shift_left3A_670 = vector.broadcast %shift_left3A_669 : i32 to vector<16xi32>
      %shift_left3A_671 = arith.shli %get3A_668, %shift_left3A_670 : vector<16xi32>
      %bitcast_convert_type3A_672 = tpu.bitcast %shift_left3A_671 : vector<16xi32> -> vector<16xf32>
      %and3A_673 = arith.andi %get3A_668, %broadcast_in_dim3A_9 : vector<16xi32>
      %bitcast_convert_type3A_674 = tpu.bitcast %and3A_673 : vector<16xi32> -> vector<16xf32>
      %add3A_675 = arith.addf %add3A_653, %bitcast_convert_type3A_672 : vector<16xf32>
      %add3A_676 = arith.addf %add3A_654, %bitcast_convert_type3A_674 : vector<16xf32>
      %get3A_677 = arith.constant 80 : index
      %get3A_678 = tpu.vector_load %arg8[%get3A_677] {strides = array<i32>} : memref<208xi32, #tpu.memory_space<vmem>>, vector<16xi32>,
      %get3A_679 = vector.shape_cast %get3A_678 : vector<16xi32> to vector<16xi32>
      %shift_left3A_680 = arith.constant 16 : i32
      %shift_left3A_681 = vector.broadcast %shift_left3A_680 : i32 to vector<16xi32>
      %shift_left3A_682 = arith.shli %get3A_679, %shift_left3A_681 : vector<16xi32>
      %bitcast_convert_type3A_683 = tpu.bitcast %shift_left3A_682 : vector<16xi32> -> vector<16xf32>
      %and3A_684 = arith.andi %get3A_679, %broadcast_in_dim3A_9 : vector<16xi32>
      %bitcast_convert_type3A_685 = tpu.bitcast %and3A_684 : vector<16xi32> -> vector<16xf32>
      %add3A_686 = arith.addf %add3A_664, %bitcast_convert_type3A_683 : vector<16xf32>
      %add3A_687 = arith.addf %add3A_665, %bitcast_convert_type3A_685 : vector<16xf32>
      %get3A_688 = arith.constant 96 : index
      %get3A_689 = tpu.vector_load %arg8[%get3A_688] {strides = array<i32>} : memref<208xi32, #tpu.memory_space<vmem>>, vector<16xi32>,
      %get3A_690 = vector.shape_cast %get3A_689 : vector<16xi32> to vector<16xi32>
      %shift_left3A_691 = arith.constant 16 : i32
      %shift_left3A_692 = vector.broadcast %shift_left3A_691 : i32 to vector<16xi32>
      %shift_left3A_693 = arith.shli %get3A_690, %shift_left3A_692 : vector<16xi32>
      %bitcast_convert_type3A_694 = tpu.bitcast %shift_left3A_693 : vector<16xi32> -> vector<16xf32>
      %and3A_695 = arith.andi %get3A_690, %broadcast_in_dim3A_9 : vector<16xi32>
      %bitcast_convert_type3A_696 = tpu.bitcast %and3A_695 : vector<16xi32> -> vector<16xf32>
      %add3A_697 = arith.addf %add3A_675, %bitcast_convert_type3A_694 : vector<16xf32>
      %add3A_698 = arith.addf %add3A_676, %bitcast_convert_type3A_696 : vector<16xf32>
      %get3A_699 = arith.constant 112 : index
      %get3A_700 = tpu.vector_load %arg8[%get3A_699] {strides = array<i32>} : memref<208xi32, #tpu.memory_space<vmem>>, vector<16xi32>,
      %get3A_701 = vector.shape_cast %get3A_700 : vector<16xi32> to vector<16xi32>
      %shift_left3A_702 = arith.constant 16 : i32
      %shift_left3A_703 = vector.broadcast %shift_left3A_702 : i32 to vector<16xi32>
      %shift_left3A_704 = arith.shli %get3A_701, %shift_left3A_703 : vector<16xi32>
      %bitcast_convert_type3A_705 = tpu.bitcast %shift_left3A_704 : vector<16xi32> -> vector<16xf32>
      %and3A_706 = arith.andi %get3A_701, %broadcast_in_dim3A_9 : vector<16xi32>
      %bitcast_convert_type3A_707 = tpu.bitcast %and3A_706 : vector<16xi32> -> vector<16xf32>
      %add3A_708 = arith.addf %add3A_686, %bitcast_convert_type3A_705 : vector<16xf32>
      %add3A_709 = arith.addf %add3A_687, %bitcast_convert_type3A_707 : vector<16xf32>
      %get3A_710 = arith.constant 128 : index
      %get3A_711 = tpu.vector_load %arg8[%get3A_710] {strides = array<i32>} : memref<208xi32, #tpu.memory_space<vmem>>, vector<16xi32>,
      %get3A_712 = vector.shape_cast %get3A_711 : vector<16xi32> to vector<16xi32>
      %shift_left3A_713 = arith.constant 16 : i32
      %shift_left3A_714 = vector.broadcast %shift_left3A_713 : i32 to vector<16xi32>
      %shift_left3A_715 = arith.shli %get3A_712, %shift_left3A_714 : vector<16xi32>
      %bitcast_convert_type3A_716 = tpu.bitcast %shift_left3A_715 : vector<16xi32> -> vector<16xf32>
      %and3A_717 = arith.andi %get3A_712, %broadcast_in_dim3A_9 : vector<16xi32>
      %bitcast_convert_type3A_718 = tpu.bitcast %and3A_717 : vector<16xi32> -> vector<16xf32>
      %add3A_719 = arith.addf %add3A_697, %bitcast_convert_type3A_716 : vector<16xf32>
      %add3A_720 = arith.addf %add3A_698, %bitcast_convert_type3A_718 : vector<16xf32>
      %get3A_721 = arith.constant 144 : index
      %get3A_722 = tpu.vector_load %arg8[%get3A_721] {strides = array<i32>} : memref<208xi32, #tpu.memory_space<vmem>>, vector<16xi32>,
      %get3A_723 = vector.shape_cast %get3A_722 : vector<16xi32> to vector<16xi32>
      %shift_left3A_724 = arith.constant 16 : i32
      %shift_left3A_725 = vector.broadcast %shift_left3A_724 : i32 to vector<16xi32>
      %shift_left3A_726 = arith.shli %get3A_723, %shift_left3A_725 : vector<16xi32>
      %bitcast_convert_type3A_727 = tpu.bitcast %shift_left3A_726 : vector<16xi32> -> vector<16xf32>
      %and3A_728 = arith.andi %get3A_723, %broadcast_in_dim3A_9 : vector<16xi32>
      %bitcast_convert_type3A_729 = tpu.bitcast %and3A_728 : vector<16xi32> -> vector<16xf32>
      %add3A_730 = arith.addf %add3A_708, %bitcast_convert_type3A_727 : vector<16xf32>
      %add3A_731 = arith.addf %add3A_709, %bitcast_convert_type3A_729 : vector<16xf32>
      %get3A_732 = arith.constant 160 : index
      %get3A_733 = tpu.vector_load %arg8[%get3A_732] {strides = array<i32>} : memref<208xi32, #tpu.memory_space<vmem>>, vector<16xi32>,
      %get3A_734 = vector.shape_cast %get3A_733 : vector<16xi32> to vector<16xi32>
      %shift_left3A_735 = arith.constant 16 : i32
      %shift_left3A_736 = vector.broadcast %shift_left3A_735 : i32 to vector<16xi32>
      %shift_left3A_737 = arith.shli %get3A_734, %shift_left3A_736 : vector<16xi32>
      %bitcast_convert_type3A_738 = tpu.bitcast %shift_left3A_737 : vector<16xi32> -> vector<16xf32>
      %and3A_739 = arith.andi %get3A_734, %broadcast_in_dim3A_9 : vector<16xi32>
      %bitcast_convert_type3A_740 = tpu.bitcast %and3A_739 : vector<16xi32> -> vector<16xf32>
      %add3A_741 = arith.addf %add3A_719, %bitcast_convert_type3A_738 : vector<16xf32>
      %add3A_742 = arith.addf %add3A_720, %bitcast_convert_type3A_740 : vector<16xf32>
      %get3A_743 = arith.constant 176 : index
      %get3A_744 = tpu.vector_load %arg8[%get3A_743] {strides = array<i32>} : memref<208xi32, #tpu.memory_space<vmem>>, vector<16xi32>,
      %get3A_745 = vector.shape_cast %get3A_744 : vector<16xi32> to vector<16xi32>
      %shift_left3A_746 = arith.constant 16 : i32
      %shift_left3A_747 = vector.broadcast %shift_left3A_746 : i32 to vector<16xi32>
      %shift_left3A_748 = arith.shli %get3A_745, %shift_left3A_747 : vector<16xi32>
      %bitcast_convert_type3A_749 = tpu.bitcast %shift_left3A_748 : vector<16xi32> -> vector<16xf32>
      %and3A_750 = arith.andi %get3A_745, %broadcast_in_dim3A_9 : vector<16xi32>
      %bitcast_convert_type3A_751 = tpu.bitcast %and3A_750 : vector<16xi32> -> vector<16xf32>
      %add3A_752 = arith.addf %add3A_730, %bitcast_convert_type3A_749 : vector<16xf32>
      %add3A_753 = arith.addf %add3A_731, %bitcast_convert_type3A_751 : vector<16xf32>
      %get3A_754 = arith.constant 192 : index
      %get3A_755 = tpu.vector_load %arg8[%get3A_754] {strides = array<i32>} : memref<208xi32, #tpu.memory_space<vmem>>, vector<16xi32>,
      %get3A_756 = vector.shape_cast %get3A_755 : vector<16xi32> to vector<16xi32>
      %shift_left3A_757 = arith.constant 16 : i32
      %shift_left3A_758 = vector.broadcast %shift_left3A_757 : i32 to vector<16xi32>
      %shift_left3A_759 = arith.shli %get3A_756, %shift_left3A_758 : vector<16xi32>
      %bitcast_convert_type3A_760 = tpu.bitcast %shift_left3A_759 : vector<16xi32> -> vector<16xf32>
      %and3A_761 = arith.andi %get3A_756, %broadcast_in_dim3A_9 : vector<16xi32>
      %bitcast_convert_type3A_762 = tpu.bitcast %and3A_761 : vector<16xi32> -> vector<16xf32>
      %add3A_763 = arith.addf %add3A_741, %bitcast_convert_type3A_760 : vector<16xf32>
      %add3A_764 = arith.addf %add3A_742, %bitcast_convert_type3A_762 : vector<16xf32>
      %add3A_765 = arith.addf %add3A_763, %add3A_752 : vector<16xf32>
      %xor3A_766 = arith.constant 1 : i32
      %xor3A_767 = vector.broadcast %xor3A_766 : i32 to vector<16xi32>
      %xor3A_768 = arith.xori %iota3A, %xor3A_767 : vector<16xi32>
      %broadcast_in_dim3A_769 = vector.shape_cast %xor3A_768 : vector<16xi32> to vector<16x1xi32>
      %gather3A_770 = vector.shape_cast %broadcast_in_dim3A_769 : vector<16x1xi32> to vector<16xi32>
      %gather3A_771 = tpu.dynamic_gather %add3A_765[%gather3A_770] in [0] : vector<16xf32>, vector<16xi32> -> vector<16xf32>
      %add3A_772 = arith.addf %add3A_765, %gather3A_771 : vector<16xf32>
      %xor3A_773 = arith.constant 2 : i32
      %xor3A_774 = vector.broadcast %xor3A_773 : i32 to vector<16xi32>
      %xor3A_775 = arith.xori %iota3A, %xor3A_774 : vector<16xi32>
      %broadcast_in_dim3A_776 = vector.shape_cast %xor3A_775 : vector<16xi32> to vector<16x1xi32>
      %gather3A_777 = vector.shape_cast %broadcast_in_dim3A_776 : vector<16x1xi32> to vector<16xi32>
      %gather3A_778 = tpu.dynamic_gather %add3A_772[%gather3A_777] in [0] : vector<16xf32>, vector<16xi32> -> vector<16xf32>
      %add3A_779 = arith.addf %add3A_772, %gather3A_778 : vector<16xf32>
      %xor3A_780 = arith.constant 4 : i32
      %xor3A_781 = vector.broadcast %xor3A_780 : i32 to vector<16xi32>
      %xor3A_782 = arith.xori %iota3A, %xor3A_781 : vector<16xi32>
      %broadcast_in_dim3A_783 = vector.shape_cast %xor3A_782 : vector<16xi32> to vector<16x1xi32>
      %gather3A_784 = vector.shape_cast %broadcast_in_dim3A_783 : vector<16x1xi32> to vector<16xi32>
      %gather3A_785 = tpu.dynamic_gather %add3A_779[%gather3A_784] in [0] : vector<16xf32>, vector<16xi32> -> vector<16xf32>
      %add3A_786 = arith.addf %add3A_779, %gather3A_785 : vector<16xf32>
      %xor3A_787 = arith.constant 8 : i32
      %xor3A_788 = vector.broadcast %xor3A_787 : i32 to vector<16xi32>
      %xor3A_789 = arith.xori %iota3A, %xor3A_788 : vector<16xi32>
      %broadcast_in_dim3A_790 = vector.shape_cast %xor3A_789 : vector<16xi32> to vector<16x1xi32>
      %gather3A_791 = vector.shape_cast %broadcast_in_dim3A_790 : vector<16x1xi32> to vector<16xi32>
      %gather3A_792 = tpu.dynamic_gather %add3A_786[%gather3A_791] in [0] : vector<16xf32>, vector<16xi32> -> vector<16xf32>
      %add3A_793 = arith.addf %add3A_786, %gather3A_792 : vector<16xf32>
      %add3A_794 = arith.addf %add3A_764, %add3A_753 : vector<16xf32>
      %xor3A_795 = arith.constant 1 : i32
      %xor3A_796 = vector.broadcast %xor3A_795 : i32 to vector<16xi32>
      %xor3A_797 = arith.xori %iota3A, %xor3A_796 : vector<16xi32>
      %broadcast_in_dim3A_798 = vector.shape_cast %xor3A_797 : vector<16xi32> to vector<16x1xi32>
      %gather3A_799 = vector.shape_cast %broadcast_in_dim3A_798 : vector<16x1xi32> to vector<16xi32>
      %gather3A_800 = tpu.dynamic_gather %add3A_794[%gather3A_799] in [0] : vector<16xf32>, vector<16xi32> -> vector<16xf32>
      %add3A_801 = arith.addf %add3A_794, %gather3A_800 : vector<16xf32>
      %xor3A_802 = arith.constant 2 : i32
      %xor3A_803 = vector.broadcast %xor3A_802 : i32 to vector<16xi32>
      %xor3A_804 = arith.xori %iota3A, %xor3A_803 : vector<16xi32>
      %broadcast_in_dim3A_805 = vector.shape_cast %xor3A_804 : vector<16xi32> to vector<16x1xi32>
      %gather3A_806 = vector.shape_cast %broadcast_in_dim3A_805 : vector<16x1xi32> to vector<16xi32>
      %gather3A_807 = tpu.dynamic_gather %add3A_801[%gather3A_806] in [0] : vector<16xf32>, vector<16xi32> -> vector<16xf32>
      %add3A_808 = arith.addf %add3A_801, %gather3A_807 : vector<16xf32>
      %xor3A_809 = arith.constant 4 : i32
      %xor3A_810 = vector.broadcast %xor3A_809 : i32 to vector<16xi32>
      %xor3A_811 = arith.xori %iota3A, %xor3A_810 : vector<16xi32>
      %broadcast_in_dim3A_812 = vector.shape_cast %xor3A_811 : vector<16xi32> to vector<16x1xi32>
      %gather3A_813 = vector.shape_cast %broadcast_in_dim3A_812 : vector<16x1xi32> to vector<16xi32>
      %gather3A_814 = tpu.dynamic_gather %add3A_808[%gather3A_813] in [0] : vector<16xf32>, vector<16xi32> -> vector<16xf32>
      %add3A_815 = arith.addf %add3A_808, %gather3A_814 : vector<16xf32>
      %xor3A_816 = arith.constant 8 : i32
      %xor3A_817 = vector.broadcast %xor3A_816 : i32 to vector<16xi32>
      %xor3A_818 = arith.xori %iota3A, %xor3A_817 : vector<16xi32>
      %broadcast_in_dim3A_819 = vector.shape_cast %xor3A_818 : vector<16xi32> to vector<16x1xi32>
      %gather3A_820 = vector.shape_cast %broadcast_in_dim3A_819 : vector<16x1xi32> to vector<16xi32>
      %gather3A_821 = tpu.dynamic_gather %add3A_815[%gather3A_820] in [0] : vector<16xf32>, vector<16xi32> -> vector<16xf32>
      %add3A_822 = arith.addf %add3A_815, %gather3A_821 : vector<16xf32>
      %eq3A_823 = arith.constant 1 : i32
      %eq3A_824 = vector.broadcast %eq3A_823 : i32 to vector<16xi32>
      %eq3A_825 = arith.cmpi eq, %iota3A, %eq3A_824 : vector<16xi32>
      %select_n3A_826 = arith.select %eq3A_825, %add3A_822, %add3A_793 : vector<16xi1>, vector<16xf32>
      %exp3A_827 = math.exp %select_n3A_826 : vector<16xf32>
      %xor3A_828 = arith.constant 1 : i32
      %xor3A_829 = vector.broadcast %xor3A_828 : i32 to vector<16xi32>
      %xor3A_830 = arith.xori %iota3A, %xor3A_829 : vector<16xi32>
      %broadcast_in_dim3A_831 = vector.shape_cast %xor3A_830 : vector<16xi32> to vector<16x1xi32>
      %gather3A_832 = vector.shape_cast %broadcast_in_dim3A_831 : vector<16x1xi32> to vector<16xi32>
      %gather3A_833 = tpu.dynamic_gather %exp3A_827[%gather3A_832] in [0] : vector<16xf32>, vector<16xi32> -> vector<16xf32>
      %add3A_834 = arith.addf %exp3A_827, %gather3A_833 : vector<16xf32>
      %div3A_835 = arith.divf %exp3A_827, %add3A_834 : vector<16xf32>
      %mul3A_836 = arith.constant 16 : i32
      %mul3A_837 = arith.muli %add3A_613, %mul3A_836 : i32
      %swap3A_838 = arith.index_cast %mul3A_837 : i32 to index
      %swap3A_839 = tpu.vector_load %arg14[%swap3A_838] {strides = array<i32>} : memref<2048xf32, #tpu.memory_space<vmem>>, vector<16xf32>,
      %swap3A_840 = vector.shape_cast %swap3A_839 : vector<16xf32> to vector<16xf32>
      %swap3A_841 = vector.shape_cast %div3A_835 : vector<16xf32> to vector<16xf32>
      tpu.vector_store %arg14[%swap3A_838], %swap3A_841 {strides = array<i32>} : memref<2048xf32, #tpu.memory_space<vmem>>, vector<16xf32>,
      %add3A_842 = arith.constant 8 : i32
      %add3A_843 = arith.addi %add3A_613, %add3A_842 : i32
      %lt3A_844 = arith.constant 128 : i32
      %lt3A_845 = arith.cmpi slt, %add3A_843, %lt3A_844 : i32
      %convert_element_type3A_846 = arith.extui %lt3A_845 : i1 to i32
      %cond3A_847 = arith.constant 0 : i32
      %cond3A_848 = arith.cmpi ne, %convert_element_type3A_846, %cond3A_847 : i32
      scf.if %cond3A_848 {
        %add3A_2045 = arith.constant 8 : i32
        %add3A_2046 = arith.addi %add3A_613, %add3A_2045 : i32
        %mul3A_2047 = arith.constant 200 : i32
        %mul3A_2048 = arith.muli %add3A_2046, %mul3A_2047 : i32
        %dma_start3A_2049 = arith.constant 0 : i32
        %dma_start3A_2050 = tpu.memref_slice %arg8[%dma_start3A_2049] : memref<208xi32, #tpu.memory_space<vmem>> -> memref<96xi32, #tpu.memory_space<vmem>>
        %dma_start3A_2051 = tpu.memref_slice %arg5[%mul3A_2048] : memref<25600xi32, #tpu.memory_space<vmem>> -> memref<96xi32, #tpu.memory_space<vmem>>
        %dma_start3A_2052 = arith.constant 0 : i32
        %dma_start3A_2053 = tpu.memref_slice %arg2[%dma_start3A_2052] : memref<1600000xi32, #tpu.memory_space<hbm>> -> memref<1600000xi32, #tpu.memory_space<hbm>>
        tpu.enqueue_indirect_dma source(%dma_start3A_2053 : memref<1600000xi32, #tpu.memory_space<hbm>>) target(%dma_start3A_2050 : memref<96xi32, #tpu.memory_space<vmem>>) offsets(%dma_start3A_2051 : memref<96xi32, #tpu.memory_space<vmem>>) semaphore(%arg17 : memref<!tpu.dma_semaphore, #tpu.memory_space<semaphore_mem>>)
        %add3A_2054 = arith.constant 96 : i32
        %add3A_2055 = arith.addi %mul3A_2048, %add3A_2054 : i32
        %dma_start3A_2056 = arith.constant 96 : i32
        %dma_start3A_2057 = tpu.memref_slice %arg8[%dma_start3A_2056] : memref<208xi32, #tpu.memory_space<vmem>> -> memref<104xi32, #tpu.memory_space<vmem>>
        %dma_start3A_2058 = tpu.memref_slice %arg5[%add3A_2055] : memref<25600xi32, #tpu.memory_space<vmem>> -> memref<104xi32, #tpu.memory_space<vmem>>
        %dma_start3A_2059 = arith.constant 0 : i32
        %dma_start3A_2060 = tpu.memref_slice %arg2[%dma_start3A_2059] : memref<1600000xi32, #tpu.memory_space<hbm>> -> memref<1600000xi32, #tpu.memory_space<hbm>>
        tpu.enqueue_indirect_dma source(%dma_start3A_2060 : memref<1600000xi32, #tpu.memory_space<hbm>>) target(%dma_start3A_2057 : memref<104xi32, #tpu.memory_space<vmem>>) offsets(%dma_start3A_2058 : memref<104xi32, #tpu.memory_space<vmem>>) semaphore(%arg17 : memref<!tpu.dma_semaphore, #tpu.memory_space<semaphore_mem>>)
      } else {
      }
      %mul3A_849 = arith.constant 8 : i32
      %mul3A_850 = arith.muli %scan3A_144, %mul3A_849 : i32
      %add3A_851 = arith.constant 3 : i32
      %add3A_852 = arith.addi %mul3A_850, %add3A_851 : i32
      %dma_wait3A_853 = arith.constant 0 : i32
      %dma_wait3A_854 = tpu.memref_slice %arg9[%dma_wait3A_853] : memref<208xi32, #tpu.memory_space<vmem>> -> memref<200xi32, #tpu.memory_space<vmem>>
      %dma_wait3A_855 = arith.constant 0 : i32
      %dma_wait3A_856 = tpu.memref_slice %arg2[%dma_wait3A_855] : memref<1600000xi32, #tpu.memory_space<hbm>> -> memref<200xi32, #tpu.memory_space<hbm>>
      %dma_wait3A_857 = arith.constant 0 : i32
      %dma_wait3A_858 = tpu.memref_slice %arg9[%dma_wait3A_857] : memref<208xi32, #tpu.memory_space<vmem>> -> memref<200xi32, #tpu.memory_space<vmem>>
      %dma_wait3A_859 = arith.constant 0 : i32
      %dma_wait3A_860 = tpu.memref_slice %arg2[%dma_wait3A_859] : memref<1600000xi32, #tpu.memory_space<hbm>> -> memref<200xi32, #tpu.memory_space<hbm>>
      tpu.wait_dma2 semaphore(%arg18 : memref<!tpu.dma_semaphore, #tpu.memory_space<semaphore_mem>>) src(%dma_wait3A_860 : memref<200xi32, #tpu.memory_space<hbm>>) dst(%dma_wait3A_858 : memref<200xi32, #tpu.memory_space<vmem>>)
      %get3A_861 = arith.constant 0 : index
      %get3A_862 = tpu.vector_load %arg9[%get3A_861] {strides = array<i32>} : memref<208xi32, #tpu.memory_space<vmem>>, vector<16xi32>,
      %get3A_863 = vector.shape_cast %get3A_862 : vector<16xi32> to vector<16xi32>
      %shift_left3A_864 = arith.constant 16 : i32
      %shift_left3A_865 = vector.broadcast %shift_left3A_864 : i32 to vector<16xi32>
      %shift_left3A_866 = arith.shli %get3A_863, %shift_left3A_865 : vector<16xi32>
      %bitcast_convert_type3A_867 = tpu.bitcast %shift_left3A_866 : vector<16xi32> -> vector<16xf32>
      %and3A_868 = arith.andi %get3A_863, %broadcast_in_dim3A_9 : vector<16xi32>
      %bitcast_convert_type3A_869 = tpu.bitcast %and3A_868 : vector<16xi32> -> vector<16xf32>
      %add3A_870 = arith.addf %broadcast_in_dim3A_5, %bitcast_convert_type3A_867 : vector<16xf32>
      %add3A_871 = arith.addf %broadcast_in_dim3A_5, %bitcast_convert_type3A_869 : vector<16xf32>
      %get3A_872 = arith.constant 16 : index
      %get3A_873 = tpu.vector_load %arg9[%get3A_872] {strides = array<i32>} : memref<208xi32, #tpu.memory_space<vmem>>, vector<16xi32>,
      %get3A_874 = vector.shape_cast %get3A_873 : vector<16xi32> to vector<16xi32>
      %shift_left3A_875 = arith.constant 16 : i32
      %shift_left3A_876 = vector.broadcast %shift_left3A_875 : i32 to vector<16xi32>
      %shift_left3A_877 = arith.shli %get3A_874, %shift_left3A_876 : vector<16xi32>
      %bitcast_convert_type3A_878 = tpu.bitcast %shift_left3A_877 : vector<16xi32> -> vector<16xf32>
      %and3A_879 = arith.andi %get3A_874, %broadcast_in_dim3A_9 : vector<16xi32>
      %bitcast_convert_type3A_880 = tpu.bitcast %and3A_879 : vector<16xi32> -> vector<16xf32>
      %add3A_881 = arith.addf %broadcast_in_dim3A_5, %bitcast_convert_type3A_878 : vector<16xf32>
      %add3A_882 = arith.addf %broadcast_in_dim3A_5, %bitcast_convert_type3A_880 : vector<16xf32>
      %get3A_883 = arith.constant 32 : index
      %get3A_884 = tpu.vector_load %arg9[%get3A_883] {strides = array<i32>} : memref<208xi32, #tpu.memory_space<vmem>>, vector<16xi32>,
      %get3A_885 = vector.shape_cast %get3A_884 : vector<16xi32> to vector<16xi32>
      %shift_left3A_886 = arith.constant 16 : i32
      %shift_left3A_887 = vector.broadcast %shift_left3A_886 : i32 to vector<16xi32>
      %shift_left3A_888 = arith.shli %get3A_885, %shift_left3A_887 : vector<16xi32>
      %bitcast_convert_type3A_889 = tpu.bitcast %shift_left3A_888 : vector<16xi32> -> vector<16xf32>
      %and3A_890 = arith.andi %get3A_885, %broadcast_in_dim3A_9 : vector<16xi32>
      %bitcast_convert_type3A_891 = tpu.bitcast %and3A_890 : vector<16xi32> -> vector<16xf32>
      %add3A_892 = arith.addf %add3A_870, %bitcast_convert_type3A_889 : vector<16xf32>
      %add3A_893 = arith.addf %add3A_871, %bitcast_convert_type3A_891 : vector<16xf32>
      %get3A_894 = arith.constant 48 : index
      %get3A_895 = tpu.vector_load %arg9[%get3A_894] {strides = array<i32>} : memref<208xi32, #tpu.memory_space<vmem>>, vector<16xi32>,
      %get3A_896 = vector.shape_cast %get3A_895 : vector<16xi32> to vector<16xi32>
      %shift_left3A_897 = arith.constant 16 : i32
      %shift_left3A_898 = vector.broadcast %shift_left3A_897 : i32 to vector<16xi32>
      %shift_left3A_899 = arith.shli %get3A_896, %shift_left3A_898 : vector<16xi32>
      %bitcast_convert_type3A_900 = tpu.bitcast %shift_left3A_899 : vector<16xi32> -> vector<16xf32>
      %and3A_901 = arith.andi %get3A_896, %broadcast_in_dim3A_9 : vector<16xi32>
      %bitcast_convert_type3A_902 = tpu.bitcast %and3A_901 : vector<16xi32> -> vector<16xf32>
      %add3A_903 = arith.addf %add3A_881, %bitcast_convert_type3A_900 : vector<16xf32>
      %add3A_904 = arith.addf %add3A_882, %bitcast_convert_type3A_902 : vector<16xf32>
      %get3A_905 = arith.constant 64 : index
      %get3A_906 = tpu.vector_load %arg9[%get3A_905] {strides = array<i32>} : memref<208xi32, #tpu.memory_space<vmem>>, vector<16xi32>,
      %get3A_907 = vector.shape_cast %get3A_906 : vector<16xi32> to vector<16xi32>
      %shift_left3A_908 = arith.constant 16 : i32
      %shift_left3A_909 = vector.broadcast %shift_left3A_908 : i32 to vector<16xi32>
      %shift_left3A_910 = arith.shli %get3A_907, %shift_left3A_909 : vector<16xi32>
      %bitcast_convert_type3A_911 = tpu.bitcast %shift_left3A_910 : vector<16xi32> -> vector<16xf32>
      %and3A_912 = arith.andi %get3A_907, %broadcast_in_dim3A_9 : vector<16xi32>
      %bitcast_convert_type3A_913 = tpu.bitcast %and3A_912 : vector<16xi32> -> vector<16xf32>
      %add3A_914 = arith.addf %add3A_892, %bitcast_convert_type3A_911 : vector<16xf32>
      %add3A_915 = arith.addf %add3A_893, %bitcast_convert_type3A_913 : vector<16xf32>
      %get3A_916 = arith.constant 80 : index
      %get3A_917 = tpu.vector_load %arg9[%get3A_916] {strides = array<i32>} : memref<208xi32, #tpu.memory_space<vmem>>, vector<16xi32>,
      %get3A_918 = vector.shape_cast %get3A_917 : vector<16xi32> to vector<16xi32>
      %shift_left3A_919 = arith.constant 16 : i32
      %shift_left3A_920 = vector.broadcast %shift_left3A_919 : i32 to vector<16xi32>
      %shift_left3A_921 = arith.shli %get3A_918, %shift_left3A_920 : vector<16xi32>
      %bitcast_convert_type3A_922 = tpu.bitcast %shift_left3A_921 : vector<16xi32> -> vector<16xf32>
      %and3A_923 = arith.andi %get3A_918, %broadcast_in_dim3A_9 : vector<16xi32>
      %bitcast_convert_type3A_924 = tpu.bitcast %and3A_923 : vector<16xi32> -> vector<16xf32>
      %add3A_925 = arith.addf %add3A_903, %bitcast_convert_type3A_922 : vector<16xf32>
      %add3A_926 = arith.addf %add3A_904, %bitcast_convert_type3A_924 : vector<16xf32>
      %get3A_927 = arith.constant 96 : index
      %get3A_928 = tpu.vector_load %arg9[%get3A_927] {strides = array<i32>} : memref<208xi32, #tpu.memory_space<vmem>>, vector<16xi32>,
      %get3A_929 = vector.shape_cast %get3A_928 : vector<16xi32> to vector<16xi32>
      %shift_left3A_930 = arith.constant 16 : i32
      %shift_left3A_931 = vector.broadcast %shift_left3A_930 : i32 to vector<16xi32>
      %shift_left3A_932 = arith.shli %get3A_929, %shift_left3A_931 : vector<16xi32>
      %bitcast_convert_type3A_933 = tpu.bitcast %shift_left3A_932 : vector<16xi32> -> vector<16xf32>
      %and3A_934 = arith.andi %get3A_929, %broadcast_in_dim3A_9 : vector<16xi32>
      %bitcast_convert_type3A_935 = tpu.bitcast %and3A_934 : vector<16xi32> -> vector<16xf32>
      %add3A_936 = arith.addf %add3A_914, %bitcast_convert_type3A_933 : vector<16xf32>
      %add3A_937 = arith.addf %add3A_915, %bitcast_convert_type3A_935 : vector<16xf32>
      %get3A_938 = arith.constant 112 : index
      %get3A_939 = tpu.vector_load %arg9[%get3A_938] {strides = array<i32>} : memref<208xi32, #tpu.memory_space<vmem>>, vector<16xi32>,
      %get3A_940 = vector.shape_cast %get3A_939 : vector<16xi32> to vector<16xi32>
      %shift_left3A_941 = arith.constant 16 : i32
      %shift_left3A_942 = vector.broadcast %shift_left3A_941 : i32 to vector<16xi32>
      %shift_left3A_943 = arith.shli %get3A_940, %shift_left3A_942 : vector<16xi32>
      %bitcast_convert_type3A_944 = tpu.bitcast %shift_left3A_943 : vector<16xi32> -> vector<16xf32>
      %and3A_945 = arith.andi %get3A_940, %broadcast_in_dim3A_9 : vector<16xi32>
      %bitcast_convert_type3A_946 = tpu.bitcast %and3A_945 : vector<16xi32> -> vector<16xf32>
      %add3A_947 = arith.addf %add3A_925, %bitcast_convert_type3A_944 : vector<16xf32>
      %add3A_948 = arith.addf %add3A_926, %bitcast_convert_type3A_946 : vector<16xf32>
      %get3A_949 = arith.constant 128 : index
      %get3A_950 = tpu.vector_load %arg9[%get3A_949] {strides = array<i32>} : memref<208xi32, #tpu.memory_space<vmem>>, vector<16xi32>,
      %get3A_951 = vector.shape_cast %get3A_950 : vector<16xi32> to vector<16xi32>
      %shift_left3A_952 = arith.constant 16 : i32
      %shift_left3A_953 = vector.broadcast %shift_left3A_952 : i32 to vector<16xi32>
      %shift_left3A_954 = arith.shli %get3A_951, %shift_left3A_953 : vector<16xi32>
      %bitcast_convert_type3A_955 = tpu.bitcast %shift_left3A_954 : vector<16xi32> -> vector<16xf32>
      %and3A_956 = arith.andi %get3A_951, %broadcast_in_dim3A_9 : vector<16xi32>
      %bitcast_convert_type3A_957 = tpu.bitcast %and3A_956 : vector<16xi32> -> vector<16xf32>
      %add3A_958 = arith.addf %add3A_936, %bitcast_convert_type3A_955 : vector<16xf32>
      %add3A_959 = arith.addf %add3A_937, %bitcast_convert_type3A_957 : vector<16xf32>
      %get3A_960 = arith.constant 144 : index
      %get3A_961 = tpu.vector_load %arg9[%get3A_960] {strides = array<i32>} : memref<208xi32, #tpu.memory_space<vmem>>, vector<16xi32>,
      %get3A_962 = vector.shape_cast %get3A_961 : vector<16xi32> to vector<16xi32>
      %shift_left3A_963 = arith.constant 16 : i32
      %shift_left3A_964 = vector.broadcast %shift_left3A_963 : i32 to vector<16xi32>
      %shift_left3A_965 = arith.shli %get3A_962, %shift_left3A_964 : vector<16xi32>
      %bitcast_convert_type3A_966 = tpu.bitcast %shift_left3A_965 : vector<16xi32> -> vector<16xf32>
      %and3A_967 = arith.andi %get3A_962, %broadcast_in_dim3A_9 : vector<16xi32>
      %bitcast_convert_type3A_968 = tpu.bitcast %and3A_967 : vector<16xi32> -> vector<16xf32>
      %add3A_969 = arith.addf %add3A_947, %bitcast_convert_type3A_966 : vector<16xf32>
      %add3A_970 = arith.addf %add3A_948, %bitcast_convert_type3A_968 : vector<16xf32>
      %get3A_971 = arith.constant 160 : index
      %get3A_972 = tpu.vector_load %arg9[%get3A_971] {strides = array<i32>} : memref<208xi32, #tpu.memory_space<vmem>>, vector<16xi32>,
      %get3A_973 = vector.shape_cast %get3A_972 : vector<16xi32> to vector<16xi32>
      %shift_left3A_974 = arith.constant 16 : i32
      %shift_left3A_975 = vector.broadcast %shift_left3A_974 : i32 to vector<16xi32>
      %shift_left3A_976 = arith.shli %get3A_973, %shift_left3A_975 : vector<16xi32>
      %bitcast_convert_type3A_977 = tpu.bitcast %shift_left3A_976 : vector<16xi32> -> vector<16xf32>
      %and3A_978 = arith.andi %get3A_973, %broadcast_in_dim3A_9 : vector<16xi32>
      %bitcast_convert_type3A_979 = tpu.bitcast %and3A_978 : vector<16xi32> -> vector<16xf32>
      %add3A_980 = arith.addf %add3A_958, %bitcast_convert_type3A_977 : vector<16xf32>
      %add3A_981 = arith.addf %add3A_959, %bitcast_convert_type3A_979 : vector<16xf32>
      %get3A_982 = arith.constant 176 : index
      %get3A_983 = tpu.vector_load %arg9[%get3A_982] {strides = array<i32>} : memref<208xi32, #tpu.memory_space<vmem>>, vector<16xi32>,
      %get3A_984 = vector.shape_cast %get3A_983 : vector<16xi32> to vector<16xi32>
      %shift_left3A_985 = arith.constant 16 : i32
      %shift_left3A_986 = vector.broadcast %shift_left3A_985 : i32 to vector<16xi32>
      %shift_left3A_987 = arith.shli %get3A_984, %shift_left3A_986 : vector<16xi32>
      %bitcast_convert_type3A_988 = tpu.bitcast %shift_left3A_987 : vector<16xi32> -> vector<16xf32>
      %and3A_989 = arith.andi %get3A_984, %broadcast_in_dim3A_9 : vector<16xi32>
      %bitcast_convert_type3A_990 = tpu.bitcast %and3A_989 : vector<16xi32> -> vector<16xf32>
      %add3A_991 = arith.addf %add3A_969, %bitcast_convert_type3A_988 : vector<16xf32>
      %add3A_992 = arith.addf %add3A_970, %bitcast_convert_type3A_990 : vector<16xf32>
      %get3A_993 = arith.constant 192 : index
      %get3A_994 = tpu.vector_load %arg9[%get3A_993] {strides = array<i32>} : memref<208xi32, #tpu.memory_space<vmem>>, vector<16xi32>,
      %get3A_995 = vector.shape_cast %get3A_994 : vector<16xi32> to vector<16xi32>
      %shift_left3A_996 = arith.constant 16 : i32
      %shift_left3A_997 = vector.broadcast %shift_left3A_996 : i32 to vector<16xi32>
      %shift_left3A_998 = arith.shli %get3A_995, %shift_left3A_997 : vector<16xi32>
      %bitcast_convert_type3A_999 = tpu.bitcast %shift_left3A_998 : vector<16xi32> -> vector<16xf32>
      %and3A_1000 = arith.andi %get3A_995, %broadcast_in_dim3A_9 : vector<16xi32>
      %bitcast_convert_type3A_1001 = tpu.bitcast %and3A_1000 : vector<16xi32> -> vector<16xf32>
      %add3A_1002 = arith.addf %add3A_980, %bitcast_convert_type3A_999 : vector<16xf32>
      %add3A_1003 = arith.addf %add3A_981, %bitcast_convert_type3A_1001 : vector<16xf32>
      %add3A_1004 = arith.addf %add3A_1002, %add3A_991 : vector<16xf32>
      %xor3A_1005 = arith.constant 1 : i32
      %xor3A_1006 = vector.broadcast %xor3A_1005 : i32 to vector<16xi32>
      %xor3A_1007 = arith.xori %iota3A, %xor3A_1006 : vector<16xi32>
      %broadcast_in_dim3A_1008 = vector.shape_cast %xor3A_1007 : vector<16xi32> to vector<16x1xi32>
      %gather3A_1009 = vector.shape_cast %broadcast_in_dim3A_1008 : vector<16x1xi32> to vector<16xi32>
      %gather3A_1010 = tpu.dynamic_gather %add3A_1004[%gather3A_1009] in [0] : vector<16xf32>, vector<16xi32> -> vector<16xf32>
      %add3A_1011 = arith.addf %add3A_1004, %gather3A_1010 : vector<16xf32>
      %xor3A_1012 = arith.constant 2 : i32
      %xor3A_1013 = vector.broadcast %xor3A_1012 : i32 to vector<16xi32>
      %xor3A_1014 = arith.xori %iota3A, %xor3A_1013 : vector<16xi32>
      %broadcast_in_dim3A_1015 = vector.shape_cast %xor3A_1014 : vector<16xi32> to vector<16x1xi32>
      %gather3A_1016 = vector.shape_cast %broadcast_in_dim3A_1015 : vector<16x1xi32> to vector<16xi32>
      %gather3A_1017 = tpu.dynamic_gather %add3A_1011[%gather3A_1016] in [0] : vector<16xf32>, vector<16xi32> -> vector<16xf32>
      %add3A_1018 = arith.addf %add3A_1011, %gather3A_1017 : vector<16xf32>
      %xor3A_1019 = arith.constant 4 : i32
      %xor3A_1020 = vector.broadcast %xor3A_1019 : i32 to vector<16xi32>
      %xor3A_1021 = arith.xori %iota3A, %xor3A_1020 : vector<16xi32>
      %broadcast_in_dim3A_1022 = vector.shape_cast %xor3A_1021 : vector<16xi32> to vector<16x1xi32>
      %gather3A_1023 = vector.shape_cast %broadcast_in_dim3A_1022 : vector<16x1xi32> to vector<16xi32>
      %gather3A_1024 = tpu.dynamic_gather %add3A_1018[%gather3A_1023] in [0] : vector<16xf32>, vector<16xi32> -> vector<16xf32>
      %add3A_1025 = arith.addf %add3A_1018, %gather3A_1024 : vector<16xf32>
      %xor3A_1026 = arith.constant 8 : i32
      %xor3A_1027 = vector.broadcast %xor3A_1026 : i32 to vector<16xi32>
      %xor3A_1028 = arith.xori %iota3A, %xor3A_1027 : vector<16xi32>
      %broadcast_in_dim3A_1029 = vector.shape_cast %xor3A_1028 : vector<16xi32> to vector<16x1xi32>
      %gather3A_1030 = vector.shape_cast %broadcast_in_dim3A_1029 : vector<16x1xi32> to vector<16xi32>
      %gather3A_1031 = tpu.dynamic_gather %add3A_1025[%gather3A_1030] in [0] : vector<16xf32>, vector<16xi32> -> vector<16xf32>
      %add3A_1032 = arith.addf %add3A_1025, %gather3A_1031 : vector<16xf32>
      %add3A_1033 = arith.addf %add3A_1003, %add3A_992 : vector<16xf32>
      %xor3A_1034 = arith.constant 1 : i32
      %xor3A_1035 = vector.broadcast %xor3A_1034 : i32 to vector<16xi32>
      %xor3A_1036 = arith.xori %iota3A, %xor3A_1035 : vector<16xi32>
      %broadcast_in_dim3A_1037 = vector.shape_cast %xor3A_1036 : vector<16xi32> to vector<16x1xi32>
      %gather3A_1038 = vector.shape_cast %broadcast_in_dim3A_1037 : vector<16x1xi32> to vector<16xi32>
      %gather3A_1039 = tpu.dynamic_gather %add3A_1033[%gather3A_1038] in [0] : vector<16xf32>, vector<16xi32> -> vector<16xf32>
      %add3A_1040 = arith.addf %add3A_1033, %gather3A_1039 : vector<16xf32>
      %xor3A_1041 = arith.constant 2 : i32
      %xor3A_1042 = vector.broadcast %xor3A_1041 : i32 to vector<16xi32>
      %xor3A_1043 = arith.xori %iota3A, %xor3A_1042 : vector<16xi32>
      %broadcast_in_dim3A_1044 = vector.shape_cast %xor3A_1043 : vector<16xi32> to vector<16x1xi32>
      %gather3A_1045 = vector.shape_cast %broadcast_in_dim3A_1044 : vector<16x1xi32> to vector<16xi32>
      %gather3A_1046 = tpu.dynamic_gather %add3A_1040[%gather3A_1045] in [0] : vector<16xf32>, vector<16xi32> -> vector<16xf32>
      %add3A_1047 = arith.addf %add3A_1040, %gather3A_1046 : vector<16xf32>
      %xor3A_1048 = arith.constant 4 : i32
      %xor3A_1049 = vector.broadcast %xor3A_1048 : i32 to vector<16xi32>
      %xor3A_1050 = arith.xori %iota3A, %xor3A_1049 : vector<16xi32>
      %broadcast_in_dim3A_1051 = vector.shape_cast %xor3A_1050 : vector<16xi32> to vector<16x1xi32>
      %gather3A_1052 = vector.shape_cast %broadcast_in_dim3A_1051 : vector<16x1xi32> to vector<16xi32>
      %gather3A_1053 = tpu.dynamic_gather %add3A_1047[%gather3A_1052] in [0] : vector<16xf32>, vector<16xi32> -> vector<16xf32>
      %add3A_1054 = arith.addf %add3A_1047, %gather3A_1053 : vector<16xf32>
      %xor3A_1055 = arith.constant 8 : i32
      %xor3A_1056 = vector.broadcast %xor3A_1055 : i32 to vector<16xi32>
      %xor3A_1057 = arith.xori %iota3A, %xor3A_1056 : vector<16xi32>
      %broadcast_in_dim3A_1058 = vector.shape_cast %xor3A_1057 : vector<16xi32> to vector<16x1xi32>
      %gather3A_1059 = vector.shape_cast %broadcast_in_dim3A_1058 : vector<16x1xi32> to vector<16xi32>
      %gather3A_1060 = tpu.dynamic_gather %add3A_1054[%gather3A_1059] in [0] : vector<16xf32>, vector<16xi32> -> vector<16xf32>
      %add3A_1061 = arith.addf %add3A_1054, %gather3A_1060 : vector<16xf32>
      %eq3A_1062 = arith.constant 1 : i32
      %eq3A_1063 = vector.broadcast %eq3A_1062 : i32 to vector<16xi32>
      %eq3A_1064 = arith.cmpi eq, %iota3A, %eq3A_1063 : vector<16xi32>
      %select_n3A_1065 = arith.select %eq3A_1064, %add3A_1061, %add3A_1032 : vector<16xi1>, vector<16xf32>
      %exp3A_1066 = math.exp %select_n3A_1065 : vector<16xf32>
      %xor3A_1067 = arith.constant 1 : i32
      %xor3A_1068 = vector.broadcast %xor3A_1067 : i32 to vector<16xi32>
      %xor3A_1069 = arith.xori %iota3A, %xor3A_1068 : vector<16xi32>
      %broadcast_in_dim3A_1070 = vector.shape_cast %xor3A_1069 : vector<16xi32> to vector<16x1xi32>
      %gather3A_1071 = vector.shape_cast %broadcast_in_dim3A_1070 : vector<16x1xi32> to vector<16xi32>
      %gather3A_1072 = tpu.dynamic_gather %exp3A_1066[%gather3A_1071] in [0] : vector<16xf32>, vector<16xi32> -> vector<16xf32>
      %add3A_1073 = arith.addf %exp3A_1066, %gather3A_1072 : vector<16xf32>
      %div3A_1074 = arith.divf %exp3A_1066, %add3A_1073 : vector<16xf32>
      %mul3A_1075 = arith.constant 16 : i32
      %mul3A_1076 = arith.muli %add3A_852, %mul3A_1075 : i32
      %swap3A_1077 = arith.index_cast %mul3A_1076 : i32 to index
      %swap3A_1078 = tpu.vector_load %arg14[%swap3A_1077] {strides = array<i32>} : memref<2048xf32, #tpu.memory_space<vmem>>, vector<16xf32>,
      %swap3A_1079 = vector.shape_cast %swap3A_1078 : vector<16xf32> to vector<16xf32>
      %swap3A_1080 = vector.shape_cast %div3A_1074 : vector<16xf32> to vector<16xf32>
      tpu.vector_store %arg14[%swap3A_1077], %swap3A_1080 {strides = array<i32>} : memref<2048xf32, #tpu.memory_space<vmem>>, vector<16xf32>,
      %add3A_1081 = arith.constant 8 : i32
      %add3A_1082 = arith.addi %add3A_852, %add3A_1081 : i32
      %lt3A_1083 = arith.constant 128 : i32
      %lt3A_1084 = arith.cmpi slt, %add3A_1082, %lt3A_1083 : i32
      %convert_element_type3A_1085 = arith.extui %lt3A_1084 : i1 to i32
      %cond3A_1086 = arith.constant 0 : i32
      %cond3A_1087 = arith.cmpi ne, %convert_element_type3A_1085, %cond3A_1086 : i32
      scf.if %cond3A_1087 {
        %add3A_2045 = arith.constant 8 : i32
        %add3A_2046 = arith.addi %add3A_852, %add3A_2045 : i32
        %mul3A_2047 = arith.constant 200 : i32
        %mul3A_2048 = arith.muli %add3A_2046, %mul3A_2047 : i32
        %dma_start3A_2049 = arith.constant 0 : i32
        %dma_start3A_2050 = tpu.memref_slice %arg9[%dma_start3A_2049] : memref<208xi32, #tpu.memory_space<vmem>> -> memref<96xi32, #tpu.memory_space<vmem>>
        %dma_start3A_2051 = tpu.memref_slice %arg5[%mul3A_2048] : memref<25600xi32, #tpu.memory_space<vmem>> -> memref<96xi32, #tpu.memory_space<vmem>>
        %dma_start3A_2052 = arith.constant 0 : i32
        %dma_start3A_2053 = tpu.memref_slice %arg2[%dma_start3A_2052] : memref<1600000xi32, #tpu.memory_space<hbm>> -> memref<1600000xi32, #tpu.memory_space<hbm>>
        tpu.enqueue_indirect_dma source(%dma_start3A_2053 : memref<1600000xi32, #tpu.memory_space<hbm>>) target(%dma_start3A_2050 : memref<96xi32, #tpu.memory_space<vmem>>) offsets(%dma_start3A_2051 : memref<96xi32, #tpu.memory_space<vmem>>) semaphore(%arg18 : memref<!tpu.dma_semaphore, #tpu.memory_space<semaphore_mem>>)
        %add3A_2054 = arith.constant 96 : i32
        %add3A_2055 = arith.addi %mul3A_2048, %add3A_2054 : i32
        %dma_start3A_2056 = arith.constant 96 : i32
        %dma_start3A_2057 = tpu.memref_slice %arg9[%dma_start3A_2056] : memref<208xi32, #tpu.memory_space<vmem>> -> memref<104xi32, #tpu.memory_space<vmem>>
        %dma_start3A_2058 = tpu.memref_slice %arg5[%add3A_2055] : memref<25600xi32, #tpu.memory_space<vmem>> -> memref<104xi32, #tpu.memory_space<vmem>>
        %dma_start3A_2059 = arith.constant 0 : i32
        %dma_start3A_2060 = tpu.memref_slice %arg2[%dma_start3A_2059] : memref<1600000xi32, #tpu.memory_space<hbm>> -> memref<1600000xi32, #tpu.memory_space<hbm>>
        tpu.enqueue_indirect_dma source(%dma_start3A_2060 : memref<1600000xi32, #tpu.memory_space<hbm>>) target(%dma_start3A_2057 : memref<104xi32, #tpu.memory_space<vmem>>) offsets(%dma_start3A_2058 : memref<104xi32, #tpu.memory_space<vmem>>) semaphore(%arg18 : memref<!tpu.dma_semaphore, #tpu.memory_space<semaphore_mem>>)
      } else {
      }
      %mul3A_1088 = arith.constant 8 : i32
      %mul3A_1089 = arith.muli %scan3A_144, %mul3A_1088 : i32
      %add3A_1090 = arith.constant 4 : i32
      %add3A_1091 = arith.addi %mul3A_1089, %add3A_1090 : i32
      %dma_wait3A_1092 = arith.constant 0 : i32
      %dma_wait3A_1093 = tpu.memref_slice %arg10[%dma_wait3A_1092] : memref<208xi32, #tpu.memory_space<vmem>> -> memref<200xi32, #tpu.memory_space<vmem>>
      %dma_wait3A_1094 = arith.constant 0 : i32
      %dma_wait3A_1095 = tpu.memref_slice %arg2[%dma_wait3A_1094] : memref<1600000xi32, #tpu.memory_space<hbm>> -> memref<200xi32, #tpu.memory_space<hbm>>
      %dma_wait3A_1096 = arith.constant 0 : i32
      %dma_wait3A_1097 = tpu.memref_slice %arg10[%dma_wait3A_1096] : memref<208xi32, #tpu.memory_space<vmem>> -> memref<200xi32, #tpu.memory_space<vmem>>
      %dma_wait3A_1098 = arith.constant 0 : i32
      %dma_wait3A_1099 = tpu.memref_slice %arg2[%dma_wait3A_1098] : memref<1600000xi32, #tpu.memory_space<hbm>> -> memref<200xi32, #tpu.memory_space<hbm>>
      tpu.wait_dma2 semaphore(%arg19 : memref<!tpu.dma_semaphore, #tpu.memory_space<semaphore_mem>>) src(%dma_wait3A_1099 : memref<200xi32, #tpu.memory_space<hbm>>) dst(%dma_wait3A_1097 : memref<200xi32, #tpu.memory_space<vmem>>)
      %get3A_1100 = arith.constant 0 : index
      %get3A_1101 = tpu.vector_load %arg10[%get3A_1100] {strides = array<i32>} : memref<208xi32, #tpu.memory_space<vmem>>, vector<16xi32>,
      %get3A_1102 = vector.shape_cast %get3A_1101 : vector<16xi32> to vector<16xi32>
      %shift_left3A_1103 = arith.constant 16 : i32
      %shift_left3A_1104 = vector.broadcast %shift_left3A_1103 : i32 to vector<16xi32>
      %shift_left3A_1105 = arith.shli %get3A_1102, %shift_left3A_1104 : vector<16xi32>
      %bitcast_convert_type3A_1106 = tpu.bitcast %shift_left3A_1105 : vector<16xi32> -> vector<16xf32>
      %and3A_1107 = arith.andi %get3A_1102, %broadcast_in_dim3A_9 : vector<16xi32>
      %bitcast_convert_type3A_1108 = tpu.bitcast %and3A_1107 : vector<16xi32> -> vector<16xf32>
      %add3A_1109 = arith.addf %broadcast_in_dim3A_5, %bitcast_convert_type3A_1106 : vector<16xf32>
      %add3A_1110 = arith.addf %broadcast_in_dim3A_5, %bitcast_convert_type3A_1108 : vector<16xf32>
      %get3A_1111 = arith.constant 16 : index
      %get3A_1112 = tpu.vector_load %arg10[%get3A_1111] {strides = array<i32>} : memref<208xi32, #tpu.memory_space<vmem>>, vector<16xi32>,
      %get3A_1113 = vector.shape_cast %get3A_1112 : vector<16xi32> to vector<16xi32>
      %shift_left3A_1114 = arith.constant 16 : i32
      %shift_left3A_1115 = vector.broadcast %shift_left3A_1114 : i32 to vector<16xi32>
      %shift_left3A_1116 = arith.shli %get3A_1113, %shift_left3A_1115 : vector<16xi32>
      %bitcast_convert_type3A_1117 = tpu.bitcast %shift_left3A_1116 : vector<16xi32> -> vector<16xf32>
      %and3A_1118 = arith.andi %get3A_1113, %broadcast_in_dim3A_9 : vector<16xi32>
      %bitcast_convert_type3A_1119 = tpu.bitcast %and3A_1118 : vector<16xi32> -> vector<16xf32>
      %add3A_1120 = arith.addf %broadcast_in_dim3A_5, %bitcast_convert_type3A_1117 : vector<16xf32>
      %add3A_1121 = arith.addf %broadcast_in_dim3A_5, %bitcast_convert_type3A_1119 : vector<16xf32>
      %get3A_1122 = arith.constant 32 : index
      %get3A_1123 = tpu.vector_load %arg10[%get3A_1122] {strides = array<i32>} : memref<208xi32, #tpu.memory_space<vmem>>, vector<16xi32>,
      %get3A_1124 = vector.shape_cast %get3A_1123 : vector<16xi32> to vector<16xi32>
      %shift_left3A_1125 = arith.constant 16 : i32
      %shift_left3A_1126 = vector.broadcast %shift_left3A_1125 : i32 to vector<16xi32>
      %shift_left3A_1127 = arith.shli %get3A_1124, %shift_left3A_1126 : vector<16xi32>
      %bitcast_convert_type3A_1128 = tpu.bitcast %shift_left3A_1127 : vector<16xi32> -> vector<16xf32>
      %and3A_1129 = arith.andi %get3A_1124, %broadcast_in_dim3A_9 : vector<16xi32>
      %bitcast_convert_type3A_1130 = tpu.bitcast %and3A_1129 : vector<16xi32> -> vector<16xf32>
      %add3A_1131 = arith.addf %add3A_1109, %bitcast_convert_type3A_1128 : vector<16xf32>
      %add3A_1132 = arith.addf %add3A_1110, %bitcast_convert_type3A_1130 : vector<16xf32>
      %get3A_1133 = arith.constant 48 : index
      %get3A_1134 = tpu.vector_load %arg10[%get3A_1133] {strides = array<i32>} : memref<208xi32, #tpu.memory_space<vmem>>, vector<16xi32>,
      %get3A_1135 = vector.shape_cast %get3A_1134 : vector<16xi32> to vector<16xi32>
      %shift_left3A_1136 = arith.constant 16 : i32
      %shift_left3A_1137 = vector.broadcast %shift_left3A_1136 : i32 to vector<16xi32>
      %shift_left3A_1138 = arith.shli %get3A_1135, %shift_left3A_1137 : vector<16xi32>
      %bitcast_convert_type3A_1139 = tpu.bitcast %shift_left3A_1138 : vector<16xi32> -> vector<16xf32>
      %and3A_1140 = arith.andi %get3A_1135, %broadcast_in_dim3A_9 : vector<16xi32>
      %bitcast_convert_type3A_1141 = tpu.bitcast %and3A_1140 : vector<16xi32> -> vector<16xf32>
      %add3A_1142 = arith.addf %add3A_1120, %bitcast_convert_type3A_1139 : vector<16xf32>
      %add3A_1143 = arith.addf %add3A_1121, %bitcast_convert_type3A_1141 : vector<16xf32>
      %get3A_1144 = arith.constant 64 : index
      %get3A_1145 = tpu.vector_load %arg10[%get3A_1144] {strides = array<i32>} : memref<208xi32, #tpu.memory_space<vmem>>, vector<16xi32>,
      %get3A_1146 = vector.shape_cast %get3A_1145 : vector<16xi32> to vector<16xi32>
      %shift_left3A_1147 = arith.constant 16 : i32
      %shift_left3A_1148 = vector.broadcast %shift_left3A_1147 : i32 to vector<16xi32>
      %shift_left3A_1149 = arith.shli %get3A_1146, %shift_left3A_1148 : vector<16xi32>
      %bitcast_convert_type3A_1150 = tpu.bitcast %shift_left3A_1149 : vector<16xi32> -> vector<16xf32>
      %and3A_1151 = arith.andi %get3A_1146, %broadcast_in_dim3A_9 : vector<16xi32>
      %bitcast_convert_type3A_1152 = tpu.bitcast %and3A_1151 : vector<16xi32> -> vector<16xf32>
      %add3A_1153 = arith.addf %add3A_1131, %bitcast_convert_type3A_1150 : vector<16xf32>
      %add3A_1154 = arith.addf %add3A_1132, %bitcast_convert_type3A_1152 : vector<16xf32>
      %get3A_1155 = arith.constant 80 : index
      %get3A_1156 = tpu.vector_load %arg10[%get3A_1155] {strides = array<i32>} : memref<208xi32, #tpu.memory_space<vmem>>, vector<16xi32>,
      %get3A_1157 = vector.shape_cast %get3A_1156 : vector<16xi32> to vector<16xi32>
      %shift_left3A_1158 = arith.constant 16 : i32
      %shift_left3A_1159 = vector.broadcast %shift_left3A_1158 : i32 to vector<16xi32>
      %shift_left3A_1160 = arith.shli %get3A_1157, %shift_left3A_1159 : vector<16xi32>
      %bitcast_convert_type3A_1161 = tpu.bitcast %shift_left3A_1160 : vector<16xi32> -> vector<16xf32>
      %and3A_1162 = arith.andi %get3A_1157, %broadcast_in_dim3A_9 : vector<16xi32>
      %bitcast_convert_type3A_1163 = tpu.bitcast %and3A_1162 : vector<16xi32> -> vector<16xf32>
      %add3A_1164 = arith.addf %add3A_1142, %bitcast_convert_type3A_1161 : vector<16xf32>
      %add3A_1165 = arith.addf %add3A_1143, %bitcast_convert_type3A_1163 : vector<16xf32>
      %get3A_1166 = arith.constant 96 : index
      %get3A_1167 = tpu.vector_load %arg10[%get3A_1166] {strides = array<i32>} : memref<208xi32, #tpu.memory_space<vmem>>, vector<16xi32>,
      %get3A_1168 = vector.shape_cast %get3A_1167 : vector<16xi32> to vector<16xi32>
      %shift_left3A_1169 = arith.constant 16 : i32
      %shift_left3A_1170 = vector.broadcast %shift_left3A_1169 : i32 to vector<16xi32>
      %shift_left3A_1171 = arith.shli %get3A_1168, %shift_left3A_1170 : vector<16xi32>
      %bitcast_convert_type3A_1172 = tpu.bitcast %shift_left3A_1171 : vector<16xi32> -> vector<16xf32>
      %and3A_1173 = arith.andi %get3A_1168, %broadcast_in_dim3A_9 : vector<16xi32>
      %bitcast_convert_type3A_1174 = tpu.bitcast %and3A_1173 : vector<16xi32> -> vector<16xf32>
      %add3A_1175 = arith.addf %add3A_1153, %bitcast_convert_type3A_1172 : vector<16xf32>
      %add3A_1176 = arith.addf %add3A_1154, %bitcast_convert_type3A_1174 : vector<16xf32>
      %get3A_1177 = arith.constant 112 : index
      %get3A_1178 = tpu.vector_load %arg10[%get3A_1177] {strides = array<i32>} : memref<208xi32, #tpu.memory_space<vmem>>, vector<16xi32>,
      %get3A_1179 = vector.shape_cast %get3A_1178 : vector<16xi32> to vector<16xi32>
      %shift_left3A_1180 = arith.constant 16 : i32
      %shift_left3A_1181 = vector.broadcast %shift_left3A_1180 : i32 to vector<16xi32>
      %shift_left3A_1182 = arith.shli %get3A_1179, %shift_left3A_1181 : vector<16xi32>
      %bitcast_convert_type3A_1183 = tpu.bitcast %shift_left3A_1182 : vector<16xi32> -> vector<16xf32>
      %and3A_1184 = arith.andi %get3A_1179, %broadcast_in_dim3A_9 : vector<16xi32>
      %bitcast_convert_type3A_1185 = tpu.bitcast %and3A_1184 : vector<16xi32> -> vector<16xf32>
      %add3A_1186 = arith.addf %add3A_1164, %bitcast_convert_type3A_1183 : vector<16xf32>
      %add3A_1187 = arith.addf %add3A_1165, %bitcast_convert_type3A_1185 : vector<16xf32>
      %get3A_1188 = arith.constant 128 : index
      %get3A_1189 = tpu.vector_load %arg10[%get3A_1188] {strides = array<i32>} : memref<208xi32, #tpu.memory_space<vmem>>, vector<16xi32>,
      %get3A_1190 = vector.shape_cast %get3A_1189 : vector<16xi32> to vector<16xi32>
      %shift_left3A_1191 = arith.constant 16 : i32
      %shift_left3A_1192 = vector.broadcast %shift_left3A_1191 : i32 to vector<16xi32>
      %shift_left3A_1193 = arith.shli %get3A_1190, %shift_left3A_1192 : vector<16xi32>
      %bitcast_convert_type3A_1194 = tpu.bitcast %shift_left3A_1193 : vector<16xi32> -> vector<16xf32>
      %and3A_1195 = arith.andi %get3A_1190, %broadcast_in_dim3A_9 : vector<16xi32>
      %bitcast_convert_type3A_1196 = tpu.bitcast %and3A_1195 : vector<16xi32> -> vector<16xf32>
      %add3A_1197 = arith.addf %add3A_1175, %bitcast_convert_type3A_1194 : vector<16xf32>
      %add3A_1198 = arith.addf %add3A_1176, %bitcast_convert_type3A_1196 : vector<16xf32>
      %get3A_1199 = arith.constant 144 : index
      %get3A_1200 = tpu.vector_load %arg10[%get3A_1199] {strides = array<i32>} : memref<208xi32, #tpu.memory_space<vmem>>, vector<16xi32>,
      %get3A_1201 = vector.shape_cast %get3A_1200 : vector<16xi32> to vector<16xi32>
      %shift_left3A_1202 = arith.constant 16 : i32
      %shift_left3A_1203 = vector.broadcast %shift_left3A_1202 : i32 to vector<16xi32>
      %shift_left3A_1204 = arith.shli %get3A_1201, %shift_left3A_1203 : vector<16xi32>
      %bitcast_convert_type3A_1205 = tpu.bitcast %shift_left3A_1204 : vector<16xi32> -> vector<16xf32>
      %and3A_1206 = arith.andi %get3A_1201, %broadcast_in_dim3A_9 : vector<16xi32>
      %bitcast_convert_type3A_1207 = tpu.bitcast %and3A_1206 : vector<16xi32> -> vector<16xf32>
      %add3A_1208 = arith.addf %add3A_1186, %bitcast_convert_type3A_1205 : vector<16xf32>
      %add3A_1209 = arith.addf %add3A_1187, %bitcast_convert_type3A_1207 : vector<16xf32>
      %get3A_1210 = arith.constant 160 : index
      %get3A_1211 = tpu.vector_load %arg10[%get3A_1210] {strides = array<i32>} : memref<208xi32, #tpu.memory_space<vmem>>, vector<16xi32>,
      %get3A_1212 = vector.shape_cast %get3A_1211 : vector<16xi32> to vector<16xi32>
      %shift_left3A_1213 = arith.constant 16 : i32
      %shift_left3A_1214 = vector.broadcast %shift_left3A_1213 : i32 to vector<16xi32>
      %shift_left3A_1215 = arith.shli %get3A_1212, %shift_left3A_1214 : vector<16xi32>
      %bitcast_convert_type3A_1216 = tpu.bitcast %shift_left3A_1215 : vector<16xi32> -> vector<16xf32>
      %and3A_1217 = arith.andi %get3A_1212, %broadcast_in_dim3A_9 : vector<16xi32>
      %bitcast_convert_type3A_1218 = tpu.bitcast %and3A_1217 : vector<16xi32> -> vector<16xf32>
      %add3A_1219 = arith.addf %add3A_1197, %bitcast_convert_type3A_1216 : vector<16xf32>
      %add3A_1220 = arith.addf %add3A_1198, %bitcast_convert_type3A_1218 : vector<16xf32>
      %get3A_1221 = arith.constant 176 : index
      %get3A_1222 = tpu.vector_load %arg10[%get3A_1221] {strides = array<i32>} : memref<208xi32, #tpu.memory_space<vmem>>, vector<16xi32>,
      %get3A_1223 = vector.shape_cast %get3A_1222 : vector<16xi32> to vector<16xi32>
      %shift_left3A_1224 = arith.constant 16 : i32
      %shift_left3A_1225 = vector.broadcast %shift_left3A_1224 : i32 to vector<16xi32>
      %shift_left3A_1226 = arith.shli %get3A_1223, %shift_left3A_1225 : vector<16xi32>
      %bitcast_convert_type3A_1227 = tpu.bitcast %shift_left3A_1226 : vector<16xi32> -> vector<16xf32>
      %and3A_1228 = arith.andi %get3A_1223, %broadcast_in_dim3A_9 : vector<16xi32>
      %bitcast_convert_type3A_1229 = tpu.bitcast %and3A_1228 : vector<16xi32> -> vector<16xf32>
      %add3A_1230 = arith.addf %add3A_1208, %bitcast_convert_type3A_1227 : vector<16xf32>
      %add3A_1231 = arith.addf %add3A_1209, %bitcast_convert_type3A_1229 : vector<16xf32>
      %get3A_1232 = arith.constant 192 : index
      %get3A_1233 = tpu.vector_load %arg10[%get3A_1232] {strides = array<i32>} : memref<208xi32, #tpu.memory_space<vmem>>, vector<16xi32>,
      %get3A_1234 = vector.shape_cast %get3A_1233 : vector<16xi32> to vector<16xi32>
      %shift_left3A_1235 = arith.constant 16 : i32
      %shift_left3A_1236 = vector.broadcast %shift_left3A_1235 : i32 to vector<16xi32>
      %shift_left3A_1237 = arith.shli %get3A_1234, %shift_left3A_1236 : vector<16xi32>
      %bitcast_convert_type3A_1238 = tpu.bitcast %shift_left3A_1237 : vector<16xi32> -> vector<16xf32>
      %and3A_1239 = arith.andi %get3A_1234, %broadcast_in_dim3A_9 : vector<16xi32>
      %bitcast_convert_type3A_1240 = tpu.bitcast %and3A_1239 : vector<16xi32> -> vector<16xf32>
      %add3A_1241 = arith.addf %add3A_1219, %bitcast_convert_type3A_1238 : vector<16xf32>
      %add3A_1242 = arith.addf %add3A_1220, %bitcast_convert_type3A_1240 : vector<16xf32>
      %add3A_1243 = arith.addf %add3A_1241, %add3A_1230 : vector<16xf32>
      %xor3A_1244 = arith.constant 1 : i32
      %xor3A_1245 = vector.broadcast %xor3A_1244 : i32 to vector<16xi32>
      %xor3A_1246 = arith.xori %iota3A, %xor3A_1245 : vector<16xi32>
      %broadcast_in_dim3A_1247 = vector.shape_cast %xor3A_1246 : vector<16xi32> to vector<16x1xi32>
      %gather3A_1248 = vector.shape_cast %broadcast_in_dim3A_1247 : vector<16x1xi32> to vector<16xi32>
      %gather3A_1249 = tpu.dynamic_gather %add3A_1243[%gather3A_1248] in [0] : vector<16xf32>, vector<16xi32> -> vector<16xf32>
      %add3A_1250 = arith.addf %add3A_1243, %gather3A_1249 : vector<16xf32>
      %xor3A_1251 = arith.constant 2 : i32
      %xor3A_1252 = vector.broadcast %xor3A_1251 : i32 to vector<16xi32>
      %xor3A_1253 = arith.xori %iota3A, %xor3A_1252 : vector<16xi32>
      %broadcast_in_dim3A_1254 = vector.shape_cast %xor3A_1253 : vector<16xi32> to vector<16x1xi32>
      %gather3A_1255 = vector.shape_cast %broadcast_in_dim3A_1254 : vector<16x1xi32> to vector<16xi32>
      %gather3A_1256 = tpu.dynamic_gather %add3A_1250[%gather3A_1255] in [0] : vector<16xf32>, vector<16xi32> -> vector<16xf32>
      %add3A_1257 = arith.addf %add3A_1250, %gather3A_1256 : vector<16xf32>
      %xor3A_1258 = arith.constant 4 : i32
      %xor3A_1259 = vector.broadcast %xor3A_1258 : i32 to vector<16xi32>
      %xor3A_1260 = arith.xori %iota3A, %xor3A_1259 : vector<16xi32>
      %broadcast_in_dim3A_1261 = vector.shape_cast %xor3A_1260 : vector<16xi32> to vector<16x1xi32>
      %gather3A_1262 = vector.shape_cast %broadcast_in_dim3A_1261 : vector<16x1xi32> to vector<16xi32>
      %gather3A_1263 = tpu.dynamic_gather %add3A_1257[%gather3A_1262] in [0] : vector<16xf32>, vector<16xi32> -> vector<16xf32>
      %add3A_1264 = arith.addf %add3A_1257, %gather3A_1263 : vector<16xf32>
      %xor3A_1265 = arith.constant 8 : i32
      %xor3A_1266 = vector.broadcast %xor3A_1265 : i32 to vector<16xi32>
      %xor3A_1267 = arith.xori %iota3A, %xor3A_1266 : vector<16xi32>
      %broadcast_in_dim3A_1268 = vector.shape_cast %xor3A_1267 : vector<16xi32> to vector<16x1xi32>
      %gather3A_1269 = vector.shape_cast %broadcast_in_dim3A_1268 : vector<16x1xi32> to vector<16xi32>
      %gather3A_1270 = tpu.dynamic_gather %add3A_1264[%gather3A_1269] in [0] : vector<16xf32>, vector<16xi32> -> vector<16xf32>
      %add3A_1271 = arith.addf %add3A_1264, %gather3A_1270 : vector<16xf32>
      %add3A_1272 = arith.addf %add3A_1242, %add3A_1231 : vector<16xf32>
      %xor3A_1273 = arith.constant 1 : i32
      %xor3A_1274 = vector.broadcast %xor3A_1273 : i32 to vector<16xi32>
      %xor3A_1275 = arith.xori %iota3A, %xor3A_1274 : vector<16xi32>
      %broadcast_in_dim3A_1276 = vector.shape_cast %xor3A_1275 : vector<16xi32> to vector<16x1xi32>
      %gather3A_1277 = vector.shape_cast %broadcast_in_dim3A_1276 : vector<16x1xi32> to vector<16xi32>
      %gather3A_1278 = tpu.dynamic_gather %add3A_1272[%gather3A_1277] in [0] : vector<16xf32>, vector<16xi32> -> vector<16xf32>
      %add3A_1279 = arith.addf %add3A_1272, %gather3A_1278 : vector<16xf32>
      %xor3A_1280 = arith.constant 2 : i32
      %xor3A_1281 = vector.broadcast %xor3A_1280 : i32 to vector<16xi32>
      %xor3A_1282 = arith.xori %iota3A, %xor3A_1281 : vector<16xi32>
      %broadcast_in_dim3A_1283 = vector.shape_cast %xor3A_1282 : vector<16xi32> to vector<16x1xi32>
      %gather3A_1284 = vector.shape_cast %broadcast_in_dim3A_1283 : vector<16x1xi32> to vector<16xi32>
      %gather3A_1285 = tpu.dynamic_gather %add3A_1279[%gather3A_1284] in [0] : vector<16xf32>, vector<16xi32> -> vector<16xf32>
      %add3A_1286 = arith.addf %add3A_1279, %gather3A_1285 : vector<16xf32>
      %xor3A_1287 = arith.constant 4 : i32
      %xor3A_1288 = vector.broadcast %xor3A_1287 : i32 to vector<16xi32>
      %xor3A_1289 = arith.xori %iota3A, %xor3A_1288 : vector<16xi32>
      %broadcast_in_dim3A_1290 = vector.shape_cast %xor3A_1289 : vector<16xi32> to vector<16x1xi32>
      %gather3A_1291 = vector.shape_cast %broadcast_in_dim3A_1290 : vector<16x1xi32> to vector<16xi32>
      %gather3A_1292 = tpu.dynamic_gather %add3A_1286[%gather3A_1291] in [0] : vector<16xf32>, vector<16xi32> -> vector<16xf32>
      %add3A_1293 = arith.addf %add3A_1286, %gather3A_1292 : vector<16xf32>
      %xor3A_1294 = arith.constant 8 : i32
      %xor3A_1295 = vector.broadcast %xor3A_1294 : i32 to vector<16xi32>
      %xor3A_1296 = arith.xori %iota3A, %xor3A_1295 : vector<16xi32>
      %broadcast_in_dim3A_1297 = vector.shape_cast %xor3A_1296 : vector<16xi32> to vector<16x1xi32>
      %gather3A_1298 = vector.shape_cast %broadcast_in_dim3A_1297 : vector<16x1xi32> to vector<16xi32>
      %gather3A_1299 = tpu.dynamic_gather %add3A_1293[%gather3A_1298] in [0] : vector<16xf32>, vector<16xi32> -> vector<16xf32>
      %add3A_1300 = arith.addf %add3A_1293, %gather3A_1299 : vector<16xf32>
      %eq3A_1301 = arith.constant 1 : i32
      %eq3A_1302 = vector.broadcast %eq3A_1301 : i32 to vector<16xi32>
      %eq3A_1303 = arith.cmpi eq, %iota3A, %eq3A_1302 : vector<16xi32>
      %select_n3A_1304 = arith.select %eq3A_1303, %add3A_1300, %add3A_1271 : vector<16xi1>, vector<16xf32>
      %exp3A_1305 = math.exp %select_n3A_1304 : vector<16xf32>
      %xor3A_1306 = arith.constant 1 : i32
      %xor3A_1307 = vector.broadcast %xor3A_1306 : i32 to vector<16xi32>
      %xor3A_1308 = arith.xori %iota3A, %xor3A_1307 : vector<16xi32>
      %broadcast_in_dim3A_1309 = vector.shape_cast %xor3A_1308 : vector<16xi32> to vector<16x1xi32>
      %gather3A_1310 = vector.shape_cast %broadcast_in_dim3A_1309 : vector<16x1xi32> to vector<16xi32>
      %gather3A_1311 = tpu.dynamic_gather %exp3A_1305[%gather3A_1310] in [0] : vector<16xf32>, vector<16xi32> -> vector<16xf32>
      %add3A_1312 = arith.addf %exp3A_1305, %gather3A_1311 : vector<16xf32>
      %div3A_1313 = arith.divf %exp3A_1305, %add3A_1312 : vector<16xf32>
      %mul3A_1314 = arith.constant 16 : i32
      %mul3A_1315 = arith.muli %add3A_1091, %mul3A_1314 : i32
      %swap3A_1316 = arith.index_cast %mul3A_1315 : i32 to index
      %swap3A_1317 = tpu.vector_load %arg14[%swap3A_1316] {strides = array<i32>} : memref<2048xf32, #tpu.memory_space<vmem>>, vector<16xf32>,
      %swap3A_1318 = vector.shape_cast %swap3A_1317 : vector<16xf32> to vector<16xf32>
      %swap3A_1319 = vector.shape_cast %div3A_1313 : vector<16xf32> to vector<16xf32>
      tpu.vector_store %arg14[%swap3A_1316], %swap3A_1319 {strides = array<i32>} : memref<2048xf32, #tpu.memory_space<vmem>>, vector<16xf32>,
      %add3A_1320 = arith.constant 8 : i32
      %add3A_1321 = arith.addi %add3A_1091, %add3A_1320 : i32
      %lt3A_1322 = arith.constant 128 : i32
      %lt3A_1323 = arith.cmpi slt, %add3A_1321, %lt3A_1322 : i32
      %convert_element_type3A_1324 = arith.extui %lt3A_1323 : i1 to i32
      %cond3A_1325 = arith.constant 0 : i32
      %cond3A_1326 = arith.cmpi ne, %convert_element_type3A_1324, %cond3A_1325 : i32
      scf.if %cond3A_1326 {
        %add3A_2045 = arith.constant 8 : i32
        %add3A_2046 = arith.addi %add3A_1091, %add3A_2045 : i32
        %mul3A_2047 = arith.constant 200 : i32
        %mul3A_2048 = arith.muli %add3A_2046, %mul3A_2047 : i32
        %dma_start3A_2049 = arith.constant 0 : i32
        %dma_start3A_2050 = tpu.memref_slice %arg10[%dma_start3A_2049] : memref<208xi32, #tpu.memory_space<vmem>> -> memref<96xi32, #tpu.memory_space<vmem>>
        %dma_start3A_2051 = tpu.memref_slice %arg5[%mul3A_2048] : memref<25600xi32, #tpu.memory_space<vmem>> -> memref<96xi32, #tpu.memory_space<vmem>>
        %dma_start3A_2052 = arith.constant 0 : i32
        %dma_start3A_2053 = tpu.memref_slice %arg2[%dma_start3A_2052] : memref<1600000xi32, #tpu.memory_space<hbm>> -> memref<1600000xi32, #tpu.memory_space<hbm>>
        tpu.enqueue_indirect_dma source(%dma_start3A_2053 : memref<1600000xi32, #tpu.memory_space<hbm>>) target(%dma_start3A_2050 : memref<96xi32, #tpu.memory_space<vmem>>) offsets(%dma_start3A_2051 : memref<96xi32, #tpu.memory_space<vmem>>) semaphore(%arg19 : memref<!tpu.dma_semaphore, #tpu.memory_space<semaphore_mem>>)
        %add3A_2054 = arith.constant 96 : i32
        %add3A_2055 = arith.addi %mul3A_2048, %add3A_2054 : i32
        %dma_start3A_2056 = arith.constant 96 : i32
        %dma_start3A_2057 = tpu.memref_slice %arg10[%dma_start3A_2056] : memref<208xi32, #tpu.memory_space<vmem>> -> memref<104xi32, #tpu.memory_space<vmem>>
        %dma_start3A_2058 = tpu.memref_slice %arg5[%add3A_2055] : memref<25600xi32, #tpu.memory_space<vmem>> -> memref<104xi32, #tpu.memory_space<vmem>>
        %dma_start3A_2059 = arith.constant 0 : i32
        %dma_start3A_2060 = tpu.memref_slice %arg2[%dma_start3A_2059] : memref<1600000xi32, #tpu.memory_space<hbm>> -> memref<1600000xi32, #tpu.memory_space<hbm>>
        tpu.enqueue_indirect_dma source(%dma_start3A_2060 : memref<1600000xi32, #tpu.memory_space<hbm>>) target(%dma_start3A_2057 : memref<104xi32, #tpu.memory_space<vmem>>) offsets(%dma_start3A_2058 : memref<104xi32, #tpu.memory_space<vmem>>) semaphore(%arg19 : memref<!tpu.dma_semaphore, #tpu.memory_space<semaphore_mem>>)
      } else {
      }
      %mul3A_1327 = arith.constant 8 : i32
      %mul3A_1328 = arith.muli %scan3A_144, %mul3A_1327 : i32
      %add3A_1329 = arith.constant 5 : i32
      %add3A_1330 = arith.addi %mul3A_1328, %add3A_1329 : i32
      %dma_wait3A_1331 = arith.constant 0 : i32
      %dma_wait3A_1332 = tpu.memref_slice %arg11[%dma_wait3A_1331] : memref<208xi32, #tpu.memory_space<vmem>> -> memref<200xi32, #tpu.memory_space<vmem>>
      %dma_wait3A_1333 = arith.constant 0 : i32
      %dma_wait3A_1334 = tpu.memref_slice %arg2[%dma_wait3A_1333] : memref<1600000xi32, #tpu.memory_space<hbm>> -> memref<200xi32, #tpu.memory_space<hbm>>
      %dma_wait3A_1335 = arith.constant 0 : i32
      %dma_wait3A_1336 = tpu.memref_slice %arg11[%dma_wait3A_1335] : memref<208xi32, #tpu.memory_space<vmem>> -> memref<200xi32, #tpu.memory_space<vmem>>
      %dma_wait3A_1337 = arith.constant 0 : i32
      %dma_wait3A_1338 = tpu.memref_slice %arg2[%dma_wait3A_1337] : memref<1600000xi32, #tpu.memory_space<hbm>> -> memref<200xi32, #tpu.memory_space<hbm>>
      tpu.wait_dma2 semaphore(%arg20 : memref<!tpu.dma_semaphore, #tpu.memory_space<semaphore_mem>>) src(%dma_wait3A_1338 : memref<200xi32, #tpu.memory_space<hbm>>) dst(%dma_wait3A_1336 : memref<200xi32, #tpu.memory_space<vmem>>)
      %get3A_1339 = arith.constant 0 : index
      %get3A_1340 = tpu.vector_load %arg11[%get3A_1339] {strides = array<i32>} : memref<208xi32, #tpu.memory_space<vmem>>, vector<16xi32>,
      %get3A_1341 = vector.shape_cast %get3A_1340 : vector<16xi32> to vector<16xi32>
      %shift_left3A_1342 = arith.constant 16 : i32
      %shift_left3A_1343 = vector.broadcast %shift_left3A_1342 : i32 to vector<16xi32>
      %shift_left3A_1344 = arith.shli %get3A_1341, %shift_left3A_1343 : vector<16xi32>
      %bitcast_convert_type3A_1345 = tpu.bitcast %shift_left3A_1344 : vector<16xi32> -> vector<16xf32>
      %and3A_1346 = arith.andi %get3A_1341, %broadcast_in_dim3A_9 : vector<16xi32>
      %bitcast_convert_type3A_1347 = tpu.bitcast %and3A_1346 : vector<16xi32> -> vector<16xf32>
      %add3A_1348 = arith.addf %broadcast_in_dim3A_5, %bitcast_convert_type3A_1345 : vector<16xf32>
      %add3A_1349 = arith.addf %broadcast_in_dim3A_5, %bitcast_convert_type3A_1347 : vector<16xf32>
      %get3A_1350 = arith.constant 16 : index
      %get3A_1351 = tpu.vector_load %arg11[%get3A_1350] {strides = array<i32>} : memref<208xi32, #tpu.memory_space<vmem>>, vector<16xi32>,
      %get3A_1352 = vector.shape_cast %get3A_1351 : vector<16xi32> to vector<16xi32>
      %shift_left3A_1353 = arith.constant 16 : i32
      %shift_left3A_1354 = vector.broadcast %shift_left3A_1353 : i32 to vector<16xi32>
      %shift_left3A_1355 = arith.shli %get3A_1352, %shift_left3A_1354 : vector<16xi32>
      %bitcast_convert_type3A_1356 = tpu.bitcast %shift_left3A_1355 : vector<16xi32> -> vector<16xf32>
      %and3A_1357 = arith.andi %get3A_1352, %broadcast_in_dim3A_9 : vector<16xi32>
      %bitcast_convert_type3A_1358 = tpu.bitcast %and3A_1357 : vector<16xi32> -> vector<16xf32>
      %add3A_1359 = arith.addf %broadcast_in_dim3A_5, %bitcast_convert_type3A_1356 : vector<16xf32>
      %add3A_1360 = arith.addf %broadcast_in_dim3A_5, %bitcast_convert_type3A_1358 : vector<16xf32>
      %get3A_1361 = arith.constant 32 : index
      %get3A_1362 = tpu.vector_load %arg11[%get3A_1361] {strides = array<i32>} : memref<208xi32, #tpu.memory_space<vmem>>, vector<16xi32>,
      %get3A_1363 = vector.shape_cast %get3A_1362 : vector<16xi32> to vector<16xi32>
      %shift_left3A_1364 = arith.constant 16 : i32
      %shift_left3A_1365 = vector.broadcast %shift_left3A_1364 : i32 to vector<16xi32>
      %shift_left3A_1366 = arith.shli %get3A_1363, %shift_left3A_1365 : vector<16xi32>
      %bitcast_convert_type3A_1367 = tpu.bitcast %shift_left3A_1366 : vector<16xi32> -> vector<16xf32>
      %and3A_1368 = arith.andi %get3A_1363, %broadcast_in_dim3A_9 : vector<16xi32>
      %bitcast_convert_type3A_1369 = tpu.bitcast %and3A_1368 : vector<16xi32> -> vector<16xf32>
      %add3A_1370 = arith.addf %add3A_1348, %bitcast_convert_type3A_1367 : vector<16xf32>
      %add3A_1371 = arith.addf %add3A_1349, %bitcast_convert_type3A_1369 : vector<16xf32>
      %get3A_1372 = arith.constant 48 : index
      %get3A_1373 = tpu.vector_load %arg11[%get3A_1372] {strides = array<i32>} : memref<208xi32, #tpu.memory_space<vmem>>, vector<16xi32>,
      %get3A_1374 = vector.shape_cast %get3A_1373 : vector<16xi32> to vector<16xi32>
      %shift_left3A_1375 = arith.constant 16 : i32
      %shift_left3A_1376 = vector.broadcast %shift_left3A_1375 : i32 to vector<16xi32>
      %shift_left3A_1377 = arith.shli %get3A_1374, %shift_left3A_1376 : vector<16xi32>
      %bitcast_convert_type3A_1378 = tpu.bitcast %shift_left3A_1377 : vector<16xi32> -> vector<16xf32>
      %and3A_1379 = arith.andi %get3A_1374, %broadcast_in_dim3A_9 : vector<16xi32>
      %bitcast_convert_type3A_1380 = tpu.bitcast %and3A_1379 : vector<16xi32> -> vector<16xf32>
      %add3A_1381 = arith.addf %add3A_1359, %bitcast_convert_type3A_1378 : vector<16xf32>
      %add3A_1382 = arith.addf %add3A_1360, %bitcast_convert_type3A_1380 : vector<16xf32>
      %get3A_1383 = arith.constant 64 : index
      %get3A_1384 = tpu.vector_load %arg11[%get3A_1383] {strides = array<i32>} : memref<208xi32, #tpu.memory_space<vmem>>, vector<16xi32>,
      %get3A_1385 = vector.shape_cast %get3A_1384 : vector<16xi32> to vector<16xi32>
      %shift_left3A_1386 = arith.constant 16 : i32
      %shift_left3A_1387 = vector.broadcast %shift_left3A_1386 : i32 to vector<16xi32>
      %shift_left3A_1388 = arith.shli %get3A_1385, %shift_left3A_1387 : vector<16xi32>
      %bitcast_convert_type3A_1389 = tpu.bitcast %shift_left3A_1388 : vector<16xi32> -> vector<16xf32>
      %and3A_1390 = arith.andi %get3A_1385, %broadcast_in_dim3A_9 : vector<16xi32>
      %bitcast_convert_type3A_1391 = tpu.bitcast %and3A_1390 : vector<16xi32> -> vector<16xf32>
      %add3A_1392 = arith.addf %add3A_1370, %bitcast_convert_type3A_1389 : vector<16xf32>
      %add3A_1393 = arith.addf %add3A_1371, %bitcast_convert_type3A_1391 : vector<16xf32>
      %get3A_1394 = arith.constant 80 : index
      %get3A_1395 = tpu.vector_load %arg11[%get3A_1394] {strides = array<i32>} : memref<208xi32, #tpu.memory_space<vmem>>, vector<16xi32>,
      %get3A_1396 = vector.shape_cast %get3A_1395 : vector<16xi32> to vector<16xi32>
      %shift_left3A_1397 = arith.constant 16 : i32
      %shift_left3A_1398 = vector.broadcast %shift_left3A_1397 : i32 to vector<16xi32>
      %shift_left3A_1399 = arith.shli %get3A_1396, %shift_left3A_1398 : vector<16xi32>
      %bitcast_convert_type3A_1400 = tpu.bitcast %shift_left3A_1399 : vector<16xi32> -> vector<16xf32>
      %and3A_1401 = arith.andi %get3A_1396, %broadcast_in_dim3A_9 : vector<16xi32>
      %bitcast_convert_type3A_1402 = tpu.bitcast %and3A_1401 : vector<16xi32> -> vector<16xf32>
      %add3A_1403 = arith.addf %add3A_1381, %bitcast_convert_type3A_1400 : vector<16xf32>
      %add3A_1404 = arith.addf %add3A_1382, %bitcast_convert_type3A_1402 : vector<16xf32>
      %get3A_1405 = arith.constant 96 : index
      %get3A_1406 = tpu.vector_load %arg11[%get3A_1405] {strides = array<i32>} : memref<208xi32, #tpu.memory_space<vmem>>, vector<16xi32>,
      %get3A_1407 = vector.shape_cast %get3A_1406 : vector<16xi32> to vector<16xi32>
      %shift_left3A_1408 = arith.constant 16 : i32
      %shift_left3A_1409 = vector.broadcast %shift_left3A_1408 : i32 to vector<16xi32>
      %shift_left3A_1410 = arith.shli %get3A_1407, %shift_left3A_1409 : vector<16xi32>
      %bitcast_convert_type3A_1411 = tpu.bitcast %shift_left3A_1410 : vector<16xi32> -> vector<16xf32>
      %and3A_1412 = arith.andi %get3A_1407, %broadcast_in_dim3A_9 : vector<16xi32>
      %bitcast_convert_type3A_1413 = tpu.bitcast %and3A_1412 : vector<16xi32> -> vector<16xf32>
      %add3A_1414 = arith.addf %add3A_1392, %bitcast_convert_type3A_1411 : vector<16xf32>
      %add3A_1415 = arith.addf %add3A_1393, %bitcast_convert_type3A_1413 : vector<16xf32>
      %get3A_1416 = arith.constant 112 : index
      %get3A_1417 = tpu.vector_load %arg11[%get3A_1416] {strides = array<i32>} : memref<208xi32, #tpu.memory_space<vmem>>, vector<16xi32>,
      %get3A_1418 = vector.shape_cast %get3A_1417 : vector<16xi32> to vector<16xi32>
      %shift_left3A_1419 = arith.constant 16 : i32
      %shift_left3A_1420 = vector.broadcast %shift_left3A_1419 : i32 to vector<16xi32>
      %shift_left3A_1421 = arith.shli %get3A_1418, %shift_left3A_1420 : vector<16xi32>
      %bitcast_convert_type3A_1422 = tpu.bitcast %shift_left3A_1421 : vector<16xi32> -> vector<16xf32>
      %and3A_1423 = arith.andi %get3A_1418, %broadcast_in_dim3A_9 : vector<16xi32>
      %bitcast_convert_type3A_1424 = tpu.bitcast %and3A_1423 : vector<16xi32> -> vector<16xf32>
      %add3A_1425 = arith.addf %add3A_1403, %bitcast_convert_type3A_1422 : vector<16xf32>
      %add3A_1426 = arith.addf %add3A_1404, %bitcast_convert_type3A_1424 : vector<16xf32>
      %get3A_1427 = arith.constant 128 : index
      %get3A_1428 = tpu.vector_load %arg11[%get3A_1427] {strides = array<i32>} : memref<208xi32, #tpu.memory_space<vmem>>, vector<16xi32>,
      %get3A_1429 = vector.shape_cast %get3A_1428 : vector<16xi32> to vector<16xi32>
      %shift_left3A_1430 = arith.constant 16 : i32
      %shift_left3A_1431 = vector.broadcast %shift_left3A_1430 : i32 to vector<16xi32>
      %shift_left3A_1432 = arith.shli %get3A_1429, %shift_left3A_1431 : vector<16xi32>
      %bitcast_convert_type3A_1433 = tpu.bitcast %shift_left3A_1432 : vector<16xi32> -> vector<16xf32>
      %and3A_1434 = arith.andi %get3A_1429, %broadcast_in_dim3A_9 : vector<16xi32>
      %bitcast_convert_type3A_1435 = tpu.bitcast %and3A_1434 : vector<16xi32> -> vector<16xf32>
      %add3A_1436 = arith.addf %add3A_1414, %bitcast_convert_type3A_1433 : vector<16xf32>
      %add3A_1437 = arith.addf %add3A_1415, %bitcast_convert_type3A_1435 : vector<16xf32>
      %get3A_1438 = arith.constant 144 : index
      %get3A_1439 = tpu.vector_load %arg11[%get3A_1438] {strides = array<i32>} : memref<208xi32, #tpu.memory_space<vmem>>, vector<16xi32>,
      %get3A_1440 = vector.shape_cast %get3A_1439 : vector<16xi32> to vector<16xi32>
      %shift_left3A_1441 = arith.constant 16 : i32
      %shift_left3A_1442 = vector.broadcast %shift_left3A_1441 : i32 to vector<16xi32>
      %shift_left3A_1443 = arith.shli %get3A_1440, %shift_left3A_1442 : vector<16xi32>
      %bitcast_convert_type3A_1444 = tpu.bitcast %shift_left3A_1443 : vector<16xi32> -> vector<16xf32>
      %and3A_1445 = arith.andi %get3A_1440, %broadcast_in_dim3A_9 : vector<16xi32>
      %bitcast_convert_type3A_1446 = tpu.bitcast %and3A_1445 : vector<16xi32> -> vector<16xf32>
      %add3A_1447 = arith.addf %add3A_1425, %bitcast_convert_type3A_1444 : vector<16xf32>
      %add3A_1448 = arith.addf %add3A_1426, %bitcast_convert_type3A_1446 : vector<16xf32>
      %get3A_1449 = arith.constant 160 : index
      %get3A_1450 = tpu.vector_load %arg11[%get3A_1449] {strides = array<i32>} : memref<208xi32, #tpu.memory_space<vmem>>, vector<16xi32>,
      %get3A_1451 = vector.shape_cast %get3A_1450 : vector<16xi32> to vector<16xi32>
      %shift_left3A_1452 = arith.constant 16 : i32
      %shift_left3A_1453 = vector.broadcast %shift_left3A_1452 : i32 to vector<16xi32>
      %shift_left3A_1454 = arith.shli %get3A_1451, %shift_left3A_1453 : vector<16xi32>
      %bitcast_convert_type3A_1455 = tpu.bitcast %shift_left3A_1454 : vector<16xi32> -> vector<16xf32>
      %and3A_1456 = arith.andi %get3A_1451, %broadcast_in_dim3A_9 : vector<16xi32>
      %bitcast_convert_type3A_1457 = tpu.bitcast %and3A_1456 : vector<16xi32> -> vector<16xf32>
      %add3A_1458 = arith.addf %add3A_1436, %bitcast_convert_type3A_1455 : vector<16xf32>
      %add3A_1459 = arith.addf %add3A_1437, %bitcast_convert_type3A_1457 : vector<16xf32>
      %get3A_1460 = arith.constant 176 : index
      %get3A_1461 = tpu.vector_load %arg11[%get3A_1460] {strides = array<i32>} : memref<208xi32, #tpu.memory_space<vmem>>, vector<16xi32>,
      %get3A_1462 = vector.shape_cast %get3A_1461 : vector<16xi32> to vector<16xi32>
      %shift_left3A_1463 = arith.constant 16 : i32
      %shift_left3A_1464 = vector.broadcast %shift_left3A_1463 : i32 to vector<16xi32>
      %shift_left3A_1465 = arith.shli %get3A_1462, %shift_left3A_1464 : vector<16xi32>
      %bitcast_convert_type3A_1466 = tpu.bitcast %shift_left3A_1465 : vector<16xi32> -> vector<16xf32>
      %and3A_1467 = arith.andi %get3A_1462, %broadcast_in_dim3A_9 : vector<16xi32>
      %bitcast_convert_type3A_1468 = tpu.bitcast %and3A_1467 : vector<16xi32> -> vector<16xf32>
      %add3A_1469 = arith.addf %add3A_1447, %bitcast_convert_type3A_1466 : vector<16xf32>
      %add3A_1470 = arith.addf %add3A_1448, %bitcast_convert_type3A_1468 : vector<16xf32>
      %get3A_1471 = arith.constant 192 : index
      %get3A_1472 = tpu.vector_load %arg11[%get3A_1471] {strides = array<i32>} : memref<208xi32, #tpu.memory_space<vmem>>, vector<16xi32>,
      %get3A_1473 = vector.shape_cast %get3A_1472 : vector<16xi32> to vector<16xi32>
      %shift_left3A_1474 = arith.constant 16 : i32
      %shift_left3A_1475 = vector.broadcast %shift_left3A_1474 : i32 to vector<16xi32>
      %shift_left3A_1476 = arith.shli %get3A_1473, %shift_left3A_1475 : vector<16xi32>
      %bitcast_convert_type3A_1477 = tpu.bitcast %shift_left3A_1476 : vector<16xi32> -> vector<16xf32>
      %and3A_1478 = arith.andi %get3A_1473, %broadcast_in_dim3A_9 : vector<16xi32>
      %bitcast_convert_type3A_1479 = tpu.bitcast %and3A_1478 : vector<16xi32> -> vector<16xf32>
      %add3A_1480 = arith.addf %add3A_1458, %bitcast_convert_type3A_1477 : vector<16xf32>
      %add3A_1481 = arith.addf %add3A_1459, %bitcast_convert_type3A_1479 : vector<16xf32>
      %add3A_1482 = arith.addf %add3A_1480, %add3A_1469 : vector<16xf32>
      %xor3A_1483 = arith.constant 1 : i32
      %xor3A_1484 = vector.broadcast %xor3A_1483 : i32 to vector<16xi32>
      %xor3A_1485 = arith.xori %iota3A, %xor3A_1484 : vector<16xi32>
      %broadcast_in_dim3A_1486 = vector.shape_cast %xor3A_1485 : vector<16xi32> to vector<16x1xi32>
      %gather3A_1487 = vector.shape_cast %broadcast_in_dim3A_1486 : vector<16x1xi32> to vector<16xi32>
      %gather3A_1488 = tpu.dynamic_gather %add3A_1482[%gather3A_1487] in [0] : vector<16xf32>, vector<16xi32> -> vector<16xf32>
      %add3A_1489 = arith.addf %add3A_1482, %gather3A_1488 : vector<16xf32>
      %xor3A_1490 = arith.constant 2 : i32
      %xor3A_1491 = vector.broadcast %xor3A_1490 : i32 to vector<16xi32>
      %xor3A_1492 = arith.xori %iota3A, %xor3A_1491 : vector<16xi32>
      %broadcast_in_dim3A_1493 = vector.shape_cast %xor3A_1492 : vector<16xi32> to vector<16x1xi32>
      %gather3A_1494 = vector.shape_cast %broadcast_in_dim3A_1493 : vector<16x1xi32> to vector<16xi32>
      %gather3A_1495 = tpu.dynamic_gather %add3A_1489[%gather3A_1494] in [0] : vector<16xf32>, vector<16xi32> -> vector<16xf32>
      %add3A_1496 = arith.addf %add3A_1489, %gather3A_1495 : vector<16xf32>
      %xor3A_1497 = arith.constant 4 : i32
      %xor3A_1498 = vector.broadcast %xor3A_1497 : i32 to vector<16xi32>
      %xor3A_1499 = arith.xori %iota3A, %xor3A_1498 : vector<16xi32>
      %broadcast_in_dim3A_1500 = vector.shape_cast %xor3A_1499 : vector<16xi32> to vector<16x1xi32>
      %gather3A_1501 = vector.shape_cast %broadcast_in_dim3A_1500 : vector<16x1xi32> to vector<16xi32>
      %gather3A_1502 = tpu.dynamic_gather %add3A_1496[%gather3A_1501] in [0] : vector<16xf32>, vector<16xi32> -> vector<16xf32>
      %add3A_1503 = arith.addf %add3A_1496, %gather3A_1502 : vector<16xf32>
      %xor3A_1504 = arith.constant 8 : i32
      %xor3A_1505 = vector.broadcast %xor3A_1504 : i32 to vector<16xi32>
      %xor3A_1506 = arith.xori %iota3A, %xor3A_1505 : vector<16xi32>
      %broadcast_in_dim3A_1507 = vector.shape_cast %xor3A_1506 : vector<16xi32> to vector<16x1xi32>
      %gather3A_1508 = vector.shape_cast %broadcast_in_dim3A_1507 : vector<16x1xi32> to vector<16xi32>
      %gather3A_1509 = tpu.dynamic_gather %add3A_1503[%gather3A_1508] in [0] : vector<16xf32>, vector<16xi32> -> vector<16xf32>
      %add3A_1510 = arith.addf %add3A_1503, %gather3A_1509 : vector<16xf32>
      %add3A_1511 = arith.addf %add3A_1481, %add3A_1470 : vector<16xf32>
      %xor3A_1512 = arith.constant 1 : i32
      %xor3A_1513 = vector.broadcast %xor3A_1512 : i32 to vector<16xi32>
      %xor3A_1514 = arith.xori %iota3A, %xor3A_1513 : vector<16xi32>
      %broadcast_in_dim3A_1515 = vector.shape_cast %xor3A_1514 : vector<16xi32> to vector<16x1xi32>
      %gather3A_1516 = vector.shape_cast %broadcast_in_dim3A_1515 : vector<16x1xi32> to vector<16xi32>
      %gather3A_1517 = tpu.dynamic_gather %add3A_1511[%gather3A_1516] in [0] : vector<16xf32>, vector<16xi32> -> vector<16xf32>
      %add3A_1518 = arith.addf %add3A_1511, %gather3A_1517 : vector<16xf32>
      %xor3A_1519 = arith.constant 2 : i32
      %xor3A_1520 = vector.broadcast %xor3A_1519 : i32 to vector<16xi32>
      %xor3A_1521 = arith.xori %iota3A, %xor3A_1520 : vector<16xi32>
      %broadcast_in_dim3A_1522 = vector.shape_cast %xor3A_1521 : vector<16xi32> to vector<16x1xi32>
      %gather3A_1523 = vector.shape_cast %broadcast_in_dim3A_1522 : vector<16x1xi32> to vector<16xi32>
      %gather3A_1524 = tpu.dynamic_gather %add3A_1518[%gather3A_1523] in [0] : vector<16xf32>, vector<16xi32> -> vector<16xf32>
      %add3A_1525 = arith.addf %add3A_1518, %gather3A_1524 : vector<16xf32>
      %xor3A_1526 = arith.constant 4 : i32
      %xor3A_1527 = vector.broadcast %xor3A_1526 : i32 to vector<16xi32>
      %xor3A_1528 = arith.xori %iota3A, %xor3A_1527 : vector<16xi32>
      %broadcast_in_dim3A_1529 = vector.shape_cast %xor3A_1528 : vector<16xi32> to vector<16x1xi32>
      %gather3A_1530 = vector.shape_cast %broadcast_in_dim3A_1529 : vector<16x1xi32> to vector<16xi32>
      %gather3A_1531 = tpu.dynamic_gather %add3A_1525[%gather3A_1530] in [0] : vector<16xf32>, vector<16xi32> -> vector<16xf32>
      %add3A_1532 = arith.addf %add3A_1525, %gather3A_1531 : vector<16xf32>
      %xor3A_1533 = arith.constant 8 : i32
      %xor3A_1534 = vector.broadcast %xor3A_1533 : i32 to vector<16xi32>
      %xor3A_1535 = arith.xori %iota3A, %xor3A_1534 : vector<16xi32>
      %broadcast_in_dim3A_1536 = vector.shape_cast %xor3A_1535 : vector<16xi32> to vector<16x1xi32>
      %gather3A_1537 = vector.shape_cast %broadcast_in_dim3A_1536 : vector<16x1xi32> to vector<16xi32>
      %gather3A_1538 = tpu.dynamic_gather %add3A_1532[%gather3A_1537] in [0] : vector<16xf32>, vector<16xi32> -> vector<16xf32>
      %add3A_1539 = arith.addf %add3A_1532, %gather3A_1538 : vector<16xf32>
      %eq3A_1540 = arith.constant 1 : i32
      %eq3A_1541 = vector.broadcast %eq3A_1540 : i32 to vector<16xi32>
      %eq3A_1542 = arith.cmpi eq, %iota3A, %eq3A_1541 : vector<16xi32>
      %select_n3A_1543 = arith.select %eq3A_1542, %add3A_1539, %add3A_1510 : vector<16xi1>, vector<16xf32>
      %exp3A_1544 = math.exp %select_n3A_1543 : vector<16xf32>
      %xor3A_1545 = arith.constant 1 : i32
      %xor3A_1546 = vector.broadcast %xor3A_1545 : i32 to vector<16xi32>
      %xor3A_1547 = arith.xori %iota3A, %xor3A_1546 : vector<16xi32>
      %broadcast_in_dim3A_1548 = vector.shape_cast %xor3A_1547 : vector<16xi32> to vector<16x1xi32>
      %gather3A_1549 = vector.shape_cast %broadcast_in_dim3A_1548 : vector<16x1xi32> to vector<16xi32>
      %gather3A_1550 = tpu.dynamic_gather %exp3A_1544[%gather3A_1549] in [0] : vector<16xf32>, vector<16xi32> -> vector<16xf32>
      %add3A_1551 = arith.addf %exp3A_1544, %gather3A_1550 : vector<16xf32>
      %div3A_1552 = arith.divf %exp3A_1544, %add3A_1551 : vector<16xf32>
      %mul3A_1553 = arith.constant 16 : i32
      %mul3A_1554 = arith.muli %add3A_1330, %mul3A_1553 : i32
      %swap3A_1555 = arith.index_cast %mul3A_1554 : i32 to index
      %swap3A_1556 = tpu.vector_load %arg14[%swap3A_1555] {strides = array<i32>} : memref<2048xf32, #tpu.memory_space<vmem>>, vector<16xf32>,
      %swap3A_1557 = vector.shape_cast %swap3A_1556 : vector<16xf32> to vector<16xf32>
      %swap3A_1558 = vector.shape_cast %div3A_1552 : vector<16xf32> to vector<16xf32>
      tpu.vector_store %arg14[%swap3A_1555], %swap3A_1558 {strides = array<i32>} : memref<2048xf32, #tpu.memory_space<vmem>>, vector<16xf32>,
      %add3A_1559 = arith.constant 8 : i32
      %add3A_1560 = arith.addi %add3A_1330, %add3A_1559 : i32
      %lt3A_1561 = arith.constant 128 : i32
      %lt3A_1562 = arith.cmpi slt, %add3A_1560, %lt3A_1561 : i32
      %convert_element_type3A_1563 = arith.extui %lt3A_1562 : i1 to i32
      %cond3A_1564 = arith.constant 0 : i32
      %cond3A_1565 = arith.cmpi ne, %convert_element_type3A_1563, %cond3A_1564 : i32
      scf.if %cond3A_1565 {
        %add3A_2045 = arith.constant 8 : i32
        %add3A_2046 = arith.addi %add3A_1330, %add3A_2045 : i32
        %mul3A_2047 = arith.constant 200 : i32
        %mul3A_2048 = arith.muli %add3A_2046, %mul3A_2047 : i32
        %dma_start3A_2049 = arith.constant 0 : i32
        %dma_start3A_2050 = tpu.memref_slice %arg11[%dma_start3A_2049] : memref<208xi32, #tpu.memory_space<vmem>> -> memref<96xi32, #tpu.memory_space<vmem>>
        %dma_start3A_2051 = tpu.memref_slice %arg5[%mul3A_2048] : memref<25600xi32, #tpu.memory_space<vmem>> -> memref<96xi32, #tpu.memory_space<vmem>>
        %dma_start3A_2052 = arith.constant 0 : i32
        %dma_start3A_2053 = tpu.memref_slice %arg2[%dma_start3A_2052] : memref<1600000xi32, #tpu.memory_space<hbm>> -> memref<1600000xi32, #tpu.memory_space<hbm>>
        tpu.enqueue_indirect_dma source(%dma_start3A_2053 : memref<1600000xi32, #tpu.memory_space<hbm>>) target(%dma_start3A_2050 : memref<96xi32, #tpu.memory_space<vmem>>) offsets(%dma_start3A_2051 : memref<96xi32, #tpu.memory_space<vmem>>) semaphore(%arg20 : memref<!tpu.dma_semaphore, #tpu.memory_space<semaphore_mem>>)
        %add3A_2054 = arith.constant 96 : i32
        %add3A_2055 = arith.addi %mul3A_2048, %add3A_2054 : i32
        %dma_start3A_2056 = arith.constant 96 : i32
        %dma_start3A_2057 = tpu.memref_slice %arg11[%dma_start3A_2056] : memref<208xi32, #tpu.memory_space<vmem>> -> memref<104xi32, #tpu.memory_space<vmem>>
        %dma_start3A_2058 = tpu.memref_slice %arg5[%add3A_2055] : memref<25600xi32, #tpu.memory_space<vmem>> -> memref<104xi32, #tpu.memory_space<vmem>>
        %dma_start3A_2059 = arith.constant 0 : i32
        %dma_start3A_2060 = tpu.memref_slice %arg2[%dma_start3A_2059] : memref<1600000xi32, #tpu.memory_space<hbm>> -> memref<1600000xi32, #tpu.memory_space<hbm>>
        tpu.enqueue_indirect_dma source(%dma_start3A_2060 : memref<1600000xi32, #tpu.memory_space<hbm>>) target(%dma_start3A_2057 : memref<104xi32, #tpu.memory_space<vmem>>) offsets(%dma_start3A_2058 : memref<104xi32, #tpu.memory_space<vmem>>) semaphore(%arg20 : memref<!tpu.dma_semaphore, #tpu.memory_space<semaphore_mem>>)
      } else {
      }
      %mul3A_1566 = arith.constant 8 : i32
      %mul3A_1567 = arith.muli %scan3A_144, %mul3A_1566 : i32
      %add3A_1568 = arith.constant 6 : i32
      %add3A_1569 = arith.addi %mul3A_1567, %add3A_1568 : i32
      %dma_wait3A_1570 = arith.constant 0 : i32
      %dma_wait3A_1571 = tpu.memref_slice %arg12[%dma_wait3A_1570] : memref<208xi32, #tpu.memory_space<vmem>> -> memref<200xi32, #tpu.memory_space<vmem>>
      %dma_wait3A_1572 = arith.constant 0 : i32
      %dma_wait3A_1573 = tpu.memref_slice %arg2[%dma_wait3A_1572] : memref<1600000xi32, #tpu.memory_space<hbm>> -> memref<200xi32, #tpu.memory_space<hbm>>
      %dma_wait3A_1574 = arith.constant 0 : i32
      %dma_wait3A_1575 = tpu.memref_slice %arg12[%dma_wait3A_1574] : memref<208xi32, #tpu.memory_space<vmem>> -> memref<200xi32, #tpu.memory_space<vmem>>
      %dma_wait3A_1576 = arith.constant 0 : i32
      %dma_wait3A_1577 = tpu.memref_slice %arg2[%dma_wait3A_1576] : memref<1600000xi32, #tpu.memory_space<hbm>> -> memref<200xi32, #tpu.memory_space<hbm>>
      tpu.wait_dma2 semaphore(%arg21 : memref<!tpu.dma_semaphore, #tpu.memory_space<semaphore_mem>>) src(%dma_wait3A_1577 : memref<200xi32, #tpu.memory_space<hbm>>) dst(%dma_wait3A_1575 : memref<200xi32, #tpu.memory_space<vmem>>)
      %get3A_1578 = arith.constant 0 : index
      %get3A_1579 = tpu.vector_load %arg12[%get3A_1578] {strides = array<i32>} : memref<208xi32, #tpu.memory_space<vmem>>, vector<16xi32>,
      %get3A_1580 = vector.shape_cast %get3A_1579 : vector<16xi32> to vector<16xi32>
      %shift_left3A_1581 = arith.constant 16 : i32
      %shift_left3A_1582 = vector.broadcast %shift_left3A_1581 : i32 to vector<16xi32>
      %shift_left3A_1583 = arith.shli %get3A_1580, %shift_left3A_1582 : vector<16xi32>
      %bitcast_convert_type3A_1584 = tpu.bitcast %shift_left3A_1583 : vector<16xi32> -> vector<16xf32>
      %and3A_1585 = arith.andi %get3A_1580, %broadcast_in_dim3A_9 : vector<16xi32>
      %bitcast_convert_type3A_1586 = tpu.bitcast %and3A_1585 : vector<16xi32> -> vector<16xf32>
      %add3A_1587 = arith.addf %broadcast_in_dim3A_5, %bitcast_convert_type3A_1584 : vector<16xf32>
      %add3A_1588 = arith.addf %broadcast_in_dim3A_5, %bitcast_convert_type3A_1586 : vector<16xf32>
      %get3A_1589 = arith.constant 16 : index
      %get3A_1590 = tpu.vector_load %arg12[%get3A_1589] {strides = array<i32>} : memref<208xi32, #tpu.memory_space<vmem>>, vector<16xi32>,
      %get3A_1591 = vector.shape_cast %get3A_1590 : vector<16xi32> to vector<16xi32>
      %shift_left3A_1592 = arith.constant 16 : i32
      %shift_left3A_1593 = vector.broadcast %shift_left3A_1592 : i32 to vector<16xi32>
      %shift_left3A_1594 = arith.shli %get3A_1591, %shift_left3A_1593 : vector<16xi32>
      %bitcast_convert_type3A_1595 = tpu.bitcast %shift_left3A_1594 : vector<16xi32> -> vector<16xf32>
      %and3A_1596 = arith.andi %get3A_1591, %broadcast_in_dim3A_9 : vector<16xi32>
      %bitcast_convert_type3A_1597 = tpu.bitcast %and3A_1596 : vector<16xi32> -> vector<16xf32>
      %add3A_1598 = arith.addf %broadcast_in_dim3A_5, %bitcast_convert_type3A_1595 : vector<16xf32>
      %add3A_1599 = arith.addf %broadcast_in_dim3A_5, %bitcast_convert_type3A_1597 : vector<16xf32>
      %get3A_1600 = arith.constant 32 : index
      %get3A_1601 = tpu.vector_load %arg12[%get3A_1600] {strides = array<i32>} : memref<208xi32, #tpu.memory_space<vmem>>, vector<16xi32>,
      %get3A_1602 = vector.shape_cast %get3A_1601 : vector<16xi32> to vector<16xi32>
      %shift_left3A_1603 = arith.constant 16 : i32
      %shift_left3A_1604 = vector.broadcast %shift_left3A_1603 : i32 to vector<16xi32>
      %shift_left3A_1605 = arith.shli %get3A_1602, %shift_left3A_1604 : vector<16xi32>
      %bitcast_convert_type3A_1606 = tpu.bitcast %shift_left3A_1605 : vector<16xi32> -> vector<16xf32>
      %and3A_1607 = arith.andi %get3A_1602, %broadcast_in_dim3A_9 : vector<16xi32>
      %bitcast_convert_type3A_1608 = tpu.bitcast %and3A_1607 : vector<16xi32> -> vector<16xf32>
      %add3A_1609 = arith.addf %add3A_1587, %bitcast_convert_type3A_1606 : vector<16xf32>
      %add3A_1610 = arith.addf %add3A_1588, %bitcast_convert_type3A_1608 : vector<16xf32>
      %get3A_1611 = arith.constant 48 : index
      %get3A_1612 = tpu.vector_load %arg12[%get3A_1611] {strides = array<i32>} : memref<208xi32, #tpu.memory_space<vmem>>, vector<16xi32>,
      %get3A_1613 = vector.shape_cast %get3A_1612 : vector<16xi32> to vector<16xi32>
      %shift_left3A_1614 = arith.constant 16 : i32
      %shift_left3A_1615 = vector.broadcast %shift_left3A_1614 : i32 to vector<16xi32>
      %shift_left3A_1616 = arith.shli %get3A_1613, %shift_left3A_1615 : vector<16xi32>
      %bitcast_convert_type3A_1617 = tpu.bitcast %shift_left3A_1616 : vector<16xi32> -> vector<16xf32>
      %and3A_1618 = arith.andi %get3A_1613, %broadcast_in_dim3A_9 : vector<16xi32>
      %bitcast_convert_type3A_1619 = tpu.bitcast %and3A_1618 : vector<16xi32> -> vector<16xf32>
      %add3A_1620 = arith.addf %add3A_1598, %bitcast_convert_type3A_1617 : vector<16xf32>
      %add3A_1621 = arith.addf %add3A_1599, %bitcast_convert_type3A_1619 : vector<16xf32>
      %get3A_1622 = arith.constant 64 : index
      %get3A_1623 = tpu.vector_load %arg12[%get3A_1622] {strides = array<i32>} : memref<208xi32, #tpu.memory_space<vmem>>, vector<16xi32>,
      %get3A_1624 = vector.shape_cast %get3A_1623 : vector<16xi32> to vector<16xi32>
      %shift_left3A_1625 = arith.constant 16 : i32
      %shift_left3A_1626 = vector.broadcast %shift_left3A_1625 : i32 to vector<16xi32>
      %shift_left3A_1627 = arith.shli %get3A_1624, %shift_left3A_1626 : vector<16xi32>
      %bitcast_convert_type3A_1628 = tpu.bitcast %shift_left3A_1627 : vector<16xi32> -> vector<16xf32>
      %and3A_1629 = arith.andi %get3A_1624, %broadcast_in_dim3A_9 : vector<16xi32>
      %bitcast_convert_type3A_1630 = tpu.bitcast %and3A_1629 : vector<16xi32> -> vector<16xf32>
      %add3A_1631 = arith.addf %add3A_1609, %bitcast_convert_type3A_1628 : vector<16xf32>
      %add3A_1632 = arith.addf %add3A_1610, %bitcast_convert_type3A_1630 : vector<16xf32>
      %get3A_1633 = arith.constant 80 : index
      %get3A_1634 = tpu.vector_load %arg12[%get3A_1633] {strides = array<i32>} : memref<208xi32, #tpu.memory_space<vmem>>, vector<16xi32>,
      %get3A_1635 = vector.shape_cast %get3A_1634 : vector<16xi32> to vector<16xi32>
      %shift_left3A_1636 = arith.constant 16 : i32
      %shift_left3A_1637 = vector.broadcast %shift_left3A_1636 : i32 to vector<16xi32>
      %shift_left3A_1638 = arith.shli %get3A_1635, %shift_left3A_1637 : vector<16xi32>
      %bitcast_convert_type3A_1639 = tpu.bitcast %shift_left3A_1638 : vector<16xi32> -> vector<16xf32>
      %and3A_1640 = arith.andi %get3A_1635, %broadcast_in_dim3A_9 : vector<16xi32>
      %bitcast_convert_type3A_1641 = tpu.bitcast %and3A_1640 : vector<16xi32> -> vector<16xf32>
      %add3A_1642 = arith.addf %add3A_1620, %bitcast_convert_type3A_1639 : vector<16xf32>
      %add3A_1643 = arith.addf %add3A_1621, %bitcast_convert_type3A_1641 : vector<16xf32>
      %get3A_1644 = arith.constant 96 : index
      %get3A_1645 = tpu.vector_load %arg12[%get3A_1644] {strides = array<i32>} : memref<208xi32, #tpu.memory_space<vmem>>, vector<16xi32>,
      %get3A_1646 = vector.shape_cast %get3A_1645 : vector<16xi32> to vector<16xi32>
      %shift_left3A_1647 = arith.constant 16 : i32
      %shift_left3A_1648 = vector.broadcast %shift_left3A_1647 : i32 to vector<16xi32>
      %shift_left3A_1649 = arith.shli %get3A_1646, %shift_left3A_1648 : vector<16xi32>
      %bitcast_convert_type3A_1650 = tpu.bitcast %shift_left3A_1649 : vector<16xi32> -> vector<16xf32>
      %and3A_1651 = arith.andi %get3A_1646, %broadcast_in_dim3A_9 : vector<16xi32>
      %bitcast_convert_type3A_1652 = tpu.bitcast %and3A_1651 : vector<16xi32> -> vector<16xf32>
      %add3A_1653 = arith.addf %add3A_1631, %bitcast_convert_type3A_1650 : vector<16xf32>
      %add3A_1654 = arith.addf %add3A_1632, %bitcast_convert_type3A_1652 : vector<16xf32>
      %get3A_1655 = arith.constant 112 : index
      %get3A_1656 = tpu.vector_load %arg12[%get3A_1655] {strides = array<i32>} : memref<208xi32, #tpu.memory_space<vmem>>, vector<16xi32>,
      %get3A_1657 = vector.shape_cast %get3A_1656 : vector<16xi32> to vector<16xi32>
      %shift_left3A_1658 = arith.constant 16 : i32
      %shift_left3A_1659 = vector.broadcast %shift_left3A_1658 : i32 to vector<16xi32>
      %shift_left3A_1660 = arith.shli %get3A_1657, %shift_left3A_1659 : vector<16xi32>
      %bitcast_convert_type3A_1661 = tpu.bitcast %shift_left3A_1660 : vector<16xi32> -> vector<16xf32>
      %and3A_1662 = arith.andi %get3A_1657, %broadcast_in_dim3A_9 : vector<16xi32>
      %bitcast_convert_type3A_1663 = tpu.bitcast %and3A_1662 : vector<16xi32> -> vector<16xf32>
      %add3A_1664 = arith.addf %add3A_1642, %bitcast_convert_type3A_1661 : vector<16xf32>
      %add3A_1665 = arith.addf %add3A_1643, %bitcast_convert_type3A_1663 : vector<16xf32>
      %get3A_1666 = arith.constant 128 : index
      %get3A_1667 = tpu.vector_load %arg12[%get3A_1666] {strides = array<i32>} : memref<208xi32, #tpu.memory_space<vmem>>, vector<16xi32>,
      %get3A_1668 = vector.shape_cast %get3A_1667 : vector<16xi32> to vector<16xi32>
      %shift_left3A_1669 = arith.constant 16 : i32
      %shift_left3A_1670 = vector.broadcast %shift_left3A_1669 : i32 to vector<16xi32>
      %shift_left3A_1671 = arith.shli %get3A_1668, %shift_left3A_1670 : vector<16xi32>
      %bitcast_convert_type3A_1672 = tpu.bitcast %shift_left3A_1671 : vector<16xi32> -> vector<16xf32>
      %and3A_1673 = arith.andi %get3A_1668, %broadcast_in_dim3A_9 : vector<16xi32>
      %bitcast_convert_type3A_1674 = tpu.bitcast %and3A_1673 : vector<16xi32> -> vector<16xf32>
      %add3A_1675 = arith.addf %add3A_1653, %bitcast_convert_type3A_1672 : vector<16xf32>
      %add3A_1676 = arith.addf %add3A_1654, %bitcast_convert_type3A_1674 : vector<16xf32>
      %get3A_1677 = arith.constant 144 : index
      %get3A_1678 = tpu.vector_load %arg12[%get3A_1677] {strides = array<i32>} : memref<208xi32, #tpu.memory_space<vmem>>, vector<16xi32>,
      %get3A_1679 = vector.shape_cast %get3A_1678 : vector<16xi32> to vector<16xi32>
      %shift_left3A_1680 = arith.constant 16 : i32
      %shift_left3A_1681 = vector.broadcast %shift_left3A_1680 : i32 to vector<16xi32>
      %shift_left3A_1682 = arith.shli %get3A_1679, %shift_left3A_1681 : vector<16xi32>
      %bitcast_convert_type3A_1683 = tpu.bitcast %shift_left3A_1682 : vector<16xi32> -> vector<16xf32>
      %and3A_1684 = arith.andi %get3A_1679, %broadcast_in_dim3A_9 : vector<16xi32>
      %bitcast_convert_type3A_1685 = tpu.bitcast %and3A_1684 : vector<16xi32> -> vector<16xf32>
      %add3A_1686 = arith.addf %add3A_1664, %bitcast_convert_type3A_1683 : vector<16xf32>
      %add3A_1687 = arith.addf %add3A_1665, %bitcast_convert_type3A_1685 : vector<16xf32>
      %get3A_1688 = arith.constant 160 : index
      %get3A_1689 = tpu.vector_load %arg12[%get3A_1688] {strides = array<i32>} : memref<208xi32, #tpu.memory_space<vmem>>, vector<16xi32>,
      %get3A_1690 = vector.shape_cast %get3A_1689 : vector<16xi32> to vector<16xi32>
      %shift_left3A_1691 = arith.constant 16 : i32
      %shift_left3A_1692 = vector.broadcast %shift_left3A_1691 : i32 to vector<16xi32>
      %shift_left3A_1693 = arith.shli %get3A_1690, %shift_left3A_1692 : vector<16xi32>
      %bitcast_convert_type3A_1694 = tpu.bitcast %shift_left3A_1693 : vector<16xi32> -> vector<16xf32>
      %and3A_1695 = arith.andi %get3A_1690, %broadcast_in_dim3A_9 : vector<16xi32>
      %bitcast_convert_type3A_1696 = tpu.bitcast %and3A_1695 : vector<16xi32> -> vector<16xf32>
      %add3A_1697 = arith.addf %add3A_1675, %bitcast_convert_type3A_1694 : vector<16xf32>
      %add3A_1698 = arith.addf %add3A_1676, %bitcast_convert_type3A_1696 : vector<16xf32>
      %get3A_1699 = arith.constant 176 : index
      %get3A_1700 = tpu.vector_load %arg12[%get3A_1699] {strides = array<i32>} : memref<208xi32, #tpu.memory_space<vmem>>, vector<16xi32>,
      %get3A_1701 = vector.shape_cast %get3A_1700 : vector<16xi32> to vector<16xi32>
      %shift_left3A_1702 = arith.constant 16 : i32
      %shift_left3A_1703 = vector.broadcast %shift_left3A_1702 : i32 to vector<16xi32>
      %shift_left3A_1704 = arith.shli %get3A_1701, %shift_left3A_1703 : vector<16xi32>
      %bitcast_convert_type3A_1705 = tpu.bitcast %shift_left3A_1704 : vector<16xi32> -> vector<16xf32>
      %and3A_1706 = arith.andi %get3A_1701, %broadcast_in_dim3A_9 : vector<16xi32>
      %bitcast_convert_type3A_1707 = tpu.bitcast %and3A_1706 : vector<16xi32> -> vector<16xf32>
      %add3A_1708 = arith.addf %add3A_1686, %bitcast_convert_type3A_1705 : vector<16xf32>
      %add3A_1709 = arith.addf %add3A_1687, %bitcast_convert_type3A_1707 : vector<16xf32>
      %get3A_1710 = arith.constant 192 : index
      %get3A_1711 = tpu.vector_load %arg12[%get3A_1710] {strides = array<i32>} : memref<208xi32, #tpu.memory_space<vmem>>, vector<16xi32>,
      %get3A_1712 = vector.shape_cast %get3A_1711 : vector<16xi32> to vector<16xi32>
      %shift_left3A_1713 = arith.constant 16 : i32
      %shift_left3A_1714 = vector.broadcast %shift_left3A_1713 : i32 to vector<16xi32>
      %shift_left3A_1715 = arith.shli %get3A_1712, %shift_left3A_1714 : vector<16xi32>
      %bitcast_convert_type3A_1716 = tpu.bitcast %shift_left3A_1715 : vector<16xi32> -> vector<16xf32>
      %and3A_1717 = arith.andi %get3A_1712, %broadcast_in_dim3A_9 : vector<16xi32>
      %bitcast_convert_type3A_1718 = tpu.bitcast %and3A_1717 : vector<16xi32> -> vector<16xf32>
      %add3A_1719 = arith.addf %add3A_1697, %bitcast_convert_type3A_1716 : vector<16xf32>
      %add3A_1720 = arith.addf %add3A_1698, %bitcast_convert_type3A_1718 : vector<16xf32>
      %add3A_1721 = arith.addf %add3A_1719, %add3A_1708 : vector<16xf32>
      %xor3A_1722 = arith.constant 1 : i32
      %xor3A_1723 = vector.broadcast %xor3A_1722 : i32 to vector<16xi32>
      %xor3A_1724 = arith.xori %iota3A, %xor3A_1723 : vector<16xi32>
      %broadcast_in_dim3A_1725 = vector.shape_cast %xor3A_1724 : vector<16xi32> to vector<16x1xi32>
      %gather3A_1726 = vector.shape_cast %broadcast_in_dim3A_1725 : vector<16x1xi32> to vector<16xi32>
      %gather3A_1727 = tpu.dynamic_gather %add3A_1721[%gather3A_1726] in [0] : vector<16xf32>, vector<16xi32> -> vector<16xf32>
      %add3A_1728 = arith.addf %add3A_1721, %gather3A_1727 : vector<16xf32>
      %xor3A_1729 = arith.constant 2 : i32
      %xor3A_1730 = vector.broadcast %xor3A_1729 : i32 to vector<16xi32>
      %xor3A_1731 = arith.xori %iota3A, %xor3A_1730 : vector<16xi32>
      %broadcast_in_dim3A_1732 = vector.shape_cast %xor3A_1731 : vector<16xi32> to vector<16x1xi32>
      %gather3A_1733 = vector.shape_cast %broadcast_in_dim3A_1732 : vector<16x1xi32> to vector<16xi32>
      %gather3A_1734 = tpu.dynamic_gather %add3A_1728[%gather3A_1733] in [0] : vector<16xf32>, vector<16xi32> -> vector<16xf32>
      %add3A_1735 = arith.addf %add3A_1728, %gather3A_1734 : vector<16xf32>
      %xor3A_1736 = arith.constant 4 : i32
      %xor3A_1737 = vector.broadcast %xor3A_1736 : i32 to vector<16xi32>
      %xor3A_1738 = arith.xori %iota3A, %xor3A_1737 : vector<16xi32>
      %broadcast_in_dim3A_1739 = vector.shape_cast %xor3A_1738 : vector<16xi32> to vector<16x1xi32>
      %gather3A_1740 = vector.shape_cast %broadcast_in_dim3A_1739 : vector<16x1xi32> to vector<16xi32>
      %gather3A_1741 = tpu.dynamic_gather %add3A_1735[%gather3A_1740] in [0] : vector<16xf32>, vector<16xi32> -> vector<16xf32>
      %add3A_1742 = arith.addf %add3A_1735, %gather3A_1741 : vector<16xf32>
      %xor3A_1743 = arith.constant 8 : i32
      %xor3A_1744 = vector.broadcast %xor3A_1743 : i32 to vector<16xi32>
      %xor3A_1745 = arith.xori %iota3A, %xor3A_1744 : vector<16xi32>
      %broadcast_in_dim3A_1746 = vector.shape_cast %xor3A_1745 : vector<16xi32> to vector<16x1xi32>
      %gather3A_1747 = vector.shape_cast %broadcast_in_dim3A_1746 : vector<16x1xi32> to vector<16xi32>
      %gather3A_1748 = tpu.dynamic_gather %add3A_1742[%gather3A_1747] in [0] : vector<16xf32>, vector<16xi32> -> vector<16xf32>
      %add3A_1749 = arith.addf %add3A_1742, %gather3A_1748 : vector<16xf32>
      %add3A_1750 = arith.addf %add3A_1720, %add3A_1709 : vector<16xf32>
      %xor3A_1751 = arith.constant 1 : i32
      %xor3A_1752 = vector.broadcast %xor3A_1751 : i32 to vector<16xi32>
      %xor3A_1753 = arith.xori %iota3A, %xor3A_1752 : vector<16xi32>
      %broadcast_in_dim3A_1754 = vector.shape_cast %xor3A_1753 : vector<16xi32> to vector<16x1xi32>
      %gather3A_1755 = vector.shape_cast %broadcast_in_dim3A_1754 : vector<16x1xi32> to vector<16xi32>
      %gather3A_1756 = tpu.dynamic_gather %add3A_1750[%gather3A_1755] in [0] : vector<16xf32>, vector<16xi32> -> vector<16xf32>
      %add3A_1757 = arith.addf %add3A_1750, %gather3A_1756 : vector<16xf32>
      %xor3A_1758 = arith.constant 2 : i32
      %xor3A_1759 = vector.broadcast %xor3A_1758 : i32 to vector<16xi32>
      %xor3A_1760 = arith.xori %iota3A, %xor3A_1759 : vector<16xi32>
      %broadcast_in_dim3A_1761 = vector.shape_cast %xor3A_1760 : vector<16xi32> to vector<16x1xi32>
      %gather3A_1762 = vector.shape_cast %broadcast_in_dim3A_1761 : vector<16x1xi32> to vector<16xi32>
      %gather3A_1763 = tpu.dynamic_gather %add3A_1757[%gather3A_1762] in [0] : vector<16xf32>, vector<16xi32> -> vector<16xf32>
      %add3A_1764 = arith.addf %add3A_1757, %gather3A_1763 : vector<16xf32>
      %xor3A_1765 = arith.constant 4 : i32
      %xor3A_1766 = vector.broadcast %xor3A_1765 : i32 to vector<16xi32>
      %xor3A_1767 = arith.xori %iota3A, %xor3A_1766 : vector<16xi32>
      %broadcast_in_dim3A_1768 = vector.shape_cast %xor3A_1767 : vector<16xi32> to vector<16x1xi32>
      %gather3A_1769 = vector.shape_cast %broadcast_in_dim3A_1768 : vector<16x1xi32> to vector<16xi32>
      %gather3A_1770 = tpu.dynamic_gather %add3A_1764[%gather3A_1769] in [0] : vector<16xf32>, vector<16xi32> -> vector<16xf32>
      %add3A_1771 = arith.addf %add3A_1764, %gather3A_1770 : vector<16xf32>
      %xor3A_1772 = arith.constant 8 : i32
      %xor3A_1773 = vector.broadcast %xor3A_1772 : i32 to vector<16xi32>
      %xor3A_1774 = arith.xori %iota3A, %xor3A_1773 : vector<16xi32>
      %broadcast_in_dim3A_1775 = vector.shape_cast %xor3A_1774 : vector<16xi32> to vector<16x1xi32>
      %gather3A_1776 = vector.shape_cast %broadcast_in_dim3A_1775 : vector<16x1xi32> to vector<16xi32>
      %gather3A_1777 = tpu.dynamic_gather %add3A_1771[%gather3A_1776] in [0] : vector<16xf32>, vector<16xi32> -> vector<16xf32>
      %add3A_1778 = arith.addf %add3A_1771, %gather3A_1777 : vector<16xf32>
      %eq3A_1779 = arith.constant 1 : i32
      %eq3A_1780 = vector.broadcast %eq3A_1779 : i32 to vector<16xi32>
      %eq3A_1781 = arith.cmpi eq, %iota3A, %eq3A_1780 : vector<16xi32>
      %select_n3A_1782 = arith.select %eq3A_1781, %add3A_1778, %add3A_1749 : vector<16xi1>, vector<16xf32>
      %exp3A_1783 = math.exp %select_n3A_1782 : vector<16xf32>
      %xor3A_1784 = arith.constant 1 : i32
      %xor3A_1785 = vector.broadcast %xor3A_1784 : i32 to vector<16xi32>
      %xor3A_1786 = arith.xori %iota3A, %xor3A_1785 : vector<16xi32>
      %broadcast_in_dim3A_1787 = vector.shape_cast %xor3A_1786 : vector<16xi32> to vector<16x1xi32>
      %gather3A_1788 = vector.shape_cast %broadcast_in_dim3A_1787 : vector<16x1xi32> to vector<16xi32>
      %gather3A_1789 = tpu.dynamic_gather %exp3A_1783[%gather3A_1788] in [0] : vector<16xf32>, vector<16xi32> -> vector<16xf32>
      %add3A_1790 = arith.addf %exp3A_1783, %gather3A_1789 : vector<16xf32>
      %div3A_1791 = arith.divf %exp3A_1783, %add3A_1790 : vector<16xf32>
      %mul3A_1792 = arith.constant 16 : i32
      %mul3A_1793 = arith.muli %add3A_1569, %mul3A_1792 : i32
      %swap3A_1794 = arith.index_cast %mul3A_1793 : i32 to index
      %swap3A_1795 = tpu.vector_load %arg14[%swap3A_1794] {strides = array<i32>} : memref<2048xf32, #tpu.memory_space<vmem>>, vector<16xf32>,
      %swap3A_1796 = vector.shape_cast %swap3A_1795 : vector<16xf32> to vector<16xf32>
      %swap3A_1797 = vector.shape_cast %div3A_1791 : vector<16xf32> to vector<16xf32>
      tpu.vector_store %arg14[%swap3A_1794], %swap3A_1797 {strides = array<i32>} : memref<2048xf32, #tpu.memory_space<vmem>>, vector<16xf32>,
      %add3A_1798 = arith.constant 8 : i32
      %add3A_1799 = arith.addi %add3A_1569, %add3A_1798 : i32
      %lt3A_1800 = arith.constant 128 : i32
      %lt3A_1801 = arith.cmpi slt, %add3A_1799, %lt3A_1800 : i32
      %convert_element_type3A_1802 = arith.extui %lt3A_1801 : i1 to i32
      %cond3A_1803 = arith.constant 0 : i32
      %cond3A_1804 = arith.cmpi ne, %convert_element_type3A_1802, %cond3A_1803 : i32
      scf.if %cond3A_1804 {
        %add3A_2045 = arith.constant 8 : i32
        %add3A_2046 = arith.addi %add3A_1569, %add3A_2045 : i32
        %mul3A_2047 = arith.constant 200 : i32
        %mul3A_2048 = arith.muli %add3A_2046, %mul3A_2047 : i32
        %dma_start3A_2049 = arith.constant 0 : i32
        %dma_start3A_2050 = tpu.memref_slice %arg12[%dma_start3A_2049] : memref<208xi32, #tpu.memory_space<vmem>> -> memref<96xi32, #tpu.memory_space<vmem>>
        %dma_start3A_2051 = tpu.memref_slice %arg5[%mul3A_2048] : memref<25600xi32, #tpu.memory_space<vmem>> -> memref<96xi32, #tpu.memory_space<vmem>>
        %dma_start3A_2052 = arith.constant 0 : i32
        %dma_start3A_2053 = tpu.memref_slice %arg2[%dma_start3A_2052] : memref<1600000xi32, #tpu.memory_space<hbm>> -> memref<1600000xi32, #tpu.memory_space<hbm>>
        tpu.enqueue_indirect_dma source(%dma_start3A_2053 : memref<1600000xi32, #tpu.memory_space<hbm>>) target(%dma_start3A_2050 : memref<96xi32, #tpu.memory_space<vmem>>) offsets(%dma_start3A_2051 : memref<96xi32, #tpu.memory_space<vmem>>) semaphore(%arg21 : memref<!tpu.dma_semaphore, #tpu.memory_space<semaphore_mem>>)
        %add3A_2054 = arith.constant 96 : i32
        %add3A_2055 = arith.addi %mul3A_2048, %add3A_2054 : i32
        %dma_start3A_2056 = arith.constant 96 : i32
        %dma_start3A_2057 = tpu.memref_slice %arg12[%dma_start3A_2056] : memref<208xi32, #tpu.memory_space<vmem>> -> memref<104xi32, #tpu.memory_space<vmem>>
        %dma_start3A_2058 = tpu.memref_slice %arg5[%add3A_2055] : memref<25600xi32, #tpu.memory_space<vmem>> -> memref<104xi32, #tpu.memory_space<vmem>>
        %dma_start3A_2059 = arith.constant 0 : i32
        %dma_start3A_2060 = tpu.memref_slice %arg2[%dma_start3A_2059] : memref<1600000xi32, #tpu.memory_space<hbm>> -> memref<1600000xi32, #tpu.memory_space<hbm>>
        tpu.enqueue_indirect_dma source(%dma_start3A_2060 : memref<1600000xi32, #tpu.memory_space<hbm>>) target(%dma_start3A_2057 : memref<104xi32, #tpu.memory_space<vmem>>) offsets(%dma_start3A_2058 : memref<104xi32, #tpu.memory_space<vmem>>) semaphore(%arg21 : memref<!tpu.dma_semaphore, #tpu.memory_space<semaphore_mem>>)
      } else {
      }
      %mul3A_1805 = arith.constant 8 : i32
      %mul3A_1806 = arith.muli %scan3A_144, %mul3A_1805 : i32
      %add3A_1807 = arith.constant 7 : i32
      %add3A_1808 = arith.addi %mul3A_1806, %add3A_1807 : i32
      %dma_wait3A_1809 = arith.constant 0 : i32
      %dma_wait3A_1810 = tpu.memref_slice %arg13[%dma_wait3A_1809] : memref<208xi32, #tpu.memory_space<vmem>> -> memref<200xi32, #tpu.memory_space<vmem>>
      %dma_wait3A_1811 = arith.constant 0 : i32
      %dma_wait3A_1812 = tpu.memref_slice %arg2[%dma_wait3A_1811] : memref<1600000xi32, #tpu.memory_space<hbm>> -> memref<200xi32, #tpu.memory_space<hbm>>
      %dma_wait3A_1813 = arith.constant 0 : i32
      %dma_wait3A_1814 = tpu.memref_slice %arg13[%dma_wait3A_1813] : memref<208xi32, #tpu.memory_space<vmem>> -> memref<200xi32, #tpu.memory_space<vmem>>
      %dma_wait3A_1815 = arith.constant 0 : i32
      %dma_wait3A_1816 = tpu.memref_slice %arg2[%dma_wait3A_1815] : memref<1600000xi32, #tpu.memory_space<hbm>> -> memref<200xi32, #tpu.memory_space<hbm>>
      tpu.wait_dma2 semaphore(%arg22 : memref<!tpu.dma_semaphore, #tpu.memory_space<semaphore_mem>>) src(%dma_wait3A_1816 : memref<200xi32, #tpu.memory_space<hbm>>) dst(%dma_wait3A_1814 : memref<200xi32, #tpu.memory_space<vmem>>)
      %get3A_1817 = arith.constant 0 : index
      %get3A_1818 = tpu.vector_load %arg13[%get3A_1817] {strides = array<i32>} : memref<208xi32, #tpu.memory_space<vmem>>, vector<16xi32>,
      %get3A_1819 = vector.shape_cast %get3A_1818 : vector<16xi32> to vector<16xi32>
      %shift_left3A_1820 = arith.constant 16 : i32
      %shift_left3A_1821 = vector.broadcast %shift_left3A_1820 : i32 to vector<16xi32>
      %shift_left3A_1822 = arith.shli %get3A_1819, %shift_left3A_1821 : vector<16xi32>
      %bitcast_convert_type3A_1823 = tpu.bitcast %shift_left3A_1822 : vector<16xi32> -> vector<16xf32>
      %and3A_1824 = arith.andi %get3A_1819, %broadcast_in_dim3A_9 : vector<16xi32>
      %bitcast_convert_type3A_1825 = tpu.bitcast %and3A_1824 : vector<16xi32> -> vector<16xf32>
      %add3A_1826 = arith.addf %broadcast_in_dim3A_5, %bitcast_convert_type3A_1823 : vector<16xf32>
      %add3A_1827 = arith.addf %broadcast_in_dim3A_5, %bitcast_convert_type3A_1825 : vector<16xf32>
      %get3A_1828 = arith.constant 16 : index
      %get3A_1829 = tpu.vector_load %arg13[%get3A_1828] {strides = array<i32>} : memref<208xi32, #tpu.memory_space<vmem>>, vector<16xi32>,
      %get3A_1830 = vector.shape_cast %get3A_1829 : vector<16xi32> to vector<16xi32>
      %shift_left3A_1831 = arith.constant 16 : i32
      %shift_left3A_1832 = vector.broadcast %shift_left3A_1831 : i32 to vector<16xi32>
      %shift_left3A_1833 = arith.shli %get3A_1830, %shift_left3A_1832 : vector<16xi32>
      %bitcast_convert_type3A_1834 = tpu.bitcast %shift_left3A_1833 : vector<16xi32> -> vector<16xf32>
      %and3A_1835 = arith.andi %get3A_1830, %broadcast_in_dim3A_9 : vector<16xi32>
      %bitcast_convert_type3A_1836 = tpu.bitcast %and3A_1835 : vector<16xi32> -> vector<16xf32>
      %add3A_1837 = arith.addf %broadcast_in_dim3A_5, %bitcast_convert_type3A_1834 : vector<16xf32>
      %add3A_1838 = arith.addf %broadcast_in_dim3A_5, %bitcast_convert_type3A_1836 : vector<16xf32>
      %get3A_1839 = arith.constant 32 : index
      %get3A_1840 = tpu.vector_load %arg13[%get3A_1839] {strides = array<i32>} : memref<208xi32, #tpu.memory_space<vmem>>, vector<16xi32>,
      %get3A_1841 = vector.shape_cast %get3A_1840 : vector<16xi32> to vector<16xi32>
      %shift_left3A_1842 = arith.constant 16 : i32
      %shift_left3A_1843 = vector.broadcast %shift_left3A_1842 : i32 to vector<16xi32>
      %shift_left3A_1844 = arith.shli %get3A_1841, %shift_left3A_1843 : vector<16xi32>
      %bitcast_convert_type3A_1845 = tpu.bitcast %shift_left3A_1844 : vector<16xi32> -> vector<16xf32>
      %and3A_1846 = arith.andi %get3A_1841, %broadcast_in_dim3A_9 : vector<16xi32>
      %bitcast_convert_type3A_1847 = tpu.bitcast %and3A_1846 : vector<16xi32> -> vector<16xf32>
      %add3A_1848 = arith.addf %add3A_1826, %bitcast_convert_type3A_1845 : vector<16xf32>
      %add3A_1849 = arith.addf %add3A_1827, %bitcast_convert_type3A_1847 : vector<16xf32>
      %get3A_1850 = arith.constant 48 : index
      %get3A_1851 = tpu.vector_load %arg13[%get3A_1850] {strides = array<i32>} : memref<208xi32, #tpu.memory_space<vmem>>, vector<16xi32>,
      %get3A_1852 = vector.shape_cast %get3A_1851 : vector<16xi32> to vector<16xi32>
      %shift_left3A_1853 = arith.constant 16 : i32
      %shift_left3A_1854 = vector.broadcast %shift_left3A_1853 : i32 to vector<16xi32>
      %shift_left3A_1855 = arith.shli %get3A_1852, %shift_left3A_1854 : vector<16xi32>
      %bitcast_convert_type3A_1856 = tpu.bitcast %shift_left3A_1855 : vector<16xi32> -> vector<16xf32>
      %and3A_1857 = arith.andi %get3A_1852, %broadcast_in_dim3A_9 : vector<16xi32>
      %bitcast_convert_type3A_1858 = tpu.bitcast %and3A_1857 : vector<16xi32> -> vector<16xf32>
      %add3A_1859 = arith.addf %add3A_1837, %bitcast_convert_type3A_1856 : vector<16xf32>
      %add3A_1860 = arith.addf %add3A_1838, %bitcast_convert_type3A_1858 : vector<16xf32>
      %get3A_1861 = arith.constant 64 : index
      %get3A_1862 = tpu.vector_load %arg13[%get3A_1861] {strides = array<i32>} : memref<208xi32, #tpu.memory_space<vmem>>, vector<16xi32>,
      %get3A_1863 = vector.shape_cast %get3A_1862 : vector<16xi32> to vector<16xi32>
      %shift_left3A_1864 = arith.constant 16 : i32
      %shift_left3A_1865 = vector.broadcast %shift_left3A_1864 : i32 to vector<16xi32>
      %shift_left3A_1866 = arith.shli %get3A_1863, %shift_left3A_1865 : vector<16xi32>
      %bitcast_convert_type3A_1867 = tpu.bitcast %shift_left3A_1866 : vector<16xi32> -> vector<16xf32>
      %and3A_1868 = arith.andi %get3A_1863, %broadcast_in_dim3A_9 : vector<16xi32>
      %bitcast_convert_type3A_1869 = tpu.bitcast %and3A_1868 : vector<16xi32> -> vector<16xf32>
      %add3A_1870 = arith.addf %add3A_1848, %bitcast_convert_type3A_1867 : vector<16xf32>
      %add3A_1871 = arith.addf %add3A_1849, %bitcast_convert_type3A_1869 : vector<16xf32>
      %get3A_1872 = arith.constant 80 : index
      %get3A_1873 = tpu.vector_load %arg13[%get3A_1872] {strides = array<i32>} : memref<208xi32, #tpu.memory_space<vmem>>, vector<16xi32>,
      %get3A_1874 = vector.shape_cast %get3A_1873 : vector<16xi32> to vector<16xi32>
      %shift_left3A_1875 = arith.constant 16 : i32
      %shift_left3A_1876 = vector.broadcast %shift_left3A_1875 : i32 to vector<16xi32>
      %shift_left3A_1877 = arith.shli %get3A_1874, %shift_left3A_1876 : vector<16xi32>
      %bitcast_convert_type3A_1878 = tpu.bitcast %shift_left3A_1877 : vector<16xi32> -> vector<16xf32>
      %and3A_1879 = arith.andi %get3A_1874, %broadcast_in_dim3A_9 : vector<16xi32>
      %bitcast_convert_type3A_1880 = tpu.bitcast %and3A_1879 : vector<16xi32> -> vector<16xf32>
      %add3A_1881 = arith.addf %add3A_1859, %bitcast_convert_type3A_1878 : vector<16xf32>
      %add3A_1882 = arith.addf %add3A_1860, %bitcast_convert_type3A_1880 : vector<16xf32>
      %get3A_1883 = arith.constant 96 : index
      %get3A_1884 = tpu.vector_load %arg13[%get3A_1883] {strides = array<i32>} : memref<208xi32, #tpu.memory_space<vmem>>, vector<16xi32>,
      %get3A_1885 = vector.shape_cast %get3A_1884 : vector<16xi32> to vector<16xi32>
      %shift_left3A_1886 = arith.constant 16 : i32
      %shift_left3A_1887 = vector.broadcast %shift_left3A_1886 : i32 to vector<16xi32>
      %shift_left3A_1888 = arith.shli %get3A_1885, %shift_left3A_1887 : vector<16xi32>
      %bitcast_convert_type3A_1889 = tpu.bitcast %shift_left3A_1888 : vector<16xi32> -> vector<16xf32>
      %and3A_1890 = arith.andi %get3A_1885, %broadcast_in_dim3A_9 : vector<16xi32>
      %bitcast_convert_type3A_1891 = tpu.bitcast %and3A_1890 : vector<16xi32> -> vector<16xf32>
      %add3A_1892 = arith.addf %add3A_1870, %bitcast_convert_type3A_1889 : vector<16xf32>
      %add3A_1893 = arith.addf %add3A_1871, %bitcast_convert_type3A_1891 : vector<16xf32>
      %get3A_1894 = arith.constant 112 : index
      %get3A_1895 = tpu.vector_load %arg13[%get3A_1894] {strides = array<i32>} : memref<208xi32, #tpu.memory_space<vmem>>, vector<16xi32>,
      %get3A_1896 = vector.shape_cast %get3A_1895 : vector<16xi32> to vector<16xi32>
      %shift_left3A_1897 = arith.constant 16 : i32
      %shift_left3A_1898 = vector.broadcast %shift_left3A_1897 : i32 to vector<16xi32>
      %shift_left3A_1899 = arith.shli %get3A_1896, %shift_left3A_1898 : vector<16xi32>
      %bitcast_convert_type3A_1900 = tpu.bitcast %shift_left3A_1899 : vector<16xi32> -> vector<16xf32>
      %and3A_1901 = arith.andi %get3A_1896, %broadcast_in_dim3A_9 : vector<16xi32>
      %bitcast_convert_type3A_1902 = tpu.bitcast %and3A_1901 : vector<16xi32> -> vector<16xf32>
      %add3A_1903 = arith.addf %add3A_1881, %bitcast_convert_type3A_1900 : vector<16xf32>
      %add3A_1904 = arith.addf %add3A_1882, %bitcast_convert_type3A_1902 : vector<16xf32>
      %get3A_1905 = arith.constant 128 : index
      %get3A_1906 = tpu.vector_load %arg13[%get3A_1905] {strides = array<i32>} : memref<208xi32, #tpu.memory_space<vmem>>, vector<16xi32>,
      %get3A_1907 = vector.shape_cast %get3A_1906 : vector<16xi32> to vector<16xi32>
      %shift_left3A_1908 = arith.constant 16 : i32
      %shift_left3A_1909 = vector.broadcast %shift_left3A_1908 : i32 to vector<16xi32>
      %shift_left3A_1910 = arith.shli %get3A_1907, %shift_left3A_1909 : vector<16xi32>
      %bitcast_convert_type3A_1911 = tpu.bitcast %shift_left3A_1910 : vector<16xi32> -> vector<16xf32>
      %and3A_1912 = arith.andi %get3A_1907, %broadcast_in_dim3A_9 : vector<16xi32>
      %bitcast_convert_type3A_1913 = tpu.bitcast %and3A_1912 : vector<16xi32> -> vector<16xf32>
      %add3A_1914 = arith.addf %add3A_1892, %bitcast_convert_type3A_1911 : vector<16xf32>
      %add3A_1915 = arith.addf %add3A_1893, %bitcast_convert_type3A_1913 : vector<16xf32>
      %get3A_1916 = arith.constant 144 : index
      %get3A_1917 = tpu.vector_load %arg13[%get3A_1916] {strides = array<i32>} : memref<208xi32, #tpu.memory_space<vmem>>, vector<16xi32>,
      %get3A_1918 = vector.shape_cast %get3A_1917 : vector<16xi32> to vector<16xi32>
      %shift_left3A_1919 = arith.constant 16 : i32
      %shift_left3A_1920 = vector.broadcast %shift_left3A_1919 : i32 to vector<16xi32>
      %shift_left3A_1921 = arith.shli %get3A_1918, %shift_left3A_1920 : vector<16xi32>
      %bitcast_convert_type3A_1922 = tpu.bitcast %shift_left3A_1921 : vector<16xi32> -> vector<16xf32>
      %and3A_1923 = arith.andi %get3A_1918, %broadcast_in_dim3A_9 : vector<16xi32>
      %bitcast_convert_type3A_1924 = tpu.bitcast %and3A_1923 : vector<16xi32> -> vector<16xf32>
      %add3A_1925 = arith.addf %add3A_1903, %bitcast_convert_type3A_1922 : vector<16xf32>
      %add3A_1926 = arith.addf %add3A_1904, %bitcast_convert_type3A_1924 : vector<16xf32>
      %get3A_1927 = arith.constant 160 : index
      %get3A_1928 = tpu.vector_load %arg13[%get3A_1927] {strides = array<i32>} : memref<208xi32, #tpu.memory_space<vmem>>, vector<16xi32>,
      %get3A_1929 = vector.shape_cast %get3A_1928 : vector<16xi32> to vector<16xi32>
      %shift_left3A_1930 = arith.constant 16 : i32
      %shift_left3A_1931 = vector.broadcast %shift_left3A_1930 : i32 to vector<16xi32>
      %shift_left3A_1932 = arith.shli %get3A_1929, %shift_left3A_1931 : vector<16xi32>
      %bitcast_convert_type3A_1933 = tpu.bitcast %shift_left3A_1932 : vector<16xi32> -> vector<16xf32>
      %and3A_1934 = arith.andi %get3A_1929, %broadcast_in_dim3A_9 : vector<16xi32>
      %bitcast_convert_type3A_1935 = tpu.bitcast %and3A_1934 : vector<16xi32> -> vector<16xf32>
      %add3A_1936 = arith.addf %add3A_1914, %bitcast_convert_type3A_1933 : vector<16xf32>
      %add3A_1937 = arith.addf %add3A_1915, %bitcast_convert_type3A_1935 : vector<16xf32>
      %get3A_1938 = arith.constant 176 : index
      %get3A_1939 = tpu.vector_load %arg13[%get3A_1938] {strides = array<i32>} : memref<208xi32, #tpu.memory_space<vmem>>, vector<16xi32>,
      %get3A_1940 = vector.shape_cast %get3A_1939 : vector<16xi32> to vector<16xi32>
      %shift_left3A_1941 = arith.constant 16 : i32
      %shift_left3A_1942 = vector.broadcast %shift_left3A_1941 : i32 to vector<16xi32>
      %shift_left3A_1943 = arith.shli %get3A_1940, %shift_left3A_1942 : vector<16xi32>
      %bitcast_convert_type3A_1944 = tpu.bitcast %shift_left3A_1943 : vector<16xi32> -> vector<16xf32>
      %and3A_1945 = arith.andi %get3A_1940, %broadcast_in_dim3A_9 : vector<16xi32>
      %bitcast_convert_type3A_1946 = tpu.bitcast %and3A_1945 : vector<16xi32> -> vector<16xf32>
      %add3A_1947 = arith.addf %add3A_1925, %bitcast_convert_type3A_1944 : vector<16xf32>
      %add3A_1948 = arith.addf %add3A_1926, %bitcast_convert_type3A_1946 : vector<16xf32>
      %get3A_1949 = arith.constant 192 : index
      %get3A_1950 = tpu.vector_load %arg13[%get3A_1949] {strides = array<i32>} : memref<208xi32, #tpu.memory_space<vmem>>, vector<16xi32>,
      %get3A_1951 = vector.shape_cast %get3A_1950 : vector<16xi32> to vector<16xi32>
      %shift_left3A_1952 = arith.constant 16 : i32
      %shift_left3A_1953 = vector.broadcast %shift_left3A_1952 : i32 to vector<16xi32>
      %shift_left3A_1954 = arith.shli %get3A_1951, %shift_left3A_1953 : vector<16xi32>
      %bitcast_convert_type3A_1955 = tpu.bitcast %shift_left3A_1954 : vector<16xi32> -> vector<16xf32>
      %and3A_1956 = arith.andi %get3A_1951, %broadcast_in_dim3A_9 : vector<16xi32>
      %bitcast_convert_type3A_1957 = tpu.bitcast %and3A_1956 : vector<16xi32> -> vector<16xf32>
      %add3A_1958 = arith.addf %add3A_1936, %bitcast_convert_type3A_1955 : vector<16xf32>
      %add3A_1959 = arith.addf %add3A_1937, %bitcast_convert_type3A_1957 : vector<16xf32>
      %add3A_1960 = arith.addf %add3A_1958, %add3A_1947 : vector<16xf32>
      %xor3A_1961 = arith.constant 1 : i32
      %xor3A_1962 = vector.broadcast %xor3A_1961 : i32 to vector<16xi32>
      %xor3A_1963 = arith.xori %iota3A, %xor3A_1962 : vector<16xi32>
      %broadcast_in_dim3A_1964 = vector.shape_cast %xor3A_1963 : vector<16xi32> to vector<16x1xi32>
      %gather3A_1965 = vector.shape_cast %broadcast_in_dim3A_1964 : vector<16x1xi32> to vector<16xi32>
      %gather3A_1966 = tpu.dynamic_gather %add3A_1960[%gather3A_1965] in [0] : vector<16xf32>, vector<16xi32> -> vector<16xf32>
      %add3A_1967 = arith.addf %add3A_1960, %gather3A_1966 : vector<16xf32>
      %xor3A_1968 = arith.constant 2 : i32
      %xor3A_1969 = vector.broadcast %xor3A_1968 : i32 to vector<16xi32>
      %xor3A_1970 = arith.xori %iota3A, %xor3A_1969 : vector<16xi32>
      %broadcast_in_dim3A_1971 = vector.shape_cast %xor3A_1970 : vector<16xi32> to vector<16x1xi32>
      %gather3A_1972 = vector.shape_cast %broadcast_in_dim3A_1971 : vector<16x1xi32> to vector<16xi32>
      %gather3A_1973 = tpu.dynamic_gather %add3A_1967[%gather3A_1972] in [0] : vector<16xf32>, vector<16xi32> -> vector<16xf32>
      %add3A_1974 = arith.addf %add3A_1967, %gather3A_1973 : vector<16xf32>
      %xor3A_1975 = arith.constant 4 : i32
      %xor3A_1976 = vector.broadcast %xor3A_1975 : i32 to vector<16xi32>
      %xor3A_1977 = arith.xori %iota3A, %xor3A_1976 : vector<16xi32>
      %broadcast_in_dim3A_1978 = vector.shape_cast %xor3A_1977 : vector<16xi32> to vector<16x1xi32>
      %gather3A_1979 = vector.shape_cast %broadcast_in_dim3A_1978 : vector<16x1xi32> to vector<16xi32>
      %gather3A_1980 = tpu.dynamic_gather %add3A_1974[%gather3A_1979] in [0] : vector<16xf32>, vector<16xi32> -> vector<16xf32>
      %add3A_1981 = arith.addf %add3A_1974, %gather3A_1980 : vector<16xf32>
      %xor3A_1982 = arith.constant 8 : i32
      %xor3A_1983 = vector.broadcast %xor3A_1982 : i32 to vector<16xi32>
      %xor3A_1984 = arith.xori %iota3A, %xor3A_1983 : vector<16xi32>
      %broadcast_in_dim3A_1985 = vector.shape_cast %xor3A_1984 : vector<16xi32> to vector<16x1xi32>
      %gather3A_1986 = vector.shape_cast %broadcast_in_dim3A_1985 : vector<16x1xi32> to vector<16xi32>
      %gather3A_1987 = tpu.dynamic_gather %add3A_1981[%gather3A_1986] in [0] : vector<16xf32>, vector<16xi32> -> vector<16xf32>
      %add3A_1988 = arith.addf %add3A_1981, %gather3A_1987 : vector<16xf32>
      %add3A_1989 = arith.addf %add3A_1959, %add3A_1948 : vector<16xf32>
      %xor3A_1990 = arith.constant 1 : i32
      %xor3A_1991 = vector.broadcast %xor3A_1990 : i32 to vector<16xi32>
      %xor3A_1992 = arith.xori %iota3A, %xor3A_1991 : vector<16xi32>
      %broadcast_in_dim3A_1993 = vector.shape_cast %xor3A_1992 : vector<16xi32> to vector<16x1xi32>
      %gather3A_1994 = vector.shape_cast %broadcast_in_dim3A_1993 : vector<16x1xi32> to vector<16xi32>
      %gather3A_1995 = tpu.dynamic_gather %add3A_1989[%gather3A_1994] in [0] : vector<16xf32>, vector<16xi32> -> vector<16xf32>
      %add3A_1996 = arith.addf %add3A_1989, %gather3A_1995 : vector<16xf32>
      %xor3A_1997 = arith.constant 2 : i32
      %xor3A_1998 = vector.broadcast %xor3A_1997 : i32 to vector<16xi32>
      %xor3A_1999 = arith.xori %iota3A, %xor3A_1998 : vector<16xi32>
      %broadcast_in_dim3A_2000 = vector.shape_cast %xor3A_1999 : vector<16xi32> to vector<16x1xi32>
      %gather3A_2001 = vector.shape_cast %broadcast_in_dim3A_2000 : vector<16x1xi32> to vector<16xi32>
      %gather3A_2002 = tpu.dynamic_gather %add3A_1996[%gather3A_2001] in [0] : vector<16xf32>, vector<16xi32> -> vector<16xf32>
      %add3A_2003 = arith.addf %add3A_1996, %gather3A_2002 : vector<16xf32>
      %xor3A_2004 = arith.constant 4 : i32
      %xor3A_2005 = vector.broadcast %xor3A_2004 : i32 to vector<16xi32>
      %xor3A_2006 = arith.xori %iota3A, %xor3A_2005 : vector<16xi32>
      %broadcast_in_dim3A_2007 = vector.shape_cast %xor3A_2006 : vector<16xi32> to vector<16x1xi32>
      %gather3A_2008 = vector.shape_cast %broadcast_in_dim3A_2007 : vector<16x1xi32> to vector<16xi32>
      %gather3A_2009 = tpu.dynamic_gather %add3A_2003[%gather3A_2008] in [0] : vector<16xf32>, vector<16xi32> -> vector<16xf32>
      %add3A_2010 = arith.addf %add3A_2003, %gather3A_2009 : vector<16xf32>
      %xor3A_2011 = arith.constant 8 : i32
      %xor3A_2012 = vector.broadcast %xor3A_2011 : i32 to vector<16xi32>
      %xor3A_2013 = arith.xori %iota3A, %xor3A_2012 : vector<16xi32>
      %broadcast_in_dim3A_2014 = vector.shape_cast %xor3A_2013 : vector<16xi32> to vector<16x1xi32>
      %gather3A_2015 = vector.shape_cast %broadcast_in_dim3A_2014 : vector<16x1xi32> to vector<16xi32>
      %gather3A_2016 = tpu.dynamic_gather %add3A_2010[%gather3A_2015] in [0] : vector<16xf32>, vector<16xi32> -> vector<16xf32>
      %add3A_2017 = arith.addf %add3A_2010, %gather3A_2016 : vector<16xf32>
      %eq3A_2018 = arith.constant 1 : i32
      %eq3A_2019 = vector.broadcast %eq3A_2018 : i32 to vector<16xi32>
      %eq3A_2020 = arith.cmpi eq, %iota3A, %eq3A_2019 : vector<16xi32>
      %select_n3A_2021 = arith.select %eq3A_2020, %add3A_2017, %add3A_1988 : vector<16xi1>, vector<16xf32>
      %exp3A_2022 = math.exp %select_n3A_2021 : vector<16xf32>
      %xor3A_2023 = arith.constant 1 : i32
      %xor3A_2024 = vector.broadcast %xor3A_2023 : i32 to vector<16xi32>
      %xor3A_2025 = arith.xori %iota3A, %xor3A_2024 : vector<16xi32>
      %broadcast_in_dim3A_2026 = vector.shape_cast %xor3A_2025 : vector<16xi32> to vector<16x1xi32>
      %gather3A_2027 = vector.shape_cast %broadcast_in_dim3A_2026 : vector<16x1xi32> to vector<16xi32>
      %gather3A_2028 = tpu.dynamic_gather %exp3A_2022[%gather3A_2027] in [0] : vector<16xf32>, vector<16xi32> -> vector<16xf32>
      %add3A_2029 = arith.addf %exp3A_2022, %gather3A_2028 : vector<16xf32>
      %div3A_2030 = arith.divf %exp3A_2022, %add3A_2029 : vector<16xf32>
      %mul3A_2031 = arith.constant 16 : i32
      %mul3A_2032 = arith.muli %add3A_1808, %mul3A_2031 : i32
      %swap3A_2033 = arith.index_cast %mul3A_2032 : i32 to index
      %swap3A_2034 = tpu.vector_load %arg14[%swap3A_2033] {strides = array<i32>} : memref<2048xf32, #tpu.memory_space<vmem>>, vector<16xf32>,
      %swap3A_2035 = vector.shape_cast %swap3A_2034 : vector<16xf32> to vector<16xf32>
      %swap3A_2036 = vector.shape_cast %div3A_2030 : vector<16xf32> to vector<16xf32>
      tpu.vector_store %arg14[%swap3A_2033], %swap3A_2036 {strides = array<i32>} : memref<2048xf32, #tpu.memory_space<vmem>>, vector<16xf32>,
      %add3A_2037 = arith.constant 8 : i32
      %add3A_2038 = arith.addi %add3A_1808, %add3A_2037 : i32
      %lt3A_2039 = arith.constant 128 : i32
      %lt3A_2040 = arith.cmpi slt, %add3A_2038, %lt3A_2039 : i32
      %convert_element_type3A_2041 = arith.extui %lt3A_2040 : i1 to i32
      %cond3A_2042 = arith.constant 0 : i32
      %cond3A_2043 = arith.cmpi ne, %convert_element_type3A_2041, %cond3A_2042 : i32
      scf.if %cond3A_2043 {
        %add3A_2045 = arith.constant 8 : i32
        %add3A_2046 = arith.addi %add3A_1808, %add3A_2045 : i32
        %mul3A_2047 = arith.constant 200 : i32
        %mul3A_2048 = arith.muli %add3A_2046, %mul3A_2047 : i32
        %dma_start3A_2049 = arith.constant 0 : i32
        %dma_start3A_2050 = tpu.memref_slice %arg13[%dma_start3A_2049] : memref<208xi32, #tpu.memory_space<vmem>> -> memref<96xi32, #tpu.memory_space<vmem>>
        %dma_start3A_2051 = tpu.memref_slice %arg5[%mul3A_2048] : memref<25600xi32, #tpu.memory_space<vmem>> -> memref<96xi32, #tpu.memory_space<vmem>>
        %dma_start3A_2052 = arith.constant 0 : i32
        %dma_start3A_2053 = tpu.memref_slice %arg2[%dma_start3A_2052] : memref<1600000xi32, #tpu.memory_space<hbm>> -> memref<1600000xi32, #tpu.memory_space<hbm>>
        tpu.enqueue_indirect_dma source(%dma_start3A_2053 : memref<1600000xi32, #tpu.memory_space<hbm>>) target(%dma_start3A_2050 : memref<96xi32, #tpu.memory_space<vmem>>) offsets(%dma_start3A_2051 : memref<96xi32, #tpu.memory_space<vmem>>) semaphore(%arg22 : memref<!tpu.dma_semaphore, #tpu.memory_space<semaphore_mem>>)
        %add3A_2054 = arith.constant 96 : i32
        %add3A_2055 = arith.addi %mul3A_2048, %add3A_2054 : i32
        %dma_start3A_2056 = arith.constant 96 : i32
        %dma_start3A_2057 = tpu.memref_slice %arg13[%dma_start3A_2056] : memref<208xi32, #tpu.memory_space<vmem>> -> memref<104xi32, #tpu.memory_space<vmem>>
        %dma_start3A_2058 = tpu.memref_slice %arg5[%add3A_2055] : memref<25600xi32, #tpu.memory_space<vmem>> -> memref<104xi32, #tpu.memory_space<vmem>>
        %dma_start3A_2059 = arith.constant 0 : i32
        %dma_start3A_2060 = tpu.memref_slice %arg2[%dma_start3A_2059] : memref<1600000xi32, #tpu.memory_space<hbm>> -> memref<1600000xi32, #tpu.memory_space<hbm>>
        tpu.enqueue_indirect_dma source(%dma_start3A_2060 : memref<1600000xi32, #tpu.memory_space<hbm>>) target(%dma_start3A_2057 : memref<104xi32, #tpu.memory_space<vmem>>) offsets(%dma_start3A_2058 : memref<104xi32, #tpu.memory_space<vmem>>) semaphore(%arg22 : memref<!tpu.dma_semaphore, #tpu.memory_space<semaphore_mem>>)
      } else {
      }
      %scan3A_2044 = arith.constant 0 : i32
      scf.yield %scan3A_2044 : i32
    }
    %scan3A_141 = arith.constant 16 : i32
    %mul3A_142 = arith.constant 16 : i32
    %mul3A_143 = arith.muli %mul3A_2, %mul3A_142 : i32
    "tpu.region"() ({
      %run_scoped3A = tpu.sem_alloc : memref<!tpu.dma_semaphore, #tpu.memory_space<semaphore_mem>>
      %dma_start3A_144 = tpu.memref_slice %arg4[%mul3A_143] : memref<65536xf32, #tpu.memory_space<hbm>> -> memref<2048xf32, #tpu.memory_space<hbm>>
      %dma_start3A_145 = tpu.memref_slice %arg4[%mul3A_143] : memref<65536xf32, #tpu.memory_space<hbm>> -> memref<2048xf32, #tpu.memory_space<hbm>>
      tpu.enqueue_dma source(%arg14 : memref<2048xf32, #tpu.memory_space<vmem>>) target(%dma_start3A_145 : memref<2048xf32, #tpu.memory_space<hbm>>) target_semaphore(%run_scoped3A : memref<!tpu.dma_semaphore, #tpu.memory_space<semaphore_mem>>)
      %dma_wait3A = tpu.memref_slice %arg4[%mul3A_143] : memref<65536xf32, #tpu.memory_space<hbm>> -> memref<2048xf32, #tpu.memory_space<hbm>>
      %dma_wait3A_146 = tpu.memref_slice %arg4[%mul3A_143] : memref<65536xf32, #tpu.memory_space<hbm>> -> memref<2048xf32, #tpu.memory_space<hbm>>
      tpu.wait_dma2 semaphore(%run_scoped3A : memref<!tpu.dma_semaphore, #tpu.memory_space<semaphore_mem>>) src(%arg14 : memref<2048xf32, #tpu.memory_space<vmem>>) dst(%dma_wait3A_146 : memref<2048xf32, #tpu.memory_space<hbm>>)
      tpu.yield
    }) : () -> ()
    return
  }
}

module attributes {stable_mosaic.version = 14 : i64} {
  func.func @_proj_body(%arg0: i32, %arg1: memref<1024x8x128xf32, #tpu.memory_space<vmem>>, %arg2: memref<8x128x128xf32, #tpu.memory_space<vmem>>, %arg3: memref<131072xi32, #tpu.memory_space<vmem>>) attributes {dimension_semantics = [#tpu.dimension_semantics<arbitrary>], iteration_bounds = array<i64: 13>, scalar_prefetch = 0 : i64, scratch_operands = 0 : i64, tpu.core_type = #tpu.core_type<tc>, window_params = [{transform_indices = @transform_0, window_bounds = array<i64: 1024, 8, 128>}, {pipeline_mode = #tpu.pipeline_mode<synchronous>, transform_indices = @transform_1, window_bounds = array<i64: 8, 128, 128>}, {transform_indices = @transform_2, window_bounds = array<i64: 131072>}]} {
    %get3A = arith.constant 0 : index
    %get3A_0 = arith.constant 0 : index
    %get3A_1 = arith.constant 0 : index
    %get3A_2 = vector.load %arg1[%get3A, %get3A_0, %get3A_1] : memref<1024x8x128xf32, #tpu.memory_space<vmem>>, vector<1024x1x128xf32>
    %get3A_3 = vector.shape_cast %get3A_2 : vector<1024x1x128xf32> to vector<1024x128xf32>
    %get3A_4 = arith.constant 0 : index
    %get3A_5 = arith.constant 0 : index
    %get3A_6 = arith.constant 0 : index
    %get3A_7 = vector.load %arg2[%get3A_4, %get3A_5, %get3A_6] : memref<8x128x128xf32, #tpu.memory_space<vmem>>, vector<1x128x128xf32>
    %get3A_8 = vector.shape_cast %get3A_7 : vector<1x128x128xf32> to vector<128x128xf32>
    %dot_general3A = arith.constant dense<0.000000e+00> : vector<1024x128xf32>
    %dot_general3A_9 = tpu.matmul %get3A_3, %get3A_8, %dot_general3A {dimension_numbers = #tpu.dot_dimension_numbers<[1], [0], [0], [1], [0, 0, 1, 1], [], []>, transpose_lhs_hint = false} : vector<1024x128xf32>, vector<128x128xf32>, vector<1024x128xf32> -> vector<1024x128xf32>
    %get3A_10 = arith.constant 0 : index
    %get3A_11 = arith.constant 1 : index
    %get3A_12 = arith.constant 0 : index
    %get3A_13 = vector.load %arg1[%get3A_10, %get3A_11, %get3A_12] : memref<1024x8x128xf32, #tpu.memory_space<vmem>>, vector<1024x1x128xf32>
    %get3A_14 = vector.shape_cast %get3A_13 : vector<1024x1x128xf32> to vector<1024x128xf32>
    %get3A_15 = arith.constant 1 : index
    %get3A_16 = arith.constant 0 : index
    %get3A_17 = arith.constant 0 : index
    %get3A_18 = vector.load %arg2[%get3A_15, %get3A_16, %get3A_17] : memref<8x128x128xf32, #tpu.memory_space<vmem>>, vector<1x128x128xf32>
    %get3A_19 = vector.shape_cast %get3A_18 : vector<1x128x128xf32> to vector<128x128xf32>
    %dot_general3A_20 = arith.constant dense<0.000000e+00> : vector<1024x128xf32>
    %dot_general3A_21 = tpu.matmul %get3A_14, %get3A_19, %dot_general3A_20 {dimension_numbers = #tpu.dot_dimension_numbers<[1], [0], [0], [1], [0, 0, 1, 1], [], []>, transpose_lhs_hint = false} : vector<1024x128xf32>, vector<128x128xf32>, vector<1024x128xf32> -> vector<1024x128xf32>
    %add3A = arith.addf %dot_general3A_9, %dot_general3A_21 : vector<1024x128xf32>
    %get3A_22 = arith.constant 0 : index
    %get3A_23 = arith.constant 2 : index
    %get3A_24 = arith.constant 0 : index
    %get3A_25 = vector.load %arg1[%get3A_22, %get3A_23, %get3A_24] : memref<1024x8x128xf32, #tpu.memory_space<vmem>>, vector<1024x1x128xf32>
    %get3A_26 = vector.shape_cast %get3A_25 : vector<1024x1x128xf32> to vector<1024x128xf32>
    %get3A_27 = arith.constant 2 : index
    %get3A_28 = arith.constant 0 : index
    %get3A_29 = arith.constant 0 : index
    %get3A_30 = vector.load %arg2[%get3A_27, %get3A_28, %get3A_29] : memref<8x128x128xf32, #tpu.memory_space<vmem>>, vector<1x128x128xf32>
    %get3A_31 = vector.shape_cast %get3A_30 : vector<1x128x128xf32> to vector<128x128xf32>
    %dot_general3A_32 = arith.constant dense<0.000000e+00> : vector<1024x128xf32>
    %dot_general3A_33 = tpu.matmul %get3A_26, %get3A_31, %dot_general3A_32 {dimension_numbers = #tpu.dot_dimension_numbers<[1], [0], [0], [1], [0, 0, 1, 1], [], []>, transpose_lhs_hint = false} : vector<1024x128xf32>, vector<128x128xf32>, vector<1024x128xf32> -> vector<1024x128xf32>
    %add3A_34 = arith.addf %add3A, %dot_general3A_33 : vector<1024x128xf32>
    %get3A_35 = arith.constant 0 : index
    %get3A_36 = arith.constant 3 : index
    %get3A_37 = arith.constant 0 : index
    %get3A_38 = vector.load %arg1[%get3A_35, %get3A_36, %get3A_37] : memref<1024x8x128xf32, #tpu.memory_space<vmem>>, vector<1024x1x128xf32>
    %get3A_39 = vector.shape_cast %get3A_38 : vector<1024x1x128xf32> to vector<1024x128xf32>
    %get3A_40 = arith.constant 3 : index
    %get3A_41 = arith.constant 0 : index
    %get3A_42 = arith.constant 0 : index
    %get3A_43 = vector.load %arg2[%get3A_40, %get3A_41, %get3A_42] : memref<8x128x128xf32, #tpu.memory_space<vmem>>, vector<1x128x128xf32>
    %get3A_44 = vector.shape_cast %get3A_43 : vector<1x128x128xf32> to vector<128x128xf32>
    %dot_general3A_45 = arith.constant dense<0.000000e+00> : vector<1024x128xf32>
    %dot_general3A_46 = tpu.matmul %get3A_39, %get3A_44, %dot_general3A_45 {dimension_numbers = #tpu.dot_dimension_numbers<[1], [0], [0], [1], [0, 0, 1, 1], [], []>, transpose_lhs_hint = false} : vector<1024x128xf32>, vector<128x128xf32>, vector<1024x128xf32> -> vector<1024x128xf32>
    %add3A_47 = arith.addf %add3A_34, %dot_general3A_46 : vector<1024x128xf32>
    %get3A_48 = arith.constant 0 : index
    %get3A_49 = arith.constant 4 : index
    %get3A_50 = arith.constant 0 : index
    %get3A_51 = vector.load %arg1[%get3A_48, %get3A_49, %get3A_50] : memref<1024x8x128xf32, #tpu.memory_space<vmem>>, vector<1024x1x128xf32>
    %get3A_52 = vector.shape_cast %get3A_51 : vector<1024x1x128xf32> to vector<1024x128xf32>
    %get3A_53 = arith.constant 4 : index
    %get3A_54 = arith.constant 0 : index
    %get3A_55 = arith.constant 0 : index
    %get3A_56 = vector.load %arg2[%get3A_53, %get3A_54, %get3A_55] : memref<8x128x128xf32, #tpu.memory_space<vmem>>, vector<1x128x128xf32>
    %get3A_57 = vector.shape_cast %get3A_56 : vector<1x128x128xf32> to vector<128x128xf32>
    %dot_general3A_58 = arith.constant dense<0.000000e+00> : vector<1024x128xf32>
    %dot_general3A_59 = tpu.matmul %get3A_52, %get3A_57, %dot_general3A_58 {dimension_numbers = #tpu.dot_dimension_numbers<[1], [0], [0], [1], [0, 0, 1, 1], [], []>, transpose_lhs_hint = false} : vector<1024x128xf32>, vector<128x128xf32>, vector<1024x128xf32> -> vector<1024x128xf32>
    %add3A_60 = arith.addf %add3A_47, %dot_general3A_59 : vector<1024x128xf32>
    %get3A_61 = arith.constant 0 : index
    %get3A_62 = arith.constant 5 : index
    %get3A_63 = arith.constant 0 : index
    %get3A_64 = vector.load %arg1[%get3A_61, %get3A_62, %get3A_63] : memref<1024x8x128xf32, #tpu.memory_space<vmem>>, vector<1024x1x128xf32>
    %get3A_65 = vector.shape_cast %get3A_64 : vector<1024x1x128xf32> to vector<1024x128xf32>
    %get3A_66 = arith.constant 5 : index
    %get3A_67 = arith.constant 0 : index
    %get3A_68 = arith.constant 0 : index
    %get3A_69 = vector.load %arg2[%get3A_66, %get3A_67, %get3A_68] : memref<8x128x128xf32, #tpu.memory_space<vmem>>, vector<1x128x128xf32>
    %get3A_70 = vector.shape_cast %get3A_69 : vector<1x128x128xf32> to vector<128x128xf32>
    %dot_general3A_71 = arith.constant dense<0.000000e+00> : vector<1024x128xf32>
    %dot_general3A_72 = tpu.matmul %get3A_65, %get3A_70, %dot_general3A_71 {dimension_numbers = #tpu.dot_dimension_numbers<[1], [0], [0], [1], [0, 0, 1, 1], [], []>, transpose_lhs_hint = false} : vector<1024x128xf32>, vector<128x128xf32>, vector<1024x128xf32> -> vector<1024x128xf32>
    %add3A_73 = arith.addf %add3A_60, %dot_general3A_72 : vector<1024x128xf32>
    %get3A_74 = arith.constant 0 : index
    %get3A_75 = arith.constant 6 : index
    %get3A_76 = arith.constant 0 : index
    %get3A_77 = vector.load %arg1[%get3A_74, %get3A_75, %get3A_76] : memref<1024x8x128xf32, #tpu.memory_space<vmem>>, vector<1024x1x128xf32>
    %get3A_78 = vector.shape_cast %get3A_77 : vector<1024x1x128xf32> to vector<1024x128xf32>
    %get3A_79 = arith.constant 6 : index
    %get3A_80 = arith.constant 0 : index
    %get3A_81 = arith.constant 0 : index
    %get3A_82 = vector.load %arg2[%get3A_79, %get3A_80, %get3A_81] : memref<8x128x128xf32, #tpu.memory_space<vmem>>, vector<1x128x128xf32>
    %get3A_83 = vector.shape_cast %get3A_82 : vector<1x128x128xf32> to vector<128x128xf32>
    %dot_general3A_84 = arith.constant dense<0.000000e+00> : vector<1024x128xf32>
    %dot_general3A_85 = tpu.matmul %get3A_78, %get3A_83, %dot_general3A_84 {dimension_numbers = #tpu.dot_dimension_numbers<[1], [0], [0], [1], [0, 0, 1, 1], [], []>, transpose_lhs_hint = false} : vector<1024x128xf32>, vector<128x128xf32>, vector<1024x128xf32> -> vector<1024x128xf32>
    %add3A_86 = arith.addf %add3A_73, %dot_general3A_85 : vector<1024x128xf32>
    %get3A_87 = arith.constant 0 : index
    %get3A_88 = arith.constant 7 : index
    %get3A_89 = arith.constant 0 : index
    %get3A_90 = vector.load %arg1[%get3A_87, %get3A_88, %get3A_89] : memref<1024x8x128xf32, #tpu.memory_space<vmem>>, vector<1024x1x128xf32>
    %get3A_91 = vector.shape_cast %get3A_90 : vector<1024x1x128xf32> to vector<1024x128xf32>
    %get3A_92 = arith.constant 7 : index
    %get3A_93 = arith.constant 0 : index
    %get3A_94 = arith.constant 0 : index
    %get3A_95 = vector.load %arg2[%get3A_92, %get3A_93, %get3A_94] : memref<8x128x128xf32, #tpu.memory_space<vmem>>, vector<1x128x128xf32>
    %get3A_96 = vector.shape_cast %get3A_95 : vector<1x128x128xf32> to vector<128x128xf32>
    %dot_general3A_97 = arith.constant dense<0.000000e+00> : vector<1024x128xf32>
    %dot_general3A_98 = tpu.matmul %get3A_91, %get3A_96, %dot_general3A_97 {dimension_numbers = #tpu.dot_dimension_numbers<[1], [0], [0], [1], [0, 0, 1, 1], [], []>, transpose_lhs_hint = false} : vector<1024x128xf32>, vector<128x128xf32>, vector<1024x128xf32> -> vector<1024x128xf32>
    %add3A_99 = arith.addf %add3A_86, %dot_general3A_98 : vector<1024x128xf32>
    %bitcast_convert_type3A = tpu.bitcast %add3A_99 : vector<1024x128xf32> -> vector<1024x128xi32>
    %add3A_100 = arith.constant 32768 : i32
    %add3A_101 = vector.broadcast %add3A_100 : i32 to vector<1024x128xi32>
    %add3A_102 = arith.addi %bitcast_convert_type3A, %add3A_101 : vector<1024x128xi32>
    %shift_right_logical3A = arith.constant 16 : i32
    %shift_right_logical3A_103 = vector.broadcast %shift_right_logical3A : i32 to vector<1024x128xi32>
    %shift_right_logical3A_104 = arith.shrui %add3A_102, %shift_right_logical3A_103 : vector<1024x128xi32>
    %and3A = arith.constant -65536 : i32
    %and3A_105 = vector.broadcast %and3A : i32 to vector<1024x128xi32>
    %and3A_106 = arith.andi %add3A_102, %and3A_105 : vector<1024x128xi32>
    %roll3A = arith.constant 127 : i32
    %roll3A_107 = tpu.dynamic_rotate %and3A_106 by %roll3A dim 1 : vector<1024x128xi32>, i32 -> vector<1024x128xi32>
    %or3A = arith.ori %shift_right_logical3A_104, %roll3A_107 : vector<1024x128xi32>
    %reshape3A = vector.shape_cast %or3A : vector<1024x128xi32> to vector<131072xi32>
    %swap3A = arith.constant 0 : index
    %swap3A_108 = vector.load %arg3[%swap3A] : memref<131072xi32, #tpu.memory_space<vmem>>, vector<131072xi32>
    tpu.vector_store %arg3[%swap3A], %reshape3A {strides = array<i32>} : memref<131072xi32, #tpu.memory_space<vmem>>, vector<131072xi32>,
    return
  }
  func.func @transform_0(%arg0: i32) -> (i32, i32, i32) {
    %c0_i32 = arith.constant 0 : i32
    %c0_i32_0 = arith.constant 0 : i32
    %c0_i32_1 = arith.constant 0 : i32
    return %arg0, %c0_i32, %c0_i32_0 : i32, i32, i32
  }
  func.func @transform_1(%arg0: i32) -> (i32, i32, i32) {
    %c0_i32 = arith.constant 0 : i32
    %c0_i32_0 = arith.constant 0 : i32
    %c0_i32_1 = arith.constant 0 : i32
    %c0_i32_2 = arith.constant 0 : i32
    return %c0_i32, %c0_i32_0, %c0_i32_1 : i32, i32, i32
  }
  func.func @transform_2(%arg0: i32) -> i32 {
    %c0_i32 = arith.constant 0 : i32
    return %arg0 : i32
  }
}

</mosaic_0001>

<sc_bundles>
// kernel: kernel.4.cloned.1.call-start
scs
__scs_entry_jumppad:
0x0: {  	(pc) =	sbr.rel $0x88, $3  }
0x1: {  	(tag) =	ssettag $0x0;
	lr =	simm.s32 $0x1  }
0x2: {  	[smem:$0x3F9E] =	sst lr;
	_ =	strace $0xD0000000  }
0x3: {  	_ = 	snop  }
0x4: {  	_ = 	snop  }
0x5: {  	_ = 	snop  }
0x6: {  	_ = 	snop  }
0x7: {  	_ = 	snop  }
__scs_overlays_trampoline_lowered:
0x8: {  	[smem:$0x3FAD] =	sst s0  }
0x9: {  	[smem:$0x3FAE] =	sst s1  }
0xa: {  	[smem:$0x3FAF] =	sst s2  }
0xb: {  	[smem:$0x3FB0] =	sst s3  }
0xc: {  	[smem:$0x3FB1] =	sst s4  }
0xd: {  	[smem:$0x3FB2] =	sst s5  }
0xe: {  	[smem:$0x3FB3] =	sst s6  }
0xf: {  	[smem:$0x3FB4] =	sst s7  }
0x10: {  	[smem:$0x3FB5] =	sst s8  }
0x11: {  	[smem:$0x3FB6] =	sst s9;
	s0 =	simm.s32 @!p0 $0x0  }
0x12: {  	s1 =	sld [smem:$0x3F9C];
	s0 =	simm.s32 @p0 $0x1  }
0x13: {  	[smem:$0x3FB7] =	sst s0;
	s0 =	simm.s32 @!p1 $0x0  }
0x14: {  	s2 =	sld [smem:$0x3F9B];
	s0 =	simm.s32 @p1 $0x1  }
0x15: {  	[smem:$0x3FB8] =	sst s0;
	s0 =	simm.s32 @!p2 $0x0  }
0x16: {  	s3 =	sld [smem:$0x3FDB];
	s0 =	simm.s32 @p2 $0x1  }
0x17: {  	s4 =	simm.s32 $0x1BF5;
	[smem:$0x3FBA] =	sst s0  }
0x18: {  	s0 =	sld [smem:$0x3F9D];
	_ =	swait.ge [sflag:s4], $0x0  }
0x19: {  	s7 =	sld [smem:$0x3F9E]  }
0x1a: {  	s8 =	sadd.s32 $0xFFFFE003, lr  }
0x1b: {  	s9 =	sadd.s32 $0xFFFFFEF7, lr;
	s5 =	simm.s32 $0xFFFFFFFF;
	p2 =	slt.u32 s8, $0xFFFFF086  }
0x1c: {  	p1 =	slt.u32 s9, $0xF7A;
	s5 =	simm.s32 @!p2 $0x0  }
0x1d: {  	s5 =	simm.s32 @p1 $0x1;
	p0 =	seq.s32 s7, s2  }
0x1e: {  	s7 =	smul.u32 @!p0 $0xF7A, s2;
	p2 =	seq.s32 @!p0 s5, $0x0  }
0x1f: {  	s9 =	smul.u32 $0xF7A, s1;
	s8 =	simm.s32 @!p0 $0x1BF5;
	p2 =	por !p2, p0  }
0x20: {  	[sflag:s8] =	ssyncset.s32 @!p0 $0xFFFFF086;
	s6 =	sadd.s32 @!p0 s3, s7;
	s7 =	simm.s32 @!p0 $0x108  }
0x21: {  	s3 =	sadd.s32 s3, s9;
	s6 =	sadd.s32 @!p0 $0x88, s6;
	s7 =	simm.s32 @p2 $0x1082  }
0x22: {  	[simem:s7], [sflag:s8] =	dma.local @!p0 [hbm:s6], $0xF7A  }
0x23: {  	s9 =	sor.u32 $0xD0000000, s2;
	s6 =	simm.s32 $0x108;
	_ =	swait.ge @!p0 [sflag:s8], $0x0  }
0x24: {  	s3 =	sadd.s32 $0x88, s3;
	s6 =	simm.s32 @!p1 $0x1082;
	[sflag:s4] =	ssyncset.s32 $0xFFFFF086  }
0x25: {  	[simem:s6], [sflag:s4] =	dma.local [hbm:s3], $0xF7A  }
0x26: {  	[smem:$0x3F9E] =	sst s1;
	(tag) =	ssettag s2;
	_ =	strace s9  }
0x27: {  	s1 =	sld [smem:$0x3FAE]  }
0x28: {  	s2 =	sld [smem:$0x3FAF]  }
0x29: {  	s4 =	sld [smem:$0x3FB1]  }
0x2a: {  	p0 =	seq.s32 s5, $0x0;
	s5 =	sld [smem:$0x3FB2]  }
0x2b: {  	s6 =	sld [smem:$0x3FB3]  }
0x2c: {  	s7 =	sld [smem:$0x3FB4]  }
0x2d: {  	s3 =	simm.s32 $0x108;
	s8 =	sld [smem:$0x3FB5]  }
0x2e: {  	s3 =	simm.s32 @!p0 $0x1082;
	s9 =	sld [smem:$0x3FB6]  }
0x2f: {  	lr =	sadd.s32 s0, s3;
	s0 =	sld [smem:$0x3FAD]  }
0x30: {  	s3 =	sld [smem:$0x3FB0]  }
0x31: {  	[smem:$0x3FB9] =	sst s10  }
0x32: {  	s10 =	sld [smem:$0x3FB7];
	_ =	sdelay $0x3  }
0x33: {  	p0 =	seq.s32 s10, $0x1;
	s10 =	sld [smem:$0x3FB9];
	_ =	sdelay $0x3  }
0x34: {  	[smem:$0x3FB9] =	sst s10  }
0x35: {  	s10 =	sld [smem:$0x3FB8];
	_ =	sdelay $0x3  }
0x36: {  	p1 =	seq.s32 s10, $0x1;
	s10 =	sld [smem:$0x3FB9];
	_ =	sdelay $0x3  }
0x37: {  	[smem:$0x3FB9] =	sst s10  }
0x38: {  	s10 =	sld [smem:$0x3FBA]  }
0x39: {  	_ = 	snop;
	(pc) =	sbr.ind lr, $3  }
0x3a: {  	_ = 	snop  }
0x3b: {  	_ = 	snop  }
0x3c: {  	p2 =	seq.s32 s10, $0x1;
	s10 =	sld [smem:$0x3FB9]  }
0x3d: {  	_ =	shalt  }
0x3e: {  	_ =	shalt  }
0x3f: {  	_ =	shalt  }
0x40: {  	_ =	shalt  }
0x41: {  	_ =	shalt  }
0x42: {  	_ =	shalt  }
0x43: {  	_ =	shalt  }
0x44: {  	_ =	shalt  }
0x45: {  	_ =	shalt  }
0x46: {  	_ =	shalt  }
0x47: {  	_ =	shalt  }
0x48: {  	_ =	shalt  }
0x49: {  	_ =	shalt  }
0x4a: {  	_ =	shalt  }
0x4b: {  	_ =	shalt  }
0x4c: {  	_ =	shalt  }
0x4d: {  	_ =	shalt  }
0x4e: {  	_ =	shalt  }
0x4f: {  	_ =	shalt  }
0x50: {  	_ =	shalt  }
0x51: {  	_ =	shalt  }
0x52: {  	_ =	shalt  }
0x53: {  	_ =	shalt  }
0x54: {  	_ =	shalt  }
0x55: {  	_ =	shalt  }
0x56: {  	_ =	shalt  }
0x57: {  	_ =	shalt  }
0x58: {  	_ =	shalt  }
0x59: {  	_ =	shalt  }
0x5a: {  	_ =	shalt  }
0x5b: {  	_ =	shalt  }
0x5c: {  	_ =	shalt  }
0x5d: {  	_ =	shalt  }
0x5e: {  	_ =	shalt  }
0x5f: {  	_ =	shalt  }
0x60: {  	_ =	shalt  }
0x61: {  	_ =	shalt  }
0x62: {  	_ =	shalt  }
0x63: {  	_ =	shalt  }
0x64: {  	_ =	shalt  }
0x65: {  	_ =	shalt  }
0x66: {  	_ =	shalt  }
0x67: {  	_ =	shalt  }
0x68: {  	_ =	shalt  }
0x69: {  	_ =	shalt  }
0x6a: {  	_ =	shalt  }
0x6b: {  	_ =	shalt  }
0x6c: {  	_ =	shalt  }
0x6d: {  	_ =	shalt  }
0x6e: {  	_ =	shalt  }
0x6f: {  	_ =	shalt  }
0x70: {  	_ =	shalt  }
0x71: {  	_ =	shalt  }
0x72: {  	_ =	shalt  }
0x73: {  	_ =	shalt  }
0x74: {  	_ =	shalt  }
0x75: {  	_ =	shalt  }
0x76: {  	_ =	shalt  }
0x77: {  	_ =	shalt  }
0x78: {  	_ =	shalt  }
0x79: {  	_ =	shalt  }
0x7a: {  	_ =	shalt  }
0x7b: {  	_ =	shalt  }
0x7c: {  	_ =	shalt  }
0x7d: {  	_ =	shalt  }
0x7e: {  	_ =	shalt  }
0x7f: {  	_ =	shalt  }
0x80: {  	_ =	shalt  }
0x81: {  	_ =	shalt  }
0x82: {  	_ =	shalt  }
0x83: {  	_ =	shalt  }
0x84: {  	_ =	shalt  }
0x85: {  	_ =	shalt  }
0x86: {  	_ =	shalt  }
0x87: {  	_ =	shalt  }
.Lfunc_end0:
.L_simem_size_0:
called_computation_lowered:
.L_overlay_start_0:
0x88: {  	s2 =	sld [smem:$0x3FD9]  }
0x89: {  	s3 =	sld [smem:$0x3FFE];
	_ =	sdelay $0x1  }
0x8a: {  	s1 =	srdreg.scid  }
0x8b: {  	s0 =	sand.u32 $0x1, s1  }
0x8c: {  	s16 =	sshll.u32 s0, $0xA;
	s2 =	sadd.s32 s3, s2  }
0x8d: {  	s2 =	sadd.s32 s2, s16  }
0x8e: {  	[smem:$0x3FC5] =	sst s2  }
0x8f: {  	_ = 	snop  }
0x90: {  	(tm) =	ssettm $0x1  }
0x91: {  	s17 =	sld [smem:$0x3FFB];
	_ =	sdelay $0x3  }
0x92: {  	_ =	strace s17  }
0x93: {  	s2 =	sld [smem:$0x3FFC];
	_ =	sdelay $0x3  }
0x94: {  	_ =	strace s2  }
0x95: {  	s2 =	sld [smem:$0x3FFD];
	_ =	sdelay $0x3  }
0x96: {  	_ =	strace s2  }
0x97: {  	_ =	strace $0x8FFFFFFF  }
0x98: {  	s18 =	sld [smem:$0x3FDB];
	_ =	sdelay $0x1  }
0x99: {  	s19 =	simm.s32 $_scs_section_size  }
0x9a: {  	s4 =	simm.s32 $_size__tile_overlayer_lowered;
	s5 =	simm.s32 $_tile_overlayer_lowered  }
0x9b: {  	s22 =	simm.s32 $0x1BFF;
	s21 =	sshll.u32 s5, $0x1;
	s2 =	sadd.s32 s19, s18  }
0x9c: {  	s6 =	simm.s32 $0x0;
	s20 =	sshll.u32 s4, $0x1;
	s4 =	sadd.s32 s21, s2  }
0x9d: {  	[timem:s6], [sflag:s22] =	dma.local [hbm:s4], s20  }
0x9e: {  	_ =	swait.ge [sflag:s22], s20  }
0x9f: {  	s3 =	ssub.s32 $0x0, s20;
	[sflag:s22] =	ssyncset.done $0x0  }
0xa0: {  	[sflag:s22] =	ssyncadd.s32 s3;
	_ =	sdelay $0x1  }
0xa1: {  	s23 =	simm.s32 $0x1B8B  }
0xa2: {  	_ =	swait.ge [sflag:s23], $0x1  }
0xa3: {  	[sflag:s23] =	ssyncset.done $0x0  }
0xa4: {  	s25 =	simm.s32 $0x1B8E;
	s24 =	sld [smem:$0x3FFE];
	[sflag:s23] =	ssyncadd.s32 $0xFFFFFFFF  }
0xa5: {  	s26 =	simm.s32 $execute0_lowered;
	[smem:$0x3FD2] =	sst s25  }
0xa6: {  	s4 =	sshll.u32 s26, $0x1;
	_ =	strace $0x80000046;
	[dreg:$0x1] =	wrdreg $0xFFFFFFFF  }
0xa7: {  	s28 =	simm.s32 $_size_execute0_lowered;
	s2 =	sadd.s32 s2, s4;
	[dreg:$0x0] =	wrdreg $0x0  }
0xa8: {  	s4 =	sshll.u32 s28, $0x1;
	[dreg:$0x2] =	wrdreg s2  }
0xa9: {  	[dreg:$0x3] =	wrdreg s4  }
0xaa: {  	[dreg:$0x4] =	wrdreg $0xC0  }
0xab: {  	_ =	task [dreg:s6], $0x5FFFF  }
0xac: {  	[dreg:$0x1] =	wrdreg $0xFFFFFFFF  }
0xad: {  	[dreg:$0x0] =	wrdreg $0x60  }
0xae: {  	[dreg:$0x2] =	wrdreg s24  }
0xaf: {  	[dreg:$0x3] =	wrdreg $0x9  }
0xb0: {  	_ =	task.clear_ibuf [dreg:s6], $0x4FFFF;
	_ =	strace $0x90000046  }
0xb1: {  	s29 =	simm.s32 $0x9;
	_ =	strace $0x80000048  }
0xb2: {  	_ =	swait.ge [sflag:s29], $0x1  }
0xb3: {  	[sflag:s29] =	ssyncadd.s32 $0xFFFFFFFF  }
0xb4: {  	_ =	strace $0x90000048  }
0xb5: {  	_ =	sfence  }
0xb6: {  	s30 =	sld [smem:$0x0];
	_ =	sdelay $0x2  }
0xb7: {  	s31 =	sshll.u32 s1, $0xD;
	s1 =	sshrl.u32 s1, $0x2  }
0xb8: {  	s3 =	sand.u32 $0x4000, s31;
	s1 =	sadd.s32 s1, s30  }
0xb9: {  	s0 =	sor.u32 s3, s0;
	s1 =	sshll.u32 s1, $0x11  }
0xba: {  	s0 =	sor.u32 s1, s0  }
0xbb: {  	s0 =	sadd.s32 $0x8F2B, s0  }
0xbc: {  	[sflag:s0] =	ssyncadd.remote.s32 $0x1  }
0xbd: {  	_ =	sfence.sel $0xFFFF  }
0xbe: {  	[dreg:$0x0] =	wrdreg $0xFFFFFFFF;
	(pc) =	sbr.abs _section_cstart, $3  }
0xbf: {  	[dreg:$0x1] =	wrdreg $0xFFFFFFFF  }
0xc0: {  	_ =	task.clear_ibuf [dreg:s6], $0x2FFFF;
	_ =	strace $0x9FFFFFFF  }
0xc1: {  	(tm) =	ssettm $0x7FFFFFFF  }
tec
execute0_lowered:
.L_overlay_start_1:
0x0: {  	(tag) =	ssettag $0x1  }
0x1: {  	s0 =	srdreg.scid  }
0x2: {  	s2 =	stileid.u32;
	s1 =	rddreg [dreg:$0x0];
	s7 =	simm.s32 $0x9;
	v0 =	vimm.s32 $0xEFCDAB89;
	v1 =	vimm.s32 $0x67452301  }
0x3: {  	s9 =	simm.s32 $0x68;
	v2 =	vimm.s32 $0xDCFE98BA;
	s23 =	simm.s32 $0x60;
	v3 =	vimm.s32 $0x54761032;
	s10 =	simm.s32 $0x510  }
0x4: {  	v4 =	vimm.s32 $0xBA98FEDC;
	s11 =	simm.s32 $0x6940;
	s12 =	simm.s32 $0x578;
	s13 =	simm.s32 $0x69B0  }
0x5: {  	v5 =	vimm.s32 $0x32107654;
	v6 =	vimm.s32 $0xFEDCBA98;
	s14 =	simm.s32 $0x5D8;
	s15 =	simm.s32 $0x6A10;
	s16 =	simm.s32 $0x1  }
0x6: {  	v7 =	vimm.s32 $0x76543210;
	s17 =	simm.s32 $0x2;
	s18 =	simm.s32 $0x3;
	s19 =	simm.s32 $0x4;
	v0 =	vunpack.c.l.s4.s8 v0;
	v1 =	vunpack.c.l.s4.s8 v1  }
0x7: {  	s20 =	simm.s32 $0x5;
	s21 =	simm.s32 $0x6;
	s22 =	simm.s32 $0x7;
	v2 =	vunpack.c.l.s4.s8 v2;
	v3 =	vunpack.c.l.s4.s8 v3;
	v4 =	vunpack.c.l.s4.s8 v4  }
0x8: {  	s24 =	simm.s32 $0x8;
	s25 =	simm.s32 $0x6A80;
	s26 =	simm.s32 $0x0;
	v5 =	vunpack.c.l.s4.s8 v5;
	v6 =	vunpack.c.l.s4.s8 v6;
	v0 =	vunpack.c.0.s8.s32 v0  }
0x9: {  	s0 =	sand.u32 $0x1, s0;
	s3 =	sshll.u32 s2, $0x1;
	s2 =	simm.s32 $0x0;
	v1 =	vunpack.c.0.s8.s32 v1;
	v2 =	vunpack.c.0.s8.s32 v2;
	v3 =	vunpack.c.0.s8.s32 v3  }
.Ltmp0:
0xa: {  	v7 =	vunpack.c.l.s4.s8 v7;
	s4 =	sor.u32 s0, s3;
	[smem:$0x7FF] =	sst s2;
	v4 =	vunpack.c.0.s8.s32 v4;
	v5 =	vunpack.c.0.s8.s32 v5;
	(pc) =	sbr.rel .LBB2_1-.Ltmp0, $4  }
0xb: {  	s3 =	sadd.s32 $0x19200, s1;
	s0 =	ssub.s32 $0x2, s0;
	s5 =	smul.u32 $0xC80, s4;
	v1 =	vcombine.low v1, v0;
	v2 =	vcombine.low v3, v2;
	v3 =	vunpack.c.0.s8.s32 v6  }
0xc: {  	vm0 =	vcmask $0x308;
	_ =	strace $0x80000047;
	s4 =	sshll.u32 s4, $0x8;
	s6 =	sshrl.u32 s0, $0x1;
	v4 =	vcombine.low v5, v4;
	v5 =	vunpack.c.0.s8.s32 v7  }
0xd: {  	s0 =	ssub.s32 s0, s6;
	s5 =	sadd.s32 s5, s1;
	s1 =	sadd.s32 s4, s1;
	v0 =	vimm.s32 $0x0;
	v1 =	vand.u32 $0xF, v1;
	v6 =	vand.u32 $0xF, v3  }
0xe: {  	s6 =	smax.u32 s0, $0x1;
	s4 =	sadd.s32 $0x200, s5;
	s5 =	sadd.s32 $0x4A000, s1;
	v2 =	vand.u32 $0xF, v2;
	v3 =	vand.u32 $0xF, v4;
	v4 =	vcombine.low v6, v5  }
.LBB2_4:
0xf: {  	s26 =	sadd.s32 $0x1, s26  }
0x10: {  	p0 =	sne.s32 s26, s6  }
.Ltmp1:
0x11: {  	_ = 	snop;
	(pc) =	sbr.rel @!p0 .LBB2_5-.Ltmp1, $4  }
0x12: {  	[hbm4b:s5+s2] =	stream.linear.scatter [tilespmem:s25], [sflag:$0x9], $0x800, $0x38;
	[tilespmem:$0x7280] =	vst v63  }
0x13: {  	_ =	swait.ge [sflag:s7], $0x800  }
0x14: {  	[sflag:s7] =	ssyncset.done $0x0  }
0x15: {  	[sflag:s7] =	ssyncadd.s32 $0xFFFFF800  }
.LBB2_1:
0x16: {  	[tilespmem:s2], [sflag:$0x9] =	stream.linear.gather [hbm4b:s4+s2], $0x6400, $0x38;
	[tilespmem:$0x7280] =	vst v63  }
0x17: {  	_ =	swait.ge [sflag:s7], $0x6400  }
0x18: {  	[sflag:s7] =	ssyncset.done $0x0  }
0x19: {  	[sflag:s7] =	ssyncadd.s32 $0xFFFF9C00  }
0x1a: {  	s0 =	simm.s32 $0x6400;
	[tilespmem:$0x64C0] =	vst v0  }
0x1b: {  	[tilespmem:s0], [sflag:$0x1] =	stream.indirect.gather [hbm4b:s3+s23], $0x1, s2, s23, $0xb8;
	[tilespmem:$0x7280] =	vst v63  }
0x1c: {  	s30 =	simm.s32 $0x6460  }
0x1d: {  	[tilespmem:s30], [sflag:$0x1] =	stream.indirect.gather [hbm4b:s3+s9], $0x1, s23, s9, $0xb8;
	[tilespmem:$0x7280] =	vst v63  }
0x1e: {  	s31 =	simm.s32 $0xC8;
	s1 =	simm.s32 $0x64D0;
	[tilespmem:$0x6590] =	vst v0  }
0x1f: {  	[tilespmem:s1], [sflag:$0x2] =	stream.indirect.gather [hbm4b:s3+s23], $0x1, s31, s23, $0xb8;
	[tilespmem:$0x7280] =	vst v63  }
0x20: {  	s8 =	simm.s32 $0x6530;
	s1 =	simm.s32 $0x128  }
0x21: {  	[tilespmem:s8], [sflag:$0x2] =	stream.indirect.gather [hbm4b:s3+s9], $0x1, s1, s9, $0xb8;
	[tilespmem:$0x7280] =	vst v63  }
0x22: {  	s30 =	simm.s32 $0x190;
	s31 =	simm.s32 $0x65A0;
	[tilespmem:$0x6660] =	vst v0  }
0x23: {  	[tilespmem:s31], [sflag:$0x3] =	stream.indirect.gather [hbm4b:s3+s23], $0x1, s30, s23, $0xb8;
	[tilespmem:$0x7280] =	vst v63  }
0x24: {  	s1 =	simm.s32 $0x1F0;
	s8 =	simm.s32 $0x6600  }
0x25: {  	[tilespmem:s8], [sflag:$0x3] =	stream.indirect.gather [hbm4b:s3+s9], $0x1, s1, s9, $0xb8;
	[tilespmem:$0x7280] =	vst v63  }
0x26: {  	s30 =	simm.s32 $0x258;
	s31 =	simm.s32 $0x6670;
	[tilespmem:$0x6730] =	vst v0  }
0x27: {  	[tilespmem:s31], [sflag:$0x4] =	stream.indirect.gather [hbm4b:s3+s23], $0x1, s30, s23, $0xb8;
	[tilespmem:$0x7280] =	vst v63  }
0x28: {  	s1 =	simm.s32 $0x2B8;
	s8 =	simm.s32 $0x66D0  }
0x29: {  	[tilespmem:s8], [sflag:$0x4] =	stream.indirect.gather [hbm4b:s3+s9], $0x1, s1, s9, $0xb8;
	[tilespmem:$0x7280] =	vst v63  }
0x2a: {  	s30 =	simm.s32 $0x320;
	s31 =	simm.s32 $0x6740;
	[tilespmem:$0x6800] =	vst v0  }
0x2b: {  	[tilespmem:s31], [sflag:$0x5] =	stream.indirect.gather [hbm4b:s3+s23], $0x1, s30, s23, $0xb8;
	[tilespmem:$0x7280] =	vst v63  }
0x2c: {  	s1 =	simm.s32 $0x380;
	s8 =	simm.s32 $0x67A0  }
0x2d: {  	[tilespmem:s8], [sflag:$0x5] =	stream.indirect.gather [hbm4b:s3+s9], $0x1, s1, s9, $0xb8;
	[tilespmem:$0x7280] =	vst v63  }
0x2e: {  	s30 =	simm.s32 $0x3E8;
	s31 =	simm.s32 $0x6810;
	[tilespmem:$0x68D0] =	vst v0  }
0x2f: {  	[tilespmem:s31], [sflag:$0x6] =	stream.indirect.gather [hbm4b:s3+s23], $0x1, s30, s23, $0xb8;
	[tilespmem:$0x7280] =	vst v63  }
0x30: {  	s1 =	simm.s32 $0x448;
	s8 =	simm.s32 $0x6870  }
0x31: {  	[tilespmem:s8], [sflag:$0x6] =	stream.indirect.gather [hbm4b:s3+s9], $0x1, s1, s9, $0xb8;
	[tilespmem:$0x7280] =	vst v63  }
0x32: {  	s30 =	simm.s32 $0x4B0;
	s31 =	simm.s32 $0x68E0;
	[tilespmem:$0x69A0] =	vst v0  }
0x33: {  	[tilespmem:s31], [sflag:$0x7] =	stream.indirect.gather [hbm4b:s3+s23], $0x1, s30, s23, $0xb8;
	[tilespmem:$0x7280] =	vst v63  }
0x34: {  	_ = 	snop  }
0x35: {  	[tilespmem:s11], [sflag:$0x7] =	stream.indirect.gather [hbm4b:s3+s9], $0x1, s10, s9, $0xb8;
	[tilespmem:$0x7280] =	vst v63  }
0x36: {  	[tilespmem:$0x6A70] =	vst v0  }
0x37: {  	[tilespmem:s13], [sflag:$0x8] =	stream.indirect.gather [hbm4b:s3+s23], $0x1, s12, s23, $0xb8;
	[tilespmem:$0x7280] =	vst v63  }
0x38: {  	s28 =	simm.s32 $0x6AC0;
	s29 =	simm.s32 $0x0  }
0x39: {  	[tilespmem:s15], [sflag:$0x8] =	stream.indirect.gather [hbm4b:s3+s9], $0x1, s14, s9, $0xb8;
	[tilespmem:$0x7280] =	vst v63  }
.LBB2_2:
0x3a: {  	_ =	swait.ge [sflag:s16], $0xC8  }
0x3b: {  	[sflag:s16] =	ssyncset.done $0x0  }
0x3c: {  	[sflag:s16] =	ssyncadd.s32 $0xFFFFFF38  }
0x3d: {  	v5 =	vld [tilespmem:$0x6400]  }
0x3e: {  	v6 =	vld [tilespmem:$0x6410]  }
0x3f: {  	v7 =	vld [tilespmem:$0x6420]  }
0x40: {  	v10 =	vld [tilespmem:$0x6440]  }
0x41: {  	v12 =	vld [tilespmem:$0x6450]  }
0x42: {  	v50 =	vld [tilespmem:$0x6460]  }
0x43: {  	v14 =	vld [tilespmem:$0x6470]  }
0x44: {  	v9 =	vshll.u32 v5, $0x10;
	v5 =	vand.u32 $0xFFFF0000, v5  }
0x45: {  	v52 =	vld [tilespmem:$0x6480];
	v11 =	vshll.u32 v6, $0x10;
	v6 =	vand.u32 $0xFFFF0000, v6;
	v13 =	vshll.u32 v7, $0x10  }
0x46: {  	v8 =	vld [tilespmem:$0x6430];
	v7 =	vand.u32 $0xFFFF0000, v7;
	v51 =	vshll.u32 v10, $0x10;
	v10 =	vand.u32 $0xFFFF0000, v10  }
0x47: {  	v55 =	vld [tilespmem:$0x6490];
	v53 =	vshll.u32 v12, $0x10;
	v54 =	vand.u32 $0xFFFF0000, v12;
	v56 =	vshll.u32 v50, $0x10  }
0x48: {  	v58 =	vld [tilespmem:$0x64A0];
	v57 =	vand.u32 $0xFFFF0000, v50;
	v59 =	vshll.u32 v14, $0x10;
	v9 =	vadd.f32 $0.0e+00, v9  }
0x49: {  	v60 =	vld [tilespmem:$0x64B0];
	v14 =	vand.u32 $0xFFFF0000, v14;
	v5 =	vadd.f32 $0.0e+00, v5;
	v11 =	vadd.f32 $0.0e+00, v11  }
0x4a: {  	v61 =	vshll.u32 v52, $0x10;
	v6 =	vadd.f32 $0.0e+00, v6;
	v9 =	vadd.f32 v13, v9  }
0x4b: {  	v5 =	vadd.f32 v7, v5;
	v7 =	vshll.u32 v8, $0x10;
	v8 =	vand.u32 $0xFFFF0000, v8  }
0x4c: {  	v63 =	vshll.u32 v55, $0x10;
	v7 =	vadd.f32 v7, v11;
	v6 =	vadd.f32 v8, v6  }
0x4d: {  	v15 =	vand.u32 $0xFFFF0000, v58;
	v8 =	vadd.f32 v51, v9;
	v5 =	vadd.f32 v10, v5  }
0x4e: {  	v62 =	vld [tilespmem:$0x64C0];
	v16 =	vshll.u32 v60, $0x10;
	v7 =	vadd.f32 v53, v7;
	v6 =	vadd.f32 v54, v6  }
0x4f: {  	v17 =	vand.u32 $0xFFFF0000, v60;
	v8 =	vadd.f32 v56, v8;
	v5 =	vadd.f32 v57, v5  }
0x50: {  	v11 =	vand.u32 $0xFFFF0000, v52;
	v7 =	vadd.f32 v59, v7;
	v6 =	vadd.f32 v14, v6  }
0x51: {  	v9 =	vand.u32 $0xFFFF0000, v55;
	v8 =	vadd.f32 v61, v8;
	v5 =	vadd.f32 v11, v5  }
0x52: {  	v14 =	vshll.u32 v58, $0x10;
	v7 =	vadd.f32 v63, v7;
	v6 =	vadd.f32 v9, v6  }
0x53: {  	v18 =	vshll.u32 v62, $0x10;
	v8 =	vadd.f32 v14, v8;
	v5 =	vadd.f32 v15, v5  }
0x54: {  	v10 =	vand.u32 $0xFFFF0000, v62;
	v7 =	vadd.f32 v16, v7;
	v6 =	vadd.f32 v17, v6  }
0x55: {  	v8 =	vadd.f32 v18, v8;
	v5 =	vadd.f32 v10, v5;
	_ =	sdelay $0x1  }
0x56: {  	v7 =	vadd.f32 v8, v7;
	v5 =	vadd.f32 v5, v6;
	_ =	sdelay $0x1  }
0x57: {  	v6 =	vperm.xlane v7, v1;
	v19 =	vperm.xlane v5, v1;
	_ =	sdelay $0x1  }
0x58: {  	v6 =	vadd.f32 v7, v6;
	v5 =	vadd.f32 v19, v5;
	_ =	sdelay $0x1  }
0x59: {  	v7 =	vperm.xlane v6, v2;
	v8 =	vperm.xlane v5, v2;
	_ =	sdelay $0x1  }
0x5a: {  	v6 =	vadd.f32 v6, v7;
	v5 =	vadd.f32 v8, v5;
	_ =	sdelay $0x1  }
0x5b: {  	v7 =	vperm.xlane v6, v3;
	v8 =	vperm.xlane v5, v3;
	_ =	sdelay $0x1  }
0x5c: {  	v6 =	vadd.f32 v6, v7;
	v5 =	vadd.f32 v8, v5;
	_ =	sdelay $0x1  }
0x5d: {  	v7 =	vperm.xlane v6, v4;
	v8 =	vperm.xlane v5, v4;
	_ =	sdelay $0x1  }
0x5e: {  	v6 =	vadd.f32 v6, v7;
	v5 =	vadd.f32 v8, v5;
	_ =	sdelay $0x1  }
0x5f: {  	v5 =	vsel vm0, v6, v5  }
0x60: {  	v5 =	vmul.f32 $1.442695020e+00, v5;
	_ =	sdelay $0x1  }
0x61: {  	(erf) = vpow2.f32 v5;
	_ =	sdelay $0x8  }
0x62: {  	v5 =	vpop (erf)  }
0x63: {  	v6 =	vperm.xlane v5, v1;
	_ =	sdelay $0x1  }
0x64: {  	v6 =	vadd.f32 v5, v6;
	_ =	sdelay $0x1  }
0x65: {  	(erf) = vrcp.f32 v6;
	_ =	sdelay $0x8  }
0x66: {  	v6 =	vpop (erf)  }
0x67: {  	p0 =	seq.s32 s29, $0x17700;
	v5 =	vmul.f32 v6, v5  }
0x68: {  	s30 =	sshra.s32 @!p0 s29, $0x2  }
0x69: {  	s31 =	simm.s32 @!p0 $0x60;
	s0 =	simm.s32 @!p0 $0x6400;
	s1 =	sadd.s32 @!p0 $0x640, s30;
	[tilespmem:s28+$0xFFFFFFC0] =	vst v5  }
0x6a: {  	[tilespmem:s0], [sflag:$0x1] =	stream.indirect.gather @!p0 [hbm4b:s3+s31], $0x1, s1, s31, $0xb8;
	[tilespmem:$0x7280] =	vst v63  }
0x6b: {  	s8 =	simm.s32 @!p0 $0x6460;
	s0 =	sadd.s32 @!p0 $0x6A0, s30;
	s1 =	simm.s32 @!p0 $0x68  }
0x6c: {  	[tilespmem:s8], [sflag:$0x1] =	stream.indirect.gather @!p0 [hbm4b:s3+s1], $0x1, s0, s1, $0xb8;
	[tilespmem:$0x7280] =	vst v63  }
0x6d: {  	_ =	swait.ge [sflag:s17], $0xC8  }
0x6e: {  	[sflag:s17] =	ssyncset.done $0x0  }
0x6f: {  	[sflag:s17] =	ssyncadd.s32 $0xFFFFFF38  }
0x70: {  	v5 =	vld [tilespmem:$0x64D0]  }
0x71: {  	v6 =	vld [tilespmem:$0x64E0]  }
0x72: {  	v7 =	vld [tilespmem:$0x64F0]  }
0x73: {  	v20 =	vld [tilespmem:$0x6500]  }
0x74: {  	v22 =	vld [tilespmem:$0x6510]  }
0x75: {  	v24 =	vld [tilespmem:$0x6520]  }
0x76: {  	v26 =	vld [tilespmem:$0x6530]  }
0x77: {  	v27 =	vld [tilespmem:$0x6540]  }
0x78: {  	v21 =	vshll.u32 v5, $0x10;
	v5 =	vand.u32 $0xFFFF0000, v5  }
0x79: {  	v29 =	vld [tilespmem:$0x6550];
	v23 =	vshll.u32 v6, $0x10;
	v6 =	vand.u32 $0xFFFF0000, v6;
	v25 =	vshll.u32 v7, $0x10  }
0x7a: {  	v7 =	vand.u32 $0xFFFF0000, v7;
	v8 =	vand.u32 $0xFFFF0000, v20;
	v28 =	vshll.u32 v22, $0x10  }
0x7b: {  	v32 =	vld [tilespmem:$0x6560];
	v10 =	vand.u32 $0xFFFF0000, v22;
	v30 =	vshll.u32 v24, $0x10;
	v31 =	vand.u32 $0xFFFF0000, v24  }
0x7c: {  	v35 =	vld [tilespmem:$0x6570];
	v33 =	vshll.u32 v26, $0x10;
	v34 =	vand.u32 $0xFFFF0000, v26;
	v36 =	vshll.u32 v27, $0x10  }
0x7d: {  	v14 =	vand.u32 $0xFFFF0000, v27;
	v9 =	vadd.f32 $0.0e+00, v21;
	v5 =	vadd.f32 $0.0e+00, v5  }
0x7e: {  	v37 =	vld [tilespmem:$0x6580];
	v38 =	vshll.u32 v29, $0x10;
	v11 =	vadd.f32 $0.0e+00, v23;
	v6 =	vadd.f32 $0.0e+00, v6  }
0x7f: {  	v9 =	vadd.f32 v25, v9;
	v5 =	vadd.f32 v7, v5;
	v7 =	vshll.u32 v20, $0x10  }
0x80: {  	v40 =	vshll.u32 v32, $0x10;
	v6 =	vadd.f32 v8, v6;
	v7 =	vadd.f32 v7, v11  }
0x81: {  	v41 =	vshll.u32 v35, $0x10;
	v8 =	vadd.f32 v28, v9;
	v5 =	vadd.f32 v10, v5  }
0x82: {  	v39 =	vld [tilespmem:$0x6590];
	v42 =	vand.u32 $0xFFFF0000, v35;
	v6 =	vadd.f32 v31, v6;
	v7 =	vadd.f32 v30, v7  }
0x83: {  	v43 =	vshll.u32 v37, $0x10;
	v8 =	vadd.f32 v33, v8;
	v5 =	vadd.f32 v34, v5  }
0x84: {  	v11 =	vand.u32 $0xFFFF0000, v29;
	v6 =	vadd.f32 v14, v6;
	v7 =	vadd.f32 v36, v7  }
0x85: {  	v9 =	vand.u32 $0xFFFF0000, v32;
	v8 =	vadd.f32 v38, v8;
	v5 =	vadd.f32 v11, v5  }
0x86: {  	v44 =	vand.u32 $0xFFFF0000, v37;
	v6 =	vadd.f32 v9, v6;
	v7 =	vadd.f32 v40, v7  }
0x87: {  	v45 =	vshll.u32 v39, $0x10;
	v8 =	vadd.f32 v41, v8;
	v5 =	vadd.f32 v42, v5  }
0x88: {  	v10 =	vand.u32 $0xFFFF0000, v39;
	v6 =	vadd.f32 v44, v6;
	v7 =	vadd.f32 v43, v7  }
0x89: {  	v8 =	vadd.f32 v45, v8;
	v5 =	vadd.f32 v10, v5;
	_ =	sdelay $0x1  }
0x8a: {  	v7 =	vadd.f32 v8, v7;
	v5 =	vadd.f32 v5, v6;
	_ =	sdelay $0x1  }
0x8b: {  	v6 =	vperm.xlane v7, v1;
	v46 =	vperm.xlane v5, v1;
	_ =	sdelay $0x1  }
0x8c: {  	v6 =	vadd.f32 v7, v6;
	v5 =	vadd.f32 v46, v5;
	_ =	sdelay $0x1  }
0x8d: {  	v7 =	vperm.xlane v6, v2;
	v8 =	vperm.xlane v5, v2;
	_ =	sdelay $0x1  }
0x8e: {  	v6 =	vadd.f32 v6, v7;
	v5 =	vadd.f32 v8, v5;
	_ =	sdelay $0x1  }
0x8f: {  	v7 =	vperm.xlane v6, v3;
	v8 =	vperm.xlane v5, v3;
	_ =	sdelay $0x1  }
0x90: {  	v6 =	vadd.f32 v6, v7;
	v5 =	vadd.f32 v8, v5;
	_ =	sdelay $0x1  }
0x91: {  	v7 =	vperm.xlane v6, v4;
	v8 =	vperm.xlane v5, v4;
	_ =	sdelay $0x1  }
0x92: {  	v6 =	vadd.f32 v6, v7;
	v5 =	vadd.f32 v8, v5;
	_ =	sdelay $0x1  }
0x93: {  	v5 =	vsel vm0, v6, v5  }
0x94: {  	v5 =	vmul.f32 $1.442695020e+00, v5;
	_ =	sdelay $0x1  }
0x95: {  	(erf) = vpow2.f32 v5;
	_ =	sdelay $0x8  }
0x96: {  	v5 =	vpop (erf)  }
0x97: {  	v6 =	vperm.xlane v5, v1;
	_ =	sdelay $0x1  }
0x98: {  	v6 =	vadd.f32 v5, v6;
	_ =	sdelay $0x1  }
0x99: {  	(erf) = vrcp.f32 v6;
	_ =	sdelay $0x8  }
0x9a: {  	v6 =	vpop (erf)  }
0x9b: {  	v5 =	vmul.f32 v6, v5;
	_ =	sdelay $0x1  }
0x9c: {  	s0 =	sadd.s32 @!p0 $0x708, s30;
	s8 =	simm.s32 @!p0 $0x64D0;
	[tilespmem:s28+$0xFFFFFFD0] =	vst v5  }
0x9d: {  	[tilespmem:s8], [sflag:$0x2] =	stream.indirect.gather @!p0 [hbm4b:s3+s31], $0x1, s0, s31, $0xb8;
	[tilespmem:$0x7280] =	vst v63  }
0x9e: {  	s0 =	sadd.s32 @!p0 $0x768, s30;
	s8 =	simm.s32 @!p0 $0x6530  }
0x9f: {  	[tilespmem:s8], [sflag:$0x2] =	stream.indirect.gather @!p0 [hbm4b:s3+s1], $0x1, s0, s1, $0xb8;
	[tilespmem:$0x7280] =	vst v63  }
0xa0: {  	_ =	swait.ge [sflag:s18], $0xC8  }
0xa1: {  	[sflag:s18] =	ssyncset.done $0x0  }
0xa2: {  	[sflag:s18] =	ssyncadd.s32 $0xFFFFFF38  }
0xa3: {  	v5 =	vld [tilespmem:$0x65A0]  }
0xa4: {  	v6 =	vld [tilespmem:$0x65B0]  }
0xa5: {  	v7 =	vld [tilespmem:$0x65C0]  }
0xa6: {  	v47 =	vld [tilespmem:$0x65D0]  }
0xa7: {  	v49 =	vld [tilespmem:$0x65E0]  }
0xa8: {  	v51 =	vld [tilespmem:$0x65F0]  }
0xa9: {  	v53 =	vld [tilespmem:$0x6600]  }
0xaa: {  	v54 =	vld [tilespmem:$0x6610]  }
0xab: {  	v48 =	vshll.u32 v5, $0x10;
	v5 =	vand.u32 $0xFFFF0000, v5  }
0xac: {  	v56 =	vld [tilespmem:$0x6620];
	v50 =	vshll.u32 v6, $0x10;
	v6 =	vand.u32 $0xFFFF0000, v6;
	v52 =	vshll.u32 v7, $0x10  }
0xad: {  	v7 =	vand.u32 $0xFFFF0000, v7;
	v8 =	vand.u32 $0xFFFF0000, v47;
	v55 =	vshll.u32 v49, $0x10  }
0xae: {  	v59 =	vld [tilespmem:$0x6630];
	v10 =	vand.u32 $0xFFFF0000, v49;
	v57 =	vshll.u32 v51, $0x10;
	v58 =	vand.u32 $0xFFFF0000, v51  }
0xaf: {  	v62 =	vld [tilespmem:$0x6640];
	v60 =	vshll.u32 v53, $0x10;
	v61 =	vand.u32 $0xFFFF0000, v53;
	v63 =	vshll.u32 v54, $0x10  }
0xb0: {  	v14 =	vand.u32 $0xFFFF0000, v54;
	v9 =	vadd.f32 $0.0e+00, v48;
	v5 =	vadd.f32 $0.0e+00, v5  }
0xb1: {  	v16 =	vld [tilespmem:$0x6650];
	v17 =	vshll.u32 v56, $0x10;
	v11 =	vadd.f32 $0.0e+00, v50;
	v6 =	vadd.f32 $0.0e+00, v6  }
0xb2: {  	v9 =	vadd.f32 v52, v9;
	v5 =	vadd.f32 v7, v5;
	v7 =	vshll.u32 v47, $0x10  }
0xb3: {  	v19 =	vshll.u32 v59, $0x10;
	v6 =	vadd.f32 v8, v6;
	v7 =	vadd.f32 v7, v11  }
0xb4: {  	v20 =	vshll.u32 v62, $0x10;
	v8 =	vadd.f32 v55, v9;
	v5 =	vadd.f32 v10, v5  }
0xb5: {  	v18 =	vld [tilespmem:$0x6660];
	v21 =	vand.u32 $0xFFFF0000, v62;
	v6 =	vadd.f32 v58, v6;
	v7 =	vadd.f32 v57, v7  }
0xb6: {  	v22 =	vshll.u32 v16, $0x10;
	v8 =	vadd.f32 v60, v8;
	v5 =	vadd.f32 v61, v5  }
0xb7: {  	v11 =	vand.u32 $0xFFFF0000, v56;
	v6 =	vadd.f32 v14, v6;
	v7 =	vadd.f32 v63, v7  }
0xb8: {  	v9 =	vand.u32 $0xFFFF0000, v59;
	v8 =	vadd.f32 v17, v8;
	v5 =	vadd.f32 v11, v5  }
0xb9: {  	v23 =	vand.u32 $0xFFFF0000, v16;
	v6 =	vadd.f32 v9, v6;
	v7 =	vadd.f32 v19, v7  }
0xba: {  	v24 =	vshll.u32 v18, $0x10;
	v8 =	vadd.f32 v20, v8;
	v5 =	vadd.f32 v21, v5  }
0xbb: {  	v10 =	vand.u32 $0xFFFF0000, v18;
	v6 =	vadd.f32 v23, v6;
	v7 =	vadd.f32 v22, v7  }
0xbc: {  	v8 =	vadd.f32 v24, v8;
	v5 =	vadd.f32 v10, v5;
	_ =	sdelay $0x1  }
0xbd: {  	v7 =	vadd.f32 v8, v7;
	v5 =	vadd.f32 v5, v6;
	_ =	sdelay $0x1  }
0xbe: {  	v6 =	vperm.xlane v7, v1;
	v25 =	vperm.xlane v5, v1;
	_ =	sdelay $0x1  }
0xbf: {  	v6 =	vadd.f32 v7, v6;
	v5 =	vadd.f32 v25, v5;
	_ =	sdelay $0x1  }
0xc0: {  	v7 =	vperm.xlane v6, v2;
	v8 =	vperm.xlane v5, v2;
	_ =	sdelay $0x1  }
0xc1: {  	v6 =	vadd.f32 v6, v7;
	v5 =	vadd.f32 v8, v5;
	_ =	sdelay $0x1  }
0xc2: {  	v7 =	vperm.xlane v6, v3;
	v8 =	vperm.xlane v5, v3;
	_ =	sdelay $0x1  }
0xc3: {  	v6 =	vadd.f32 v6, v7;
	v5 =	vadd.f32 v8, v5;
	_ =	sdelay $0x1  }
0xc4: {  	v7 =	vperm.xlane v6, v4;
	v8 =	vperm.xlane v5, v4;
	_ =	sdelay $0x1  }
0xc5: {  	v6 =	vadd.f32 v6, v7;
	v5 =	vadd.f32 v8, v5;
	_ =	sdelay $0x1  }
0xc6: {  	v5 =	vsel vm0, v6, v5  }
0xc7: {  	v5 =	vmul.f32 $1.442695020e+00, v5;
	_ =	sdelay $0x1  }
0xc8: {  	(erf) = vpow2.f32 v5;
	_ =	sdelay $0x8  }
0xc9: {  	v5 =	vpop (erf)  }
0xca: {  	v6 =	vperm.xlane v5, v1;
	_ =	sdelay $0x1  }
0xcb: {  	v6 =	vadd.f32 v5, v6;
	_ =	sdelay $0x1  }
0xcc: {  	(erf) = vrcp.f32 v6;
	_ =	sdelay $0x8  }
0xcd: {  	v6 =	vpop (erf)  }
0xce: {  	v5 =	vmul.f32 v6, v5;
	_ =	sdelay $0x1  }
0xcf: {  	s0 =	sadd.s32 @!p0 $0x7D0, s30;
	s8 =	simm.s32 @!p0 $0x65A0;
	[tilespmem:s28+$0xFFFFFFE0] =	vst v5  }
0xd0: {  	[tilespmem:s8], [sflag:$0x3] =	stream.indirect.gather @!p0 [hbm4b:s3+s31], $0x1, s0, s31, $0xb8;
	[tilespmem:$0x7280] =	vst v63  }
0xd1: {  	s0 =	sadd.s32 @!p0 $0x830, s30;
	s8 =	simm.s32 @!p0 $0x6600  }
0xd2: {  	[tilespmem:s8], [sflag:$0x3] =	stream.indirect.gather @!p0 [hbm4b:s3+s1], $0x1, s0, s1, $0xb8;
	[tilespmem:$0x7280] =	vst v63  }
0xd3: {  	_ =	swait.ge [sflag:s19], $0xC8  }
0xd4: {  	[sflag:s19] =	ssyncset.done $0x0  }
0xd5: {  	[sflag:s19] =	ssyncadd.s32 $0xFFFFFF38  }
0xd6: {  	v5 =	vld [tilespmem:$0x6670]  }
0xd7: {  	v6 =	vld [tilespmem:$0x6680]  }
0xd8: {  	v7 =	vld [tilespmem:$0x6690]  }
0xd9: {  	v26 =	vld [tilespmem:$0x66A0]  }
0xda: {  	v28 =	vld [tilespmem:$0x66B0]  }
0xdb: {  	v30 =	vld [tilespmem:$0x66C0]  }
0xdc: {  	v32 =	vld [tilespmem:$0x66D0]  }
0xdd: {  	v33 =	vld [tilespmem:$0x66E0]  }
0xde: {  	v27 =	vshll.u32 v5, $0x10;
	v5 =	vand.u32 $0xFFFF0000, v5  }
0xdf: {  	v35 =	vld [tilespmem:$0x66F0];
	v29 =	vshll.u32 v6, $0x10;
	v6 =	vand.u32 $0xFFFF0000, v6;
	v31 =	vshll.u32 v7, $0x10  }
0xe0: {  	v7 =	vand.u32 $0xFFFF0000, v7;
	v8 =	vand.u32 $0xFFFF0000, v26;
	v34 =	vshll.u32 v28, $0x10  }
0xe1: {  	v38 =	vld [tilespmem:$0x6700];
	v10 =	vand.u32 $0xFFFF0000, v28;
	v36 =	vshll.u32 v30, $0x10;
	v37 =	vand.u32 $0xFFFF0000, v30  }
0xe2: {  	v41 =	vld [tilespmem:$0x6710];
	v39 =	vshll.u32 v32, $0x10;
	v40 =	vand.u32 $0xFFFF0000, v32;
	v42 =	vshll.u32 v33, $0x10  }
0xe3: {  	v14 =	vand.u32 $0xFFFF0000, v33;
	v9 =	vadd.f32 $0.0e+00, v27;
	v5 =	vadd.f32 $0.0e+00, v5  }
0xe4: {  	v43 =	vld [tilespmem:$0x6720];
	v44 =	vshll.u32 v35, $0x10;
	v11 =	vadd.f32 $0.0e+00, v29;
	v6 =	vadd.f32 $0.0e+00, v6  }
0xe5: {  	v9 =	vadd.f32 v31, v9;
	v5 =	vadd.f32 v7, v5;
	v7 =	vshll.u32 v26, $0x10  }
0xe6: {  	v46 =	vshll.u32 v38, $0x10;
	v6 =	vadd.f32 v8, v6;
	v7 =	vadd.f32 v7, v11  }
0xe7: {  	v47 =	vshll.u32 v41, $0x10;
	v8 =	vadd.f32 v34, v9;
	v5 =	vadd.f32 v10, v5  }
0xe8: {  	v45 =	vld [tilespmem:$0x6730];
	v48 =	vand.u32 $0xFFFF0000, v41;
	v6 =	vadd.f32 v37, v6;
	v7 =	vadd.f32 v36, v7  }
0xe9: {  	v49 =	vshll.u32 v43, $0x10;
	v8 =	vadd.f32 v39, v8;
	v5 =	vadd.f32 v40, v5  }
0xea: {  	v11 =	vand.u32 $0xFFFF0000, v35;
	v6 =	vadd.f32 v14, v6;
	v7 =	vadd.f32 v42, v7  }
0xeb: {  	v9 =	vand.u32 $0xFFFF0000, v38;
	v8 =	vadd.f32 v44, v8;
	v5 =	vadd.f32 v11, v5  }
0xec: {  	v50 =	vand.u32 $0xFFFF0000, v43;
	v6 =	vadd.f32 v9, v6;
	v7 =	vadd.f32 v46, v7  }
0xed: {  	v51 =	vshll.u32 v45, $0x10;
	v8 =	vadd.f32 v47, v8;
	v5 =	vadd.f32 v48, v5  }
0xee: {  	v10 =	vand.u32 $0xFFFF0000, v45;
	v6 =	vadd.f32 v50, v6;
	v7 =	vadd.f32 v49, v7  }
0xef: {  	v8 =	vadd.f32 v51, v8;
	v5 =	vadd.f32 v10, v5;
	_ =	sdelay $0x1  }
0xf0: {  	v7 =	vadd.f32 v8, v7;
	v5 =	vadd.f32 v5, v6;
	_ =	sdelay $0x1  }
0xf1: {  	v6 =	vperm.xlane v7, v1;
	v52 =	vperm.xlane v5, v1;
	_ =	sdelay $0x1  }
0xf2: {  	v6 =	vadd.f32 v7, v6;
	v5 =	vadd.f32 v52, v5;
	_ =	sdelay $0x1  }
0xf3: {  	v7 =	vperm.xlane v6, v2;
	v8 =	vperm.xlane v5, v2;
	_ =	sdelay $0x1  }
0xf4: {  	v6 =	vadd.f32 v6, v7;
	v5 =	vadd.f32 v8, v5;
	_ =	sdelay $0x1  }
0xf5: {  	v7 =	vperm.xlane v6, v3;
	v8 =	vperm.xlane v5, v3;
	_ =	sdelay $0x1  }
0xf6: {  	v6 =	vadd.f32 v6, v7;
	v5 =	vadd.f32 v8, v5;
	_ =	sdelay $0x1  }
0xf7: {  	v7 =	vperm.xlane v6, v4;
	v8 =	vperm.xlane v5, v4;
	_ =	sdelay $0x1  }
0xf8: {  	v6 =	vadd.f32 v6, v7;
	v5 =	vadd.f32 v8, v5;
	_ =	sdelay $0x1  }
0xf9: {  	v5 =	vsel vm0, v6, v5  }
0xfa: {  	v5 =	vmul.f32 $1.442695020e+00, v5;
	_ =	sdelay $0x1  }
0xfb: {  	(erf) = vpow2.f32 v5;
	_ =	sdelay $0x8  }
0xfc: {  	v5 =	vpop (erf)  }
0xfd: {  	v6 =	vperm.xlane v5, v1;
	_ =	sdelay $0x1  }
0xfe: {  	v6 =	vadd.f32 v5, v6;
	_ =	sdelay $0x1  }
0xff: {  	(erf) = vrcp.f32 v6;
	_ =	sdelay $0x8  }
0x100: {  	v6 =	vpop (erf)  }
0x101: {  	v5 =	vmul.f32 v6, v5;
	_ =	sdelay $0x1  }
0x102: {  	s0 =	sadd.s32 @!p0 $0x898, s30;
	s8 =	simm.s32 @!p0 $0x6670;
	[tilespmem:s28+$0xFFFFFFF0] =	vst v5  }
0x103: {  	[tilespmem:s8], [sflag:$0x4] =	stream.indirect.gather @!p0 [hbm4b:s3+s31], $0x1, s0, s31, $0xb8;
	[tilespmem:$0x7280] =	vst v63  }
0x104: {  	s0 =	sadd.s32 @!p0 $0x8F8, s30;
	s8 =	simm.s32 @!p0 $0x66D0  }
0x105: {  	[tilespmem:s8], [sflag:$0x4] =	stream.indirect.gather @!p0 [hbm4b:s3+s1], $0x1, s0, s1, $0xb8;
	[tilespmem:$0x7280] =	vst v63  }
0x106: {  	_ =	swait.ge [sflag:s20], $0xC8  }
0x107: {  	[sflag:s20] =	ssyncset.done $0x0  }
0x108: {  	[sflag:s20] =	ssyncadd.s32 $0xFFFFFF38  }
0x109: {  	v5 =	vld [tilespmem:$0x6740]  }
0x10a: {  	v6 =	vld [tilespmem:$0x6750]  }
0x10b: {  	v7 =	vld [tilespmem:$0x6760]  }
0x10c: {  	v53 =	vld [tilespmem:$0x6770]  }
0x10d: {  	v55 =	vld [tilespmem:$0x6780]  }
0x10e: {  	v57 =	vld [tilespmem:$0x6790]  }
0x10f: {  	v59 =	vld [tilespmem:$0x67A0]  }
0x110: {  	v60 =	vld [tilespmem:$0x67B0]  }
0x111: {  	v54 =	vshll.u32 v5, $0x10;
	v5 =	vand.u32 $0xFFFF0000, v5  }
0x112: {  	v62 =	vld [tilespmem:$0x67C0];
	v56 =	vshll.u32 v6, $0x10;
	v6 =	vand.u32 $0xFFFF0000, v6;
	v58 =	vshll.u32 v7, $0x10  }
0x113: {  	v7 =	vand.u32 $0xFFFF0000, v7;
	v8 =	vand.u32 $0xFFFF0000, v53;
	v61 =	vshll.u32 v55, $0x10  }
0x114: {  	v16 =	vld [tilespmem:$0x67D0];
	v10 =	vand.u32 $0xFFFF0000, v55;
	v63 =	vshll.u32 v57, $0x10;
	v15 =	vand.u32 $0xFFFF0000, v57  }
0x115: {  	v19 =	vld [tilespmem:$0x67E0];
	v17 =	vshll.u32 v59, $0x10;
	v18 =	vand.u32 $0xFFFF0000, v59;
	v20 =	vshll.u32 v60, $0x10  }
0x116: {  	v14 =	vand.u32 $0xFFFF0000, v60;
	v9 =	vadd.f32 $0.0e+00, v54;
	v5 =	vadd.f32 $0.0e+00, v5  }
0x117: {  	v21 =	vld [tilespmem:$0x67F0];
	v22 =	vshll.u32 v62, $0x10;
	v11 =	vadd.f32 $0.0e+00, v56;
	v6 =	vadd.f32 $0.0e+00, v6  }
0x118: {  	v9 =	vadd.f32 v58, v9;
	v5 =	vadd.f32 v7, v5;
	v7 =	vshll.u32 v53, $0x10  }
0x119: {  	v24 =	vshll.u32 v16, $0x10;
	v6 =	vadd.f32 v8, v6;
	v7 =	vadd.f32 v7, v11  }
0x11a: {  	v25 =	vshll.u32 v19, $0x10;
	v8 =	vadd.f32 v61, v9;
	v5 =	vadd.f32 v10, v5  }
0x11b: {  	v23 =	vld [tilespmem:$0x6800];
	v26 =	vand.u32 $0xFFFF0000, v19;
	v6 =	vadd.f32 v15, v6;
	v7 =	vadd.f32 v63, v7  }
0x11c: {  	v27 =	vshll.u32 v21, $0x10;
	v8 =	vadd.f32 v17, v8;
	v5 =	vadd.f32 v18, v5  }
0x11d: {  	v11 =	vand.u32 $0xFFFF0000, v62;
	v6 =	vadd.f32 v14, v6;
	v7 =	vadd.f32 v20, v7  }
0x11e: {  	v9 =	vand.u32 $0xFFFF0000, v16;
	v8 =	vadd.f32 v22, v8;
	v5 =	vadd.f32 v11, v5  }
0x11f: {  	v28 =	vand.u32 $0xFFFF0000, v21;
	v6 =	vadd.f32 v9, v6;
	v7 =	vadd.f32 v24, v7  }
0x120: {  	v29 =	vshll.u32 v23, $0x10;
	v8 =	vadd.f32 v25, v8;
	v5 =	vadd.f32 v26, v5  }
0x121: {  	v10 =	vand.u32 $0xFFFF0000, v23;
	v6 =	vadd.f32 v28, v6;
	v7 =	vadd.f32 v27, v7  }
0x122: {  	v8 =	vadd.f32 v29, v8;
	v5 =	vadd.f32 v10, v5;
	_ =	sdelay $0x1  }
0x123: {  	v7 =	vadd.f32 v8, v7;
	v5 =	vadd.f32 v5, v6;
	_ =	sdelay $0x1  }
0x124: {  	v6 =	vperm.xlane v7, v1;
	v30 =	vperm.xlane v5, v1;
	_ =	sdelay $0x1  }
0x125: {  	v6 =	vadd.f32 v7, v6;
	v5 =	vadd.f32 v30, v5;
	_ =	sdelay $0x1  }
0x126: {  	v7 =	vperm.xlane v6, v2;
	v8 =	vperm.xlane v5, v2;
	_ =	sdelay $0x1  }
0x127: {  	v6 =	vadd.f32 v6, v7;
	v5 =	vadd.f32 v8, v5;
	_ =	sdelay $0x1  }
0x128: {  	v7 =	vperm.xlane v6, v3;
	v8 =	vperm.xlane v5, v3;
	_ =	sdelay $0x1  }
0x129: {  	v6 =	vadd.f32 v6, v7;
	v5 =	vadd.f32 v8, v5;
	_ =	sdelay $0x1  }
0x12a: {  	v7 =	vperm.xlane v6, v4;
	v8 =	vperm.xlane v5, v4;
	_ =	sdelay $0x1  }
0x12b: {  	v6 =	vadd.f32 v6, v7;
	v5 =	vadd.f32 v8, v5;
	_ =	sdelay $0x1  }
0x12c: {  	v5 =	vsel vm0, v6, v5  }
0x12d: {  	v5 =	vmul.f32 $1.442695020e+00, v5;
	_ =	sdelay $0x1  }
0x12e: {  	(erf) = vpow2.f32 v5;
	_ =	sdelay $0x8  }
0x12f: {  	v5 =	vpop (erf)  }
0x130: {  	v6 =	vperm.xlane v5, v1;
	_ =	sdelay $0x1  }
0x131: {  	v6 =	vadd.f32 v5, v6;
	_ =	sdelay $0x1  }
0x132: {  	(erf) = vrcp.f32 v6;
	_ =	sdelay $0x8  }
0x133: {  	v6 =	vpop (erf)  }
0x134: {  	v5 =	vmul.f32 v6, v5;
	_ =	sdelay $0x1  }
0x135: {  	s0 =	sadd.s32 @!p0 $0x960, s30;
	s8 =	simm.s32 @!p0 $0x6740;
	[tilespmem:s28+$0x0] =	vst v5  }
0x136: {  	[tilespmem:s8], [sflag:$0x5] =	stream.indirect.gather @!p0 [hbm4b:s3+s31], $0x1, s0, s31, $0xb8;
	[tilespmem:$0x7280] =	vst v63  }
0x137: {  	s0 =	sadd.s32 @!p0 $0x9C0, s30;
	s8 =	simm.s32 @!p0 $0x67A0  }
0x138: {  	[tilespmem:s8], [sflag:$0x5] =	stream.indirect.gather @!p0 [hbm4b:s3+s1], $0x1, s0, s1, $0xb8;
	[tilespmem:$0x7280] =	vst v63  }
0x139: {  	_ =	swait.ge [sflag:s21], $0xC8  }
0x13a: {  	[sflag:s21] =	ssyncset.done $0x0  }
0x13b: {  	[sflag:s21] =	ssyncadd.s32 $0xFFFFFF38  }
0x13c: {  	v5 =	vld [tilespmem:$0x6810]  }
0x13d: {  	v6 =	vld [tilespmem:$0x6820]  }
0x13e: {  	v7 =	vld [tilespmem:$0x6830]  }
0x13f: {  	v31 =	vld [tilespmem:$0x6840]  }
0x140: {  	v33 =	vld [tilespmem:$0x6850]  }
0x141: {  	v35 =	vld [tilespmem:$0x6860]  }
0x142: {  	v37 =	vld [tilespmem:$0x6870]  }
0x143: {  	v38 =	vld [tilespmem:$0x6880]  }
0x144: {  	v32 =	vshll.u32 v5, $0x10;
	v5 =	vand.u32 $0xFFFF0000, v5  }
0x145: {  	v40 =	vld [tilespmem:$0x6890];
	v34 =	vshll.u32 v6, $0x10;
	v6 =	vand.u32 $0xFFFF0000, v6;
	v36 =	vshll.u32 v7, $0x10  }
0x146: {  	v7 =	vand.u32 $0xFFFF0000, v7;
	v8 =	vand.u32 $0xFFFF0000, v31;
	v39 =	vshll.u32 v33, $0x10  }
0x147: {  	v43 =	vld [tilespmem:$0x68A0];
	v10 =	vand.u32 $0xFFFF0000, v33;
	v41 =	vshll.u32 v35, $0x10;
	v42 =	vand.u32 $0xFFFF0000, v35  }
0x148: {  	v46 =	vld [tilespmem:$0x68B0];
	v44 =	vshll.u32 v37, $0x10;
	v45 =	vand.u32 $0xFFFF0000, v37;
	v47 =	vshll.u32 v38, $0x10  }
0x149: {  	v14 =	vand.u32 $0xFFFF0000, v38;
	v9 =	vadd.f32 $0.0e+00, v32;
	v5 =	vadd.f32 $0.0e+00, v5  }
0x14a: {  	v48 =	vld [tilespmem:$0x68C0];
	v49 =	vshll.u32 v40, $0x10;
	v11 =	vadd.f32 $0.0e+00, v34;
	v6 =	vadd.f32 $0.0e+00, v6  }
0x14b: {  	v9 =	vadd.f32 v36, v9;
	v5 =	vadd.f32 v7, v5;
	v7 =	vshll.u32 v31, $0x10  }
0x14c: {  	v51 =	vshll.u32 v43, $0x10;
	v6 =	vadd.f32 v8, v6;
	v7 =	vadd.f32 v7, v11  }
0x14d: {  	v52 =	vshll.u32 v46, $0x10;
	v8 =	vadd.f32 v39, v9;
	v5 =	vadd.f32 v10, v5  }
0x14e: {  	v50 =	vld [tilespmem:$0x68D0];
	v53 =	vand.u32 $0xFFFF0000, v46;
	v6 =	vadd.f32 v42, v6;
	v7 =	vadd.f32 v41, v7  }
0x14f: {  	v54 =	vshll.u32 v48, $0x10;
	v8 =	vadd.f32 v44, v8;
	v5 =	vadd.f32 v45, v5  }
0x150: {  	v11 =	vand.u32 $0xFFFF0000, v40;
	v6 =	vadd.f32 v14, v6;
	v7 =	vadd.f32 v47, v7  }
0x151: {  	v9 =	vand.u32 $0xFFFF0000, v43;
	v8 =	vadd.f32 v49, v8;
	v5 =	vadd.f32 v11, v5  }
0x152: {  	v55 =	vand.u32 $0xFFFF0000, v48;
	v6 =	vadd.f32 v9, v6;
	v7 =	vadd.f32 v51, v7  }
0x153: {  	v56 =	vshll.u32 v50, $0x10;
	v8 =	vadd.f32 v52, v8;
	v5 =	vadd.f32 v53, v5  }
0x154: {  	v10 =	vand.u32 $0xFFFF0000, v50;
	v6 =	vadd.f32 v55, v6;
	v7 =	vadd.f32 v54, v7  }
0x155: {  	v8 =	vadd.f32 v56, v8;
	v5 =	vadd.f32 v10, v5;
	_ =	sdelay $0x1  }
0x156: {  	v7 =	vadd.f32 v8, v7;
	v5 =	vadd.f32 v5, v6;
	_ =	sdelay $0x1  }
0x157: {  	v6 =	vperm.xlane v7, v1;
	v57 =	vperm.xlane v5, v1;
	_ =	sdelay $0x1  }
0x158: {  	v6 =	vadd.f32 v7, v6;
	v5 =	vadd.f32 v57, v5;
	_ =	sdelay $0x1  }
0x159: {  	v7 =	vperm.xlane v6, v2;
	v8 =	vperm.xlane v5, v2;
	_ =	sdelay $0x1  }
0x15a: {  	v6 =	vadd.f32 v6, v7;
	v5 =	vadd.f32 v8, v5;
	_ =	sdelay $0x1  }
0x15b: {  	v7 =	vperm.xlane v6, v3;
	v8 =	vperm.xlane v5, v3;
	_ =	sdelay $0x1  }
0x15c: {  	v6 =	vadd.f32 v6, v7;
	v5 =	vadd.f32 v8, v5;
	_ =	sdelay $0x1  }
0x15d: {  	v7 =	vperm.xlane v6, v4;
	v8 =	vperm.xlane v5, v4;
	_ =	sdelay $0x1  }
0x15e: {  	v6 =	vadd.f32 v6, v7;
	v5 =	vadd.f32 v8, v5;
	_ =	sdelay $0x1  }
0x15f: {  	v5 =	vsel vm0, v6, v5  }
0x160: {  	v5 =	vmul.f32 $1.442695020e+00, v5;
	_ =	sdelay $0x1  }
0x161: {  	(erf) = vpow2.f32 v5;
	_ =	sdelay $0x8  }
0x162: {  	v5 =	vpop (erf)  }
0x163: {  	v6 =	vperm.xlane v5, v1;
	_ =	sdelay $0x1  }
0x164: {  	v6 =	vadd.f32 v5, v6;
	_ =	sdelay $0x1  }
0x165: {  	(erf) = vrcp.f32 v6;
	_ =	sdelay $0x8  }
0x166: {  	v6 =	vpop (erf)  }
0x167: {  	v5 =	vmul.f32 v6, v5;
	_ =	sdelay $0x1  }
0x168: {  	s0 =	sadd.s32 @!p0 $0xA28, s30;
	s8 =	simm.s32 @!p0 $0x6810;
	[tilespmem:s28+$0x10] =	vst v5  }
0x169: {  	[tilespmem:s8], [sflag:$0x6] =	stream.indirect.gather @!p0 [hbm4b:s3+s31], $0x1, s0, s31, $0xb8;
	[tilespmem:$0x7280] =	vst v63  }
0x16a: {  	s0 =	sadd.s32 @!p0 $0xA88, s30;
	s8 =	simm.s32 @!p0 $0x6870  }
0x16b: {  	[tilespmem:s8], [sflag:$0x6] =	stream.indirect.gather @!p0 [hbm4b:s3+s1], $0x1, s0, s1, $0xb8;
	[tilespmem:$0x7280] =	vst v63  }
0x16c: {  	_ =	swait.ge [sflag:s22], $0xC8  }
0x16d: {  	[sflag:s22] =	ssyncset.done $0x0  }
0x16e: {  	[sflag:s22] =	ssyncadd.s32 $0xFFFFFF38  }
0x16f: {  	v5 =	vld [tilespmem:$0x68E0]  }
0x170: {  	v6 =	vld [tilespmem:$0x68F0]  }
0x171: {  	v7 =	vld [tilespmem:$0x6900]  }
0x172: {  	v58 =	vld [tilespmem:$0x6910]  }
0x173: {  	v60 =	vld [tilespmem:$0x6920]  }
0x174: {  	v62 =	vld [tilespmem:$0x6930]  }
0x175: {  	v16 =	vld [tilespmem:$0x6940]  }
0x176: {  	v17 =	vld [tilespmem:$0x6950]  }
0x177: {  	v59 =	vshll.u32 v5, $0x10;
	v5 =	vand.u32 $0xFFFF0000, v5  }
0x178: {  	v19 =	vld [tilespmem:$0x6960];
	v61 =	vshll.u32 v6, $0x10;
	v6 =	vand.u32 $0xFFFF0000, v6;
	v63 =	vshll.u32 v7, $0x10  }
0x179: {  	v7 =	vand.u32 $0xFFFF0000, v7;
	v8 =	vand.u32 $0xFFFF0000, v58;
	v18 =	vshll.u32 v60, $0x10  }
0x17a: {  	v22 =	vld [tilespmem:$0x6970];
	v10 =	vand.u32 $0xFFFF0000, v60;
	v20 =	vshll.u32 v62, $0x10;
	v21 =	vand.u32 $0xFFFF0000, v62  }
0x17b: {  	v25 =	vld [tilespmem:$0x6980];
	v23 =	vshll.u32 v16, $0x10;
	v24 =	vand.u32 $0xFFFF0000, v16;
	v26 =	vshll.u32 v17, $0x10  }
0x17c: {  	v14 =	vand.u32 $0xFFFF0000, v17;
	v9 =	vadd.f32 $0.0e+00, v59;
	v5 =	vadd.f32 $0.0e+00, v5  }
0x17d: {  	v27 =	vld [tilespmem:$0x6990];
	v28 =	vshll.u32 v19, $0x10;
	v11 =	vadd.f32 $0.0e+00, v61;
	v6 =	vadd.f32 $0.0e+00, v6  }
0x17e: {  	v9 =	vadd.f32 v63, v9;
	v5 =	vadd.f32 v7, v5;
	v7 =	vshll.u32 v58, $0x10  }
0x17f: {  	v30 =	vshll.u32 v22, $0x10;
	v6 =	vadd.f32 v8, v6;
	v7 =	vadd.f32 v7, v11  }
0x180: {  	v31 =	vshll.u32 v25, $0x10;
	v8 =	vadd.f32 v18, v9;
	v5 =	vadd.f32 v10, v5  }
0x181: {  	v29 =	vld [tilespmem:$0x69A0];
	v32 =	vand.u32 $0xFFFF0000, v25;
	v6 =	vadd.f32 v21, v6;
	v7 =	vadd.f32 v20, v7  }
0x182: {  	v33 =	vshll.u32 v27, $0x10;
	v8 =	vadd.f32 v23, v8;
	v5 =	vadd.f32 v24, v5  }
0x183: {  	v11 =	vand.u32 $0xFFFF0000, v19;
	v6 =	vadd.f32 v14, v6;
	v7 =	vadd.f32 v26, v7  }
0x184: {  	v9 =	vand.u32 $0xFFFF0000, v22;
	v8 =	vadd.f32 v28, v8;
	v5 =	vadd.f32 v11, v5  }
0x185: {  	v34 =	vand.u32 $0xFFFF0000, v27;
	v6 =	vadd.f32 v9, v6;
	v7 =	vadd.f32 v30, v7  }
0x186: {  	v35 =	vshll.u32 v29, $0x10;
	v8 =	vadd.f32 v31, v8;
	v5 =	vadd.f32 v32, v5  }
0x187: {  	v10 =	vand.u32 $0xFFFF0000, v29;
	v6 =	vadd.f32 v34, v6;
	v7 =	vadd.f32 v33, v7  }
0x188: {  	v8 =	vadd.f32 v35, v8;
	v5 =	vadd.f32 v10, v5;
	_ =	sdelay $0x1  }
0x189: {  	v7 =	vadd.f32 v8, v7;
	v5 =	vadd.f32 v5, v6;
	_ =	sdelay $0x1  }
0x18a: {  	v6 =	vperm.xlane v7, v1;
	v36 =	vperm.xlane v5, v1;
	_ =	sdelay $0x1  }
0x18b: {  	v6 =	vadd.f32 v7, v6;
	v5 =	vadd.f32 v36, v5;
	_ =	sdelay $0x1  }
0x18c: {  	v7 =	vperm.xlane v6, v2;
	v8 =	vperm.xlane v5, v2;
	_ =	sdelay $0x1  }
0x18d: {  	v6 =	vadd.f32 v6, v7;
	v5 =	vadd.f32 v8, v5;
	_ =	sdelay $0x1  }
0x18e: {  	v7 =	vperm.xlane v6, v3;
	v8 =	vperm.xlane v5, v3;
	_ =	sdelay $0x1  }
0x18f: {  	v6 =	vadd.f32 v6, v7;
	v5 =	vadd.f32 v8, v5;
	_ =	sdelay $0x1  }
0x190: {  	v7 =	vperm.xlane v6, v4;
	v8 =	vperm.xlane v5, v4;
	_ =	sdelay $0x1  }
0x191: {  	v6 =	vadd.f32 v6, v7;
	v5 =	vadd.f32 v8, v5;
	_ =	sdelay $0x1  }
0x192: {  	v5 =	vsel vm0, v6, v5  }
0x193: {  	v5 =	vmul.f32 $1.442695020e+00, v5;
	_ =	sdelay $0x1  }
0x194: {  	(erf) = vpow2.f32 v5;
	_ =	sdelay $0x8  }
0x195: {  	v5 =	vpop (erf)  }
0x196: {  	v6 =	vperm.xlane v5, v1;
	_ =	sdelay $0x1  }
0x197: {  	v6 =	vadd.f32 v5, v6;
	_ =	sdelay $0x1  }
0x198: {  	(erf) = vrcp.f32 v6;
	_ =	sdelay $0x8  }
0x199: {  	v6 =	vpop (erf)  }
0x19a: {  	v5 =	vmul.f32 v6, v5;
	_ =	sdelay $0x1  }
0x19b: {  	s0 =	sadd.s32 @!p0 $0xAF0, s30;
	s8 =	simm.s32 @!p0 $0x68E0;
	[tilespmem:s28+$0x20] =	vst v5  }
0x19c: {  	[tilespmem:s8], [sflag:$0x7] =	stream.indirect.gather @!p0 [hbm4b:s3+s31], $0x1, s0, s31, $0xb8;
	[tilespmem:$0x7280] =	vst v63  }
0x19d: {  	s0 =	sadd.s32 @!p0 $0xB50, s30;
	s8 =	simm.s32 @!p0 $0x6940  }
0x19e: {  	[tilespmem:s8], [sflag:$0x7] =	stream.indirect.gather @!p0 [hbm4b:s3+s1], $0x1, s0, s1, $0xb8;
	[tilespmem:$0x7280] =	vst v63  }
0x19f: {  	_ =	swait.ge [sflag:s24], $0xC8  }
0x1a0: {  	[sflag:s24] =	ssyncset.done $0x0  }
0x1a1: {  	[sflag:s24] =	ssyncadd.s32 $0xFFFFFF38  }
0x1a2: {  	v5 =	vld [tilespmem:$0x69B0]  }
0x1a3: {  	v6 =	vld [tilespmem:$0x69C0]  }
0x1a4: {  	v7 =	vld [tilespmem:$0x69D0]  }
0x1a5: {  	v37 =	vld [tilespmem:$0x69E0]  }
0x1a6: {  	v39 =	vld [tilespmem:$0x69F0]  }
0x1a7: {  	v41 =	vld [tilespmem:$0x6A00]  }
0x1a8: {  	v43 =	vld [tilespmem:$0x6A10]  }
0x1a9: {  	v44 =	vld [tilespmem:$0x6A20]  }
0x1aa: {  	v38 =	vshll.u32 v5, $0x10;
	v5 =	vand.u32 $0xFFFF0000, v5  }
0x1ab: {  	v46 =	vld [tilespmem:$0x6A30];
	v40 =	vshll.u32 v6, $0x10;
	v6 =	vand.u32 $0xFFFF0000, v6;
	v42 =	vshll.u32 v7, $0x10  }
0x1ac: {  	v7 =	vand.u32 $0xFFFF0000, v7;
	v8 =	vand.u32 $0xFFFF0000, v37;
	v45 =	vshll.u32 v39, $0x10  }
0x1ad: {  	v49 =	vld [tilespmem:$0x6A40];
	v10 =	vand.u32 $0xFFFF0000, v39;
	v47 =	vshll.u32 v41, $0x10;
	v48 =	vand.u32 $0xFFFF0000, v41  }
0x1ae: {  	v52 =	vld [tilespmem:$0x6A50];
	v50 =	vshll.u32 v43, $0x10;
	v51 =	vand.u32 $0xFFFF0000, v43;
	v53 =	vshll.u32 v44, $0x10  }
0x1af: {  	v14 =	vand.u32 $0xFFFF0000, v44;
	v9 =	vadd.f32 $0.0e+00, v38;
	v5 =	vadd.f32 $0.0e+00, v5  }
0x1b0: {  	v54 =	vld [tilespmem:$0x6A60];
	v55 =	vshll.u32 v46, $0x10;
	v11 =	vadd.f32 $0.0e+00, v40;
	v6 =	vadd.f32 $0.0e+00, v6  }
0x1b1: {  	v9 =	vadd.f32 v42, v9;
	v5 =	vadd.f32 v7, v5;
	v7 =	vshll.u32 v37, $0x10  }
0x1b2: {  	v57 =	vshll.u32 v49, $0x10;
	v6 =	vadd.f32 v8, v6;
	v7 =	vadd.f32 v7, v11  }
0x1b3: {  	v58 =	vshll.u32 v52, $0x10;
	v8 =	vadd.f32 v45, v9;
	v5 =	vadd.f32 v10, v5  }
0x1b4: {  	v56 =	vld [tilespmem:$0x6A70];
	v59 =	vand.u32 $0xFFFF0000, v52;
	v6 =	vadd.f32 v48, v6;
	v7 =	vadd.f32 v47, v7  }
0x1b5: {  	v60 =	vshll.u32 v54, $0x10;
	v8 =	vadd.f32 v50, v8;
	v5 =	vadd.f32 v51, v5  }
0x1b6: {  	v11 =	vand.u32 $0xFFFF0000, v46;
	v6 =	vadd.f32 v14, v6;
	v7 =	vadd.f32 v53, v7  }
0x1b7: {  	v9 =	vand.u32 $0xFFFF0000, v49;
	v8 =	vadd.f32 v55, v8;
	v5 =	vadd.f32 v11, v5  }
0x1b8: {  	v61 =	vand.u32 $0xFFFF0000, v54;
	v6 =	vadd.f32 v9, v6;
	v7 =	vadd.f32 v57, v7  }
0x1b9: {  	v62 =	vshll.u32 v56, $0x10;
	v8 =	vadd.f32 v58, v8;
	v5 =	vadd.f32 v59, v5  }
0x1ba: {  	v10 =	vand.u32 $0xFFFF0000, v56;
	v6 =	vadd.f32 v61, v6;
	v7 =	vadd.f32 v60, v7  }
0x1bb: {  	v8 =	vadd.f32 v62, v8;
	v5 =	vadd.f32 v10, v5;
	_ =	sdelay $0x1  }
0x1bc: {  	v7 =	vadd.f32 v8, v7;
	v5 =	vadd.f32 v5, v6;
	_ =	sdelay $0x1  }
0x1bd: {  	v6 =	vperm.xlane v7, v1;
	v63 =	vperm.xlane v5, v1;
	_ =	sdelay $0x1  }
0x1be: {  	v6 =	vadd.f32 v7, v6;
	v5 =	vadd.f32 v63, v5;
	_ =	sdelay $0x1  }
0x1bf: {  	v7 =	vperm.xlane v6, v2;
	v8 =	vperm.xlane v5, v2;
	_ =	sdelay $0x1  }
0x1c0: {  	v6 =	vadd.f32 v6, v7;
	v5 =	vadd.f32 v8, v5;
	_ =	sdelay $0x1  }
0x1c1: {  	v7 =	vperm.xlane v6, v3;
	v8 =	vperm.xlane v5, v3;
	_ =	sdelay $0x1  }
0x1c2: {  	v6 =	vadd.f32 v6, v7;
	v5 =	vadd.f32 v8, v5;
	_ =	sdelay $0x1  }
0x1c3: {  	v7 =	vperm.xlane v6, v4;
	v8 =	vperm.xlane v5, v4;
	_ =	sdelay $0x1  }
0x1c4: {  	v6 =	vadd.f32 v6, v7;
	v5 =	vadd.f32 v8, v5;
	_ =	sdelay $0x1  }
0x1c5: {  	v5 =	vsel vm0, v6, v5  }
0x1c6: {  	v5 =	vmul.f32 $1.442695020e+00, v5;
	_ =	sdelay $0x1  }
0x1c7: {  	(erf) = vpow2.f32 v5;
	_ =	sdelay $0x8  }
0x1c8: {  	v5 =	vpop (erf)  }
0x1c9: {  	v6 =	vperm.xlane v5, v1;
	_ =	sdelay $0x1  }
0x1ca: {  	v6 =	vadd.f32 v5, v6;
	_ =	sdelay $0x1  }
0x1cb: {  	(erf) = vrcp.f32 v6;
	_ =	sdelay $0x7  }
.Ltmp2:
0x1cc: {  	_ = 	snop;
	(pc) =	sbr.rel @p0 .LBB2_4-.Ltmp2, $3  }
0x1cd: {  	v6 =	vpop (erf)  }
0x1ce: {  	v5 =	vmul.f32 v6, v5;
	_ =	sdelay $0x1  }
0x1cf: {  	[tilespmem:s28+$0x30] =	vst v5  }
.Ltmp3:
0x1d0: {  	s0 =	sshra.s32 s29, $0x2;
	(pc) =	sbr.rel .LBB2_2-.Ltmp3, $4  }
0x1d1: {  	s1 =	sadd.s32 $0xBB8, s0  }
0x1d2: {  	[tilespmem:s13], [sflag:$0x8] =	stream.indirect.gather [hbm4b:s3+s23], $0x1, s1, s23, $0xb8;
	[tilespmem:$0x7280] =	vst v63  }
0x1d3: {  	s29 =	sadd.s32 $0x1900, s29;
	s28 =	sadd.s32 $0x80, s28;
	s0 =	sadd.s32 $0xC18, s0  }
0x1d4: {  	[tilespmem:s15], [sflag:$0x8] =	stream.indirect.gather [hbm4b:s3+s9], $0x1, s0, s9, $0xb8;
	[tilespmem:$0x7280] =	vst v63  }
.LBB2_5:
0x1d5: {  	_ =	sfence.sel $0x180000  }
0x1d6: {  	[bflag:$0x0] =	sbarrier.arrive $0xFFFF  }
0x1d7: {  	_ =	strace $0x90000047  }
0x1d8: {  	s0 =	stileid.u32;
	[bflag:$0x2] =	sbarrier.arrive $0xFFFF  }
0x1d9: {  	p0 =	sne.s32 s0, $0x0;
	s0 =	rddreg [dreg:$0x1]  }
0x1da: {  	s0 =	sadd.s32 @!p0 $0x100000, s0  }
0x1db: {  	[sflag:s0] =	ssyncadd.tile.s32 @!p0 $0x1;
	_ =	shalt  }
.Lfunc_end2:
_tile_overlayer_lowered:
.L_overlay_start_2:
0x1dc: {  	(tag) =	ssettag $0x2  }
0x1dd: {  	s0 =	rddreg [dreg:$0x0];
	s2 =	stileid.u32  }
0x1de: {  	s1 =	rddreg [dreg:$0x1];
	p0 =	sne.s32 s2, $0x0  }
0x1df: {  	s3 =	rddreg [dreg:$0x2];
	[bflag:$0x3] =	sbarrier.arrive $0xFFFF;
	s2 =	simm.s32 @!p0 $0x1C09  }
0x1e0: {  	[timem:s3], [sflag:s2] =	dma.local @!p0 [hbm:s0], s1  }
0x1e1: {  	s0 =	simm.s32 @!p0 $0x9  }
0x1e2: {  	_ =	swait.ge @!p0 [sflag:s0], s1  }
0x1e3: {  	s1 =	ssub.s32 @!p0 $0x0, s1;
	[sflag:s0] =	ssyncset.done @!p0 $0x0  }
0x1e4: {  	[sflag:s0] =	ssyncadd.s32 @!p0 s1  }
0x1e5: {  	[bflag:$0x3] =	sbarrier.arrive $0xFFFF  }
0x1e6: {  	_ =	shalt  }

</sc_bundles>
